<compile_context>
chip_gen: v7x
topology: tpu7x:2x2x1
jax: 0.10.2.dev20260603
libtpu: 0.0.44.dev20260713+nightly
codegen_flags: <defaults>
</compile_context>

<pallas_src>
import functools

import jax
import jax.numpy as jnp
from jax import lax
from jax.experimental import pallas as pl
from jax.experimental.pallas import tpu as pltpu
from jax.experimental.pallas import tpu_sc as plsc

N, E, D, H, G = 10000, 320000, 128, 64, 256
NC, NS, LANES = 2, 16, 16
NW = NC * NS
CH = 112
NCH = 90
EPT = NCH * CH
LOOK = 4
R = 10016
RPT = R // NS
BN = 2000
NB = N // BN


def _make_agg(d, nbuf):
    mesh = plsc.VectorSubcoreMesh(
        core_axis_name="c", subcore_axis_name="s", num_cores=NC, num_subcores=NS
    )
    look = min(LOOK, nbuf - 1)

    @functools.partial(
        pl.kernel,
        out_type=jax.ShapeDtypeStruct((NC, R, d), jnp.float32),
        mesh=mesh,
        compiler_params=pltpu.CompilerParams(use_tc_tiling_on_sc=False),
        scratch_types=[
            pltpu.VMEM((NCH, CH), jnp.int32),
            pltpu.VMEM((NCH, CH), jnp.int32),
            pltpu.VMEM_SHARED((R, d), jnp.float32),
        ]
        + [pltpu.VMEM((CH, d), jnp.float32)] * nbuf
        + [pltpu.SemaphoreType.DMA] * (2 * nbuf),
    )
    def agg(table, src_idx, dst_idx, out, src_v, dst_v, acc, *ring):
        bufs = ring[:nbuf]
        gsem = ring[nbuf:2 * nbuf]
        ssem = ring[2 * nbuf:]
        c = lax.axis_index("c")
        s = lax.axis_index("s")
        wid = s * NC + c

        pltpu.sync_copy(src_idx.at[wid], src_v)
        pltpu.sync_copy(dst_idx.at[wid], dst_v)

        zero = jnp.zeros((LANES,), jnp.float32)

        def _zrow(i, _):
            def _zcol(j, __):
                bufs[0][i, pl.ds(j * LANES, LANES)] = zero
                return 0

            return lax.fori_loop(0, d // LANES, _zcol, 0)

        lax.fori_loop(0, CH, _zrow, 0)

        def _zcopy(k, _):
            pltpu.sync_copy(bufs[0], acc.at[pl.ds(s * RPT + k * CH, CH)])
            return 0

        lax.fori_loop(0, RPT // CH, _zcopy, 0)
        rem = RPT % CH
        if rem:
            pltpu.sync_copy(
                bufs[0].at[pl.ds(0, rem)],
                acc.at[pl.ds(s * RPT + (RPT // CH) * CH, rem)],
            )
        plsc.subcore_barrier()

        for b in range(look):
            pltpu.async_copy(table.at[src_v.at[b]], bufs[b], gsem[b])

        def _turns(j, _):
            for b in range(nbuf):
                jj = j * nbuf + b
                pltpu.make_async_copy(table.at[src_v.at[jj]], bufs[b], gsem[b]).wait()
                pltpu.async_copy(bufs[b], acc.at[dst_v.at[jj]], ssem[b], add=True)
                bf = (b + look) % nbuf

                @pl.when(jj >= nbuf - look)
                def _():
                    pltpu.make_async_copy(
                        bufs[bf], acc.at[dst_v.at[jj]], ssem[bf]
                    ).wait()

                @pl.when(jj + look < NCH)
                def _():
                    pltpu.async_copy(table.at[src_v.at[jj + look]], bufs[bf], gsem[bf])

            return 0

        tail = NCH % nbuf
        nchl = NCH - tail
        lax.fori_loop(0, nchl // nbuf, _turns, 0)
        for jj in range(nchl, NCH):
            b = jj % nbuf
            pltpu.make_async_copy(table.at[src_v.at[jj]], bufs[b], gsem[b]).wait()
            pltpu.async_copy(bufs[b], acc.at[dst_v.at[jj]], ssem[b], add=True)
        for jj in range(nchl - (nbuf - look), NCH):
            b = jj % nbuf
            pltpu.make_async_copy(bufs[b], acc.at[dst_v.at[0]], ssem[b]).wait()
        plsc.subcore_barrier()
        pltpu.sync_copy(acc.at[pl.ds(s * RPT, RPT)], out.at[c, pl.ds(s * RPT, RPT)])

    return agg


def _mlp(z, W1, b1, W2, b2):
    h = jnp.maximum(jnp.dot(z, W1, preferred_element_type=jnp.float32) + b1, 0.0)
    return jnp.maximum(jnp.dot(h, W2, preferred_element_type=jnp.float32) + b2, 0.0)


def _make_layer(din):

    def body(eps_ref, h_ref, pa_ref, pb_ref, W1_ref, b1_ref, W2_ref, b2_ref, o_ref):
        z = (1.0 + eps_ref[0]) * h_ref[...] + pa_ref[0] + pb_ref[0]
        o_ref[...] = _mlp(z, W1_ref[...], b1_ref[...], W2_ref[...], b2_ref[...])

    return pl.pallas_call(
        body,
        grid=(NB,),
        in_specs=[
            pl.BlockSpec(memory_space=pltpu.SMEM),
            pl.BlockSpec((BN, din), lambda i: (i, 0)),
            pl.BlockSpec((1, BN, din), lambda i: (0, i, 0)),
            pl.BlockSpec((1, BN, din), lambda i: (1, i, 0)),
            pl.BlockSpec((din, H), lambda i: (0, 0)),
            pl.BlockSpec((1, H), lambda i: (0, 0)),
            pl.BlockSpec((H, H), lambda i: (0, 0)),
            pl.BlockSpec((1, H), lambda i: (0, 0)),
        ],
        out_specs=pl.BlockSpec((BN, H), lambda i: (i, 0)),
        out_shape=jax.ShapeDtypeStruct((N, H), jnp.float32),
    )


def _pool_body(eps_ref, br2_ref, h_ref, pa_ref, pb_ref, W1_ref, b1_ref, W2_ref,
               b2_ref, batch_ref, Wr1_ref, br1_ref, Wr2_ref,
               sums_ref, cnt_ref, out_ref):
    i = pl.program_id(0)
    z = (1.0 + eps_ref[0]) * h_ref[...] + pa_ref[0] + pb_ref[0]
    h3 = _mlp(z, W1_ref[...], b1_ref[...], W2_ref[...], b2_ref[...])
    ids = batch_ref[0, 0, :]
    onehotT = (lax.broadcasted_iota(jnp.int32, (G, BN), 0) == ids[None, :]).astype(
        jnp.float32
    )
    ps = jnp.dot(onehotT, h3, preferred_element_type=jnp.float32)
    pc = jnp.dot(onehotT, jnp.ones((BN, H), jnp.float32),
                 preferred_element_type=jnp.float32)

    @pl.when(i == 0)
    def _():
        sums_ref[...] = jnp.zeros_like(sums_ref)
        cnt_ref[...] = jnp.zeros_like(cnt_ref)

    sums_ref[...] += ps
    cnt_ref[...] += pc

    @pl.when(i == NB - 1)
    def _():
        gr = sums_ref[...] / jnp.maximum(cnt_ref[...], 1.0)
        r = jnp.maximum(
            jnp.dot(gr, Wr1_ref[...], preferred_element_type=jnp.float32)
            + br1_ref[...],
            0.0,
        )
        out_ref[...] = (
            jnp.dot(r, Wr2_ref[...], preferred_element_type=jnp.float32) + br2_ref[0]
        )


def _make_pool():
    return pl.pallas_call(
        _pool_body,
        grid=(NB,),
        in_specs=[
            pl.BlockSpec(memory_space=pltpu.SMEM),
            pl.BlockSpec(memory_space=pltpu.SMEM),
            pl.BlockSpec((BN, H), lambda i: (i, 0)),
            pl.BlockSpec((1, BN, H), lambda i: (0, i, 0)),
            pl.BlockSpec((1, BN, H), lambda i: (1, i, 0)),
            pl.BlockSpec((H, H), lambda i: (0, 0)),
            pl.BlockSpec((1, H), lambda i: (0, 0)),
            pl.BlockSpec((H, H), lambda i: (0, 0)),
            pl.BlockSpec((1, H), lambda i: (0, 0)),
            pl.BlockSpec((1, 1, BN), lambda i: (i, 0, 0)),
            pl.BlockSpec((H, H), lambda i: (0, 0)),
            pl.BlockSpec((1, H), lambda i: (0, 0)),
            pl.BlockSpec((H, 1), lambda i: (0, 0)),
        ],
        out_specs=[
            pl.BlockSpec((G, H), lambda i: (0, 0)),
            pl.BlockSpec((G, H), lambda i: (0, 0)),
            pl.BlockSpec((G, 1), lambda i: (0, 0)),
        ],
        out_shape=[
            jax.ShapeDtypeStruct((G, H), jnp.float32),
            jax.ShapeDtypeStruct((G, H), jnp.float32),
            jax.ShapeDtypeStruct((G, 1), jnp.float32),
        ],
    )


def kernel(x, edge_index, batch, W1_0, b1_0, W2_0, b2_0, eps_0, W1_1, b1_1,
           W2_1, b2_1, eps_1, W1_2, b1_2, W2_2, b2_2, eps_2, Wr1, br1, Wr2, br2):
    src, dst = edge_index[0], edge_index[1]
    pad = NW * EPT - E
    pad_dst = N + (jnp.arange(pad, dtype=jnp.int32) % (R - N))
    pad_src = jnp.arange(pad, dtype=jnp.int32) % N
    src_p = jnp.concatenate([src, pad_src]).reshape(NW, NCH, CH)
    dst_p = jnp.concatenate([dst, pad_dst]).reshape(NW, NCH, CH)
    batch_r = batch.reshape(NB, 1, BN)

    agg_wide = _make_agg(D, 2)
    agg_narrow = _make_agg(H, 9)
    layer0 = _make_layer(D)
    layer1 = _make_layer(H)
    pool = _make_pool()

    p0 = agg_wide(x, src_p, dst_p)
    h1 = layer0(eps_0.reshape(1), x, p0, p0, W1_0, b1_0.reshape(1, H), W2_0,
                b2_0.reshape(1, H))
    p1 = agg_narrow(h1, src_p, dst_p)
    h2 = layer1(eps_1.reshape(1), h1, p1, p1, W1_1, b1_1.reshape(1, H), W2_1,
                b2_1.reshape(1, H))
    p2 = agg_narrow(h2, src_p, dst_p)
    _, _, out = pool(eps_2.reshape(1), br2.reshape(1), h2, p2, p2, W1_2,
                     b1_2.reshape(1, H), W2_2, b2_2.reshape(1, H), batch_r,
                     Wr1, br1.reshape(1, H), Wr2)
    return out.reshape(G)

# --- scband reference (transcript-rebuilt; emitter-appended) ---
"""Pipeline reference for scband-ginpredictor-5214090297801 (READ-ONLY COPY).

The authoritative reference and input builder live on the scoring server;
editing this copy changes nothing except your own understanding.
"""

import jax, jax.numpy as jnp
import numpy as np

N, E, D, H, G, L = 10000, 320000, 128, 64, 256, 3


def setup_inputs(seed: int = 0) -> dict:
    key = jax.random.key(seed)
    ks = jax.random.split(key, 32)
    inp = {}
    inp["x"] = jax.random.normal(ks[0], (N, D), dtype=jnp.float32)
    inp["edge_index"] = jax.random.randint(ks[1], (2, E), 0, N, dtype=jnp.int32)
    inp["batch"] = jnp.sort(jax.random.randint(ks[2], (N,), 0, G, dtype=jnp.int32))
    in_dim = D
    for l in range(L):
        s1 = 1.0 / np.sqrt(in_dim)
        s2 = 1.0 / np.sqrt(H)
        inp[f"W1_{l}"] = jax.random.uniform(ks[3 + 4 * l], (in_dim, H), minval=-s1, maxval=s1, dtype=jnp.float32)
        inp[f"b1_{l}"] = jax.random.uniform(ks[4 + 4 * l], (H,), minval=-s1, maxval=s1, dtype=jnp.float32)
        inp[f"W2_{l}"] = jax.random.uniform(ks[5 + 4 * l], (H, H), minval=-s2, maxval=s2, dtype=jnp.float32)
        inp[f"b2_{l}"] = jax.random.uniform(ks[6 + 4 * l], (H,), minval=-s2, maxval=s2, dtype=jnp.float32)
        inp[f"eps_{l}"] = jnp.zeros((), dtype=jnp.float32)
        in_dim = H
    sr = 1.0 / np.sqrt(H)
    inp["Wr1"] = jax.random.uniform(ks[20], (H, H), minval=-sr, maxval=sr, dtype=jnp.float32)
    inp["br1"] = jax.random.uniform(ks[21], (H,), minval=-sr, maxval=sr, dtype=jnp.float32)
    inp["Wr2"] = jax.random.uniform(ks[22], (H, 1), minval=-sr, maxval=sr, dtype=jnp.float32)
    inp["br2"] = jax.random.uniform(ks[23], (1,), minval=-sr, maxval=sr, dtype=jnp.float32)
    return inp


def _forward(x, params, edge_index, batch):
    src, dst = edge_index[0], edge_index[1]
    h = x
    for l in range(L):
        W1, b1, W2, b2, eps = params[5 * l:5 * l + 5]
        # GINConv: MLP((1+eps)*h + sum_{j->i} h_j), then outer ReLU
        agg = jax.ops.segment_sum(h[src], dst, num_segments=h.shape[0])
        z = (1.0 + eps) * h + agg
        z = jnp.maximum(z @ W1 + b1, 0.0) @ W2 + b2
        h = jnp.maximum(z, 0.0)
    Wr1, br1, Wr2, br2 = params[5 * L:5 * L + 4]
    # global_mean_pool over graph ids
    sums = jax.ops.segment_sum(h, batch, num_segments=G)
    counts = jax.ops.segment_sum(jnp.ones((h.shape[0],), dtype=h.dtype), batch, num_segments=G)
    gr = sums / jnp.clip(counts, 1.0)[:, None]
    # readout MLP (dropout = identity in eval mode)
    r = jnp.maximum(gr @ Wr1 + br1, 0.0)
    out = (r @ Wr2 + br2).squeeze(-1)
    return out


def reference(x, edge_index, batch, W1_0, b1_0, W2_0, b2_0, eps_0, W1_1, b1_1, W2_1, b2_1, eps_1, W1_2, b1_2, W2_2, b2_2, eps_2, Wr1, br1, Wr2, br2):
    params = (W1_0, b1_0, W2_0, b2_0, eps_0,
              W1_1, b1_1, W2_1, b2_1, eps_1,
              W1_2, b1_2, W2_2, b2_2, eps_2,
              Wr1, br1, Wr2, br2)
    return _forward(x, params, edge_index, batch)

if __name__ == "__main__":
    import jax
    _d = setup_inputs()
    print(jax.jit(kernel)(*tuple(_d.values())))

</pallas_src>

<mosaic_0001>
#map = affine_map<(d0, d1) -> (0, 0)>
#map1 = affine_map<(d0, d1) -> (0, 0, 0)>
module attributes {stable_mosaic.version = 14 : i64} {
  func.func @agg(%arg0: i32, %arg1: i32, %arg2: memref<10000x64xf32, #tpu.memory_space<hbm>>, %arg3: memref<32x90x112xi32, #tpu.memory_space<hbm>>, %arg4: memref<32x90x112xi32, #tpu.memory_space<hbm>>, %arg5: memref<2x10016x64xf32, #tpu.memory_space<hbm>>, %arg6: memref<90x112xi32, #tpu.memory_space<vmem>>, %arg7: memref<90x112xi32, #tpu.memory_space<vmem>>, %arg8: memref<10016x64xf32, #tpu.memory_space<vmem_shared>>, %arg9: memref<112x64xf32, #tpu.memory_space<vmem>>, %arg10: memref<112x64xf32, #tpu.memory_space<vmem>>, %arg11: memref<112x64xf32, #tpu.memory_space<vmem>>, %arg12: memref<112x64xf32, #tpu.memory_space<vmem>>, %arg13: memref<112x64xf32, #tpu.memory_space<vmem>>, %arg14: memref<112x64xf32, #tpu.memory_space<vmem>>, %arg15: memref<112x64xf32, #tpu.memory_space<vmem>>, %arg16: memref<112x64xf32, #tpu.memory_space<vmem>>, %arg17: memref<112x64xf32, #tpu.memory_space<vmem>>, %arg18: memref<!tpu.dma_semaphore, #tpu.memory_space<semaphore_mem>>, %arg19: memref<!tpu.dma_semaphore, #tpu.memory_space<semaphore_mem>>, %arg20: memref<!tpu.dma_semaphore, #tpu.memory_space<semaphore_mem>>, %arg21: memref<!tpu.dma_semaphore, #tpu.memory_space<semaphore_mem>>, %arg22: memref<!tpu.dma_semaphore, #tpu.memory_space<semaphore_mem>>, %arg23: memref<!tpu.dma_semaphore, #tpu.memory_space<semaphore_mem>>, %arg24: memref<!tpu.dma_semaphore, #tpu.memory_space<semaphore_mem>>, %arg25: memref<!tpu.dma_semaphore, #tpu.memory_space<semaphore_mem>>, %arg26: memref<!tpu.dma_semaphore, #tpu.memory_space<semaphore_mem>>, %arg27: memref<!tpu.dma_semaphore, #tpu.memory_space<semaphore_mem>>, %arg28: memref<!tpu.dma_semaphore, #tpu.memory_space<semaphore_mem>>, %arg29: memref<!tpu.dma_semaphore, #tpu.memory_space<semaphore_mem>>, %arg30: memref<!tpu.dma_semaphore, #tpu.memory_space<semaphore_mem>>, %arg31: memref<!tpu.dma_semaphore, #tpu.memory_space<semaphore_mem>>, %arg32: memref<!tpu.dma_semaphore, #tpu.memory_space<semaphore_mem>>, %arg33: memref<!tpu.dma_semaphore, #tpu.memory_space<semaphore_mem>>, %arg34: memref<!tpu.dma_semaphore, #tpu.memory_space<semaphore_mem>>, %arg35: memref<!tpu.dma_semaphore, #tpu.memory_space<semaphore_mem>>) attributes {dimension_semantics = [#tpu.dimension_semantics<core_parallel>, #tpu.dimension_semantics<subcore_parallel>], iteration_bounds = array<i64: 2, 16>, scalar_prefetch = 0 : i64, scratch_operands = 30 : i64, tpu.core_type = #tpu.core_type<sc_vector_subcore>, window_params = [{transform_indices = #map}, {transform_indices = #map1}, {transform_indices = #map1}, {transform_indices = #map1}]} {
    %mul3A = arith.constant 2 : i32
    %mul3A_0 = arith.muli %arg1, %mul3A : i32
    %add3A = arith.addi %mul3A_0, %arg0 : i32
    "tpu.region"() ({
      %run_scoped3A = tpu.sem_alloc : memref<!tpu.dma_semaphore, #tpu.memory_space<semaphore_mem>>
      %dma_start3A_92 = arith.constant 0 : i32
      %dma_start3A_93 = arith.constant 0 : i32
      %dma_start3A_94 = tpu.memref_slice %arg3[%add3A, %dma_start3A_92, %dma_start3A_93] : memref<32x90x112xi32, #tpu.memory_space<hbm>> -> memref<1x90x112xi32, #tpu.memory_space<hbm>>
      %dma_start3A_95 = tpu.memref_squeeze %dma_start3A_94 : memref<1x90x112xi32, #tpu.memory_space<hbm>> -> memref<90x112xi32, #tpu.memory_space<hbm>>
      %dma_start3A_96 = arith.constant 0 : i32
      %dma_start3A_97 = arith.constant 0 : i32
      %dma_start3A_98 = tpu.memref_slice %arg3[%add3A, %dma_start3A_96, %dma_start3A_97] : memref<32x90x112xi32, #tpu.memory_space<hbm>> -> memref<1x90x112xi32, #tpu.memory_space<hbm>>
      %dma_start3A_99 = tpu.memref_squeeze %dma_start3A_98 : memref<1x90x112xi32, #tpu.memory_space<hbm>> -> memref<90x112xi32, #tpu.memory_space<hbm>>
      tpu.enqueue_dma source(%dma_start3A_99 : memref<90x112xi32, #tpu.memory_space<hbm>>) target(%arg6 : memref<90x112xi32, #tpu.memory_space<vmem>>) target_semaphore(%run_scoped3A : memref<!tpu.dma_semaphore, #tpu.memory_space<semaphore_mem>>)
      %dma_wait3A_100 = arith.constant 0 : i32
      %dma_wait3A_101 = arith.constant 0 : i32
      %dma_wait3A_102 = tpu.memref_slice %arg3[%add3A, %dma_wait3A_100, %dma_wait3A_101] : memref<32x90x112xi32, #tpu.memory_space<hbm>> -> memref<1x90x112xi32, #tpu.memory_space<hbm>>
      %dma_wait3A_103 = tpu.memref_squeeze %dma_wait3A_102 : memref<1x90x112xi32, #tpu.memory_space<hbm>> -> memref<90x112xi32, #tpu.memory_space<hbm>>
      %dma_wait3A_104 = arith.constant 0 : i32
      %dma_wait3A_105 = arith.constant 0 : i32
      %dma_wait3A_106 = tpu.memref_slice %arg3[%add3A, %dma_wait3A_104, %dma_wait3A_105] : memref<32x90x112xi32, #tpu.memory_space<hbm>> -> memref<1x90x112xi32, #tpu.memory_space<hbm>>
      %dma_wait3A_107 = tpu.memref_squeeze %dma_wait3A_106 : memref<1x90x112xi32, #tpu.memory_space<hbm>> -> memref<90x112xi32, #tpu.memory_space<hbm>>
      tpu.wait_dma2 semaphore(%run_scoped3A : memref<!tpu.dma_semaphore, #tpu.memory_space<semaphore_mem>>) src(%dma_wait3A_107 : memref<90x112xi32, #tpu.memory_space<hbm>>) dst(%arg6 : memref<90x112xi32, #tpu.memory_space<vmem>>)
      tpu.yield
    }) : () -> ()
    "tpu.region"() ({
      %run_scoped3A = tpu.sem_alloc : memref<!tpu.dma_semaphore, #tpu.memory_space<semaphore_mem>>
      %dma_start3A_92 = arith.constant 0 : i32
      %dma_start3A_93 = arith.constant 0 : i32
      %dma_start3A_94 = tpu.memref_slice %arg4[%add3A, %dma_start3A_92, %dma_start3A_93] : memref<32x90x112xi32, #tpu.memory_space<hbm>> -> memref<1x90x112xi32, #tpu.memory_space<hbm>>
      %dma_start3A_95 = tpu.memref_squeeze %dma_start3A_94 : memref<1x90x112xi32, #tpu.memory_space<hbm>> -> memref<90x112xi32, #tpu.memory_space<hbm>>
      %dma_start3A_96 = arith.constant 0 : i32
      %dma_start3A_97 = arith.constant 0 : i32
      %dma_start3A_98 = tpu.memref_slice %arg4[%add3A, %dma_start3A_96, %dma_start3A_97] : memref<32x90x112xi32, #tpu.memory_space<hbm>> -> memref<1x90x112xi32, #tpu.memory_space<hbm>>
      %dma_start3A_99 = tpu.memref_squeeze %dma_start3A_98 : memref<1x90x112xi32, #tpu.memory_space<hbm>> -> memref<90x112xi32, #tpu.memory_space<hbm>>
      tpu.enqueue_dma source(%dma_start3A_99 : memref<90x112xi32, #tpu.memory_space<hbm>>) target(%arg7 : memref<90x112xi32, #tpu.memory_space<vmem>>) target_semaphore(%run_scoped3A : memref<!tpu.dma_semaphore, #tpu.memory_space<semaphore_mem>>)
      %dma_wait3A_100 = arith.constant 0 : i32
      %dma_wait3A_101 = arith.constant 0 : i32
      %dma_wait3A_102 = tpu.memref_slice %arg4[%add3A, %dma_wait3A_100, %dma_wait3A_101] : memref<32x90x112xi32, #tpu.memory_space<hbm>> -> memref<1x90x112xi32, #tpu.memory_space<hbm>>
      %dma_wait3A_103 = tpu.memref_squeeze %dma_wait3A_102 : memref<1x90x112xi32, #tpu.memory_space<hbm>> -> memref<90x112xi32, #tpu.memory_space<hbm>>
      %dma_wait3A_104 = arith.constant 0 : i32
      %dma_wait3A_105 = arith.constant 0 : i32
      %dma_wait3A_106 = tpu.memref_slice %arg4[%add3A, %dma_wait3A_104, %dma_wait3A_105] : memref<32x90x112xi32, #tpu.memory_space<hbm>> -> memref<1x90x112xi32, #tpu.memory_space<hbm>>
      %dma_wait3A_107 = tpu.memref_squeeze %dma_wait3A_106 : memref<1x90x112xi32, #tpu.memory_space<hbm>> -> memref<90x112xi32, #tpu.memory_space<hbm>>
      tpu.wait_dma2 semaphore(%run_scoped3A : memref<!tpu.dma_semaphore, #tpu.memory_space<semaphore_mem>>) src(%dma_wait3A_107 : memref<90x112xi32, #tpu.memory_space<hbm>>) dst(%arg7 : memref<90x112xi32, #tpu.memory_space<vmem>>)
      tpu.yield
    }) : () -> ()
    %broadcast_in_dim3A = arith.constant 0.000000e+00 : f32
    %broadcast_in_dim3A_1 = vector.broadcast %broadcast_in_dim3A : f32 to vector<16xf32>
    %scan3A = arith.constant 0 : i32
    %scan3A_2 = arith.constant 0 : i32
    %scan3A_3 = arith.constant 112 : i32
    %scan3A_4 = arith.addi %scan3A_2, %scan3A_3 : i32
    %scan3A_5 = arith.constant 1 : i32
    %scan3A_6 = scf.for %scan3A_92 = %scan3A_2 to %scan3A_4 step %scan3A_5 iter_args(%scan3A_93 = %scan3A) -> (i32)  : i32 {
      %scan3A_94 = arith.constant 0 : i32
      %scan3A_95 = arith.constant 0 : i32
      %scan3A_96 = arith.constant 4 : i32
      %scan3A_97 = arith.addi %scan3A_95, %scan3A_96 : i32
      %scan3A_98 = arith.constant 1 : i32
      %scan3A_99 = scf.for %scan3A_101 = %scan3A_95 to %scan3A_97 step %scan3A_98 iter_args(%scan3A_102 = %scan3A_94) -> (i32)  : i32 {
        %mul3A_103 = arith.constant 16 : i32
        %mul3A_104 = arith.muli %scan3A_101, %mul3A_103 : i32
        %swap3A = arith.index_cast %scan3A_92 : i32 to index
        %swap3A_105 = arith.index_cast %mul3A_104 : i32 to index
        %swap3A_106 = tpu.vector_load %arg9[%swap3A, %swap3A_105] {strides = array<i32>} : memref<112x64xf32, #tpu.memory_space<vmem>>, vector<1x16xf32>,
        %swap3A_107 = vector.shape_cast %swap3A_106 : vector<1x16xf32> to vector<16xf32>
        %swap3A_108 = vector.shape_cast %broadcast_in_dim3A_1 : vector<16xf32> to vector<1x16xf32>
        tpu.vector_store %arg9[%swap3A, %swap3A_105], %swap3A_108 {strides = array<i32>} : memref<112x64xf32, #tpu.memory_space<vmem>>, vector<1x16xf32>,
        %scan3A_109 = arith.constant 0 : i32
        scf.yield %scan3A_109 : i32
      }
      %scan3A_100 = arith.constant 4 : i32
      scf.yield %scan3A_99 : i32
    }
    %scan3A_7 = arith.constant 112 : i32
    %scan3A_8 = arith.constant 0 : i32
    %scan3A_9 = arith.constant 0 : i32
    %scan3A_10 = arith.constant 5 : i32
    %scan3A_11 = arith.addi %scan3A_9, %scan3A_10 : i32
    %scan3A_12 = arith.constant 1 : i32
    %scan3A_13 = scf.for %scan3A_92 = %scan3A_9 to %scan3A_11 step %scan3A_12 iter_args(%scan3A_93 = %scan3A_8) -> (i32)  : i32 {
      %mul3A_94 = arith.constant 626 : i32
      %mul3A_95 = arith.muli %arg1, %mul3A_94 : i32
      %mul3A_96 = arith.constant 112 : i32
      %mul3A_97 = arith.muli %scan3A_92, %mul3A_96 : i32
      %add3A_98 = arith.addi %mul3A_95, %mul3A_97 : i32
      "tpu.region"() ({
        %run_scoped3A = tpu.sem_alloc : memref<!tpu.dma_semaphore, #tpu.memory_space<semaphore_mem>>
        %dma_start3A_100 = arith.constant 0 : i32
        %dma_start3A_101 = tpu.memref_slice %arg8[%add3A_98, %dma_start3A_100] : memref<10016x64xf32, #tpu.memory_space<vmem_shared>> -> memref<112x64xf32, #tpu.memory_space<vmem_shared>>
        %dma_start3A_102 = arith.constant 0 : i32
        %dma_start3A_103 = tpu.memref_slice %arg8[%add3A_98, %dma_start3A_102] : memref<10016x64xf32, #tpu.memory_space<vmem_shared>> -> memref<112x64xf32, #tpu.memory_space<vmem_shared>>
        tpu.enqueue_dma source(%arg9 : memref<112x64xf32, #tpu.memory_space<vmem>>) target(%dma_start3A_103 : memref<112x64xf32, #tpu.memory_space<vmem_shared>>) target_semaphore(%run_scoped3A : memref<!tpu.dma_semaphore, #tpu.memory_space<semaphore_mem>>)
        %dma_wait3A_104 = arith.constant 0 : i32
        %dma_wait3A_105 = tpu.memref_slice %arg8[%add3A_98, %dma_wait3A_104] : memref<10016x64xf32, #tpu.memory_space<vmem_shared>> -> memref<112x64xf32, #tpu.memory_space<vmem_shared>>
        %dma_wait3A_106 = arith.constant 0 : i32
        %dma_wait3A_107 = tpu.memref_slice %arg8[%add3A_98, %dma_wait3A_106] : memref<10016x64xf32, #tpu.memory_space<vmem_shared>> -> memref<112x64xf32, #tpu.memory_space<vmem_shared>>
        tpu.wait_dma2 semaphore(%run_scoped3A : memref<!tpu.dma_semaphore, #tpu.memory_space<semaphore_mem>>) src(%arg9 : memref<112x64xf32, #tpu.memory_space<vmem>>) dst(%dma_wait3A_107 : memref<112x64xf32, #tpu.memory_space<vmem_shared>>)
        tpu.yield
      }) : () -> ()
      %scan3A_99 = arith.constant 0 : i32
      scf.yield %scan3A_99 : i32
    }
    %scan3A_14 = arith.constant 5 : i32
    %mul3A_15 = arith.constant 626 : i32
    %mul3A_16 = arith.muli %arg1, %mul3A_15 : i32
    %add3A_17 = arith.constant 560 : i32
    %add3A_18 = arith.addi %mul3A_16, %add3A_17 : i32
    "tpu.region"() ({
      %run_scoped3A = tpu.sem_alloc : memref<!tpu.dma_semaphore, #tpu.memory_space<semaphore_mem>>
      %dma_start3A_92 = arith.constant 0 : i32
      %dma_start3A_93 = arith.constant 0 : i32
      %dma_start3A_94 = tpu.memref_slice %arg9[%dma_start3A_92, %dma_start3A_93] : memref<112x64xf32, #tpu.memory_space<vmem>> -> memref<66x64xf32, #tpu.memory_space<vmem>>
      %dma_start3A_95 = arith.constant 0 : i32
      %dma_start3A_96 = tpu.memref_slice %arg8[%add3A_18, %dma_start3A_95] : memref<10016x64xf32, #tpu.memory_space<vmem_shared>> -> memref<66x64xf32, #tpu.memory_space<vmem_shared>>
      %dma_start3A_97 = arith.constant 0 : i32
      %dma_start3A_98 = tpu.memref_slice %arg8[%add3A_18, %dma_start3A_97] : memref<10016x64xf32, #tpu.memory_space<vmem_shared>> -> memref<66x64xf32, #tpu.memory_space<vmem_shared>>
      %dma_start3A_99 = arith.constant 0 : i32
      %dma_start3A_100 = arith.constant 0 : i32
      %dma_start3A_101 = tpu.memref_slice %arg9[%dma_start3A_99, %dma_start3A_100] : memref<112x64xf32, #tpu.memory_space<vmem>> -> memref<66x64xf32, #tpu.memory_space<vmem>>
      tpu.enqueue_dma source(%dma_start3A_101 : memref<66x64xf32, #tpu.memory_space<vmem>>) target(%dma_start3A_98 : memref<66x64xf32, #tpu.memory_space<vmem_shared>>) target_semaphore(%run_scoped3A : memref<!tpu.dma_semaphore, #tpu.memory_space<semaphore_mem>>)
      %dma_wait3A_102 = arith.constant 0 : i32
      %dma_wait3A_103 = arith.constant 0 : i32
      %dma_wait3A_104 = tpu.memref_slice %arg9[%dma_wait3A_102, %dma_wait3A_103] : memref<112x64xf32, #tpu.memory_space<vmem>> -> memref<66x64xf32, #tpu.memory_space<vmem>>
      %dma_wait3A_105 = arith.constant 0 : i32
      %dma_wait3A_106 = tpu.memref_slice %arg8[%add3A_18, %dma_wait3A_105] : memref<10016x64xf32, #tpu.memory_space<vmem_shared>> -> memref<66x64xf32, #tpu.memory_space<vmem_shared>>
      %dma_wait3A_107 = arith.constant 0 : i32
      %dma_wait3A_108 = tpu.memref_slice %arg8[%add3A_18, %dma_wait3A_107] : memref<10016x64xf32, #tpu.memory_space<vmem_shared>> -> memref<66x64xf32, #tpu.memory_space<vmem_shared>>
      %dma_wait3A_109 = arith.constant 0 : i32
      %dma_wait3A_110 = arith.constant 0 : i32
      %dma_wait3A_111 = tpu.memref_slice %arg9[%dma_wait3A_109, %dma_wait3A_110] : memref<112x64xf32, #tpu.memory_space<vmem>> -> memref<66x64xf32, #tpu.memory_space<vmem>>
      tpu.wait_dma2 semaphore(%run_scoped3A : memref<!tpu.dma_semaphore, #tpu.memory_space<semaphore_mem>>) src(%dma_wait3A_111 : memref<66x64xf32, #tpu.memory_space<vmem>>) dst(%dma_wait3A_108 : memref<66x64xf32, #tpu.memory_space<vmem_shared>>)
      tpu.yield
    }) : () -> ()
    %barrier3A = arith.constant 0 : index
    tpu.barrier barrier_id(%barrier3A)
    %dma_start3A = arith.constant 0 : i32
    %dma_start3A_19 = arith.constant 0 : i32
    %dma_start3A_20 = tpu.memref_slice %arg6[%dma_start3A, %dma_start3A_19] : memref<90x112xi32, #tpu.memory_space<vmem>> -> memref<1x112xi32, #tpu.memory_space<vmem>>
    %dma_start3A_21 = tpu.memref_squeeze %dma_start3A_20 : memref<1x112xi32, #tpu.memory_space<vmem>> -> memref<112xi32, #tpu.memory_space<vmem>>
    %dma_start3A_22 = arith.constant 0 : i32
    %dma_start3A_23 = arith.constant 0 : i32
    %dma_start3A_24 = tpu.memref_slice %arg2[%dma_start3A_22, %dma_start3A_23] : memref<10000x64xf32, #tpu.memory_space<hbm>> -> memref<10000x64xf32, #tpu.memory_space<hbm>>
    tpu.enqueue_indirect_dma source(%dma_start3A_24 : memref<10000x64xf32, #tpu.memory_space<hbm>>) target(%arg9 : memref<112x64xf32, #tpu.memory_space<vmem>>) offsets(%dma_start3A_21 : memref<112xi32, #tpu.memory_space<vmem>>) semaphore(%arg18 : memref<!tpu.dma_semaphore, #tpu.memory_space<semaphore_mem>>)
    %dma_start3A_25 = arith.constant 1 : i32
    %dma_start3A_26 = arith.constant 0 : i32
    %dma_start3A_27 = tpu.memref_slice %arg6[%dma_start3A_25, %dma_start3A_26] : memref<90x112xi32, #tpu.memory_space<vmem>> -> memref<1x112xi32, #tpu.memory_space<vmem>>
    %dma_start3A_28 = tpu.memref_squeeze %dma_start3A_27 : memref<1x112xi32, #tpu.memory_space<vmem>> -> memref<112xi32, #tpu.memory_space<vmem>>
    %dma_start3A_29 = arith.constant 0 : i32
    %dma_start3A_30 = arith.constant 0 : i32
    %dma_start3A_31 = tpu.memref_slice %arg2[%dma_start3A_29, %dma_start3A_30] : memref<10000x64xf32, #tpu.memory_space<hbm>> -> memref<10000x64xf32, #tpu.memory_space<hbm>>
    tpu.enqueue_indirect_dma source(%dma_start3A_31 : memref<10000x64xf32, #tpu.memory_space<hbm>>) target(%arg10 : memref<112x64xf32, #tpu.memory_space<vmem>>) offsets(%dma_start3A_28 : memref<112xi32, #tpu.memory_space<vmem>>) semaphore(%arg19 : memref<!tpu.dma_semaphore, #tpu.memory_space<semaphore_mem>>)
    %dma_start3A_32 = arith.constant 2 : i32
    %dma_start3A_33 = arith.constant 0 : i32
    %dma_start3A_34 = tpu.memref_slice %arg6[%dma_start3A_32, %dma_start3A_33] : memref<90x112xi32, #tpu.memory_space<vmem>> -> memref<1x112xi32, #tpu.memory_space<vmem>>
    %dma_start3A_35 = tpu.memref_squeeze %dma_start3A_34 : memref<1x112xi32, #tpu.memory_space<vmem>> -> memref<112xi32, #tpu.memory_space<vmem>>
    %dma_start3A_36 = arith.constant 0 : i32
    %dma_start3A_37 = arith.constant 0 : i32
    %dma_start3A_38 = tpu.memref_slice %arg2[%dma_start3A_36, %dma_start3A_37] : memref<10000x64xf32, #tpu.memory_space<hbm>> -> memref<10000x64xf32, #tpu.memory_space<hbm>>
    tpu.enqueue_indirect_dma source(%dma_start3A_38 : memref<10000x64xf32, #tpu.memory_space<hbm>>) target(%arg11 : memref<112x64xf32, #tpu.memory_space<vmem>>) offsets(%dma_start3A_35 : memref<112xi32, #tpu.memory_space<vmem>>) semaphore(%arg20 : memref<!tpu.dma_semaphore, #tpu.memory_space<semaphore_mem>>)
    %dma_start3A_39 = arith.constant 3 : i32
    %dma_start3A_40 = arith.constant 0 : i32
    %dma_start3A_41 = tpu.memref_slice %arg6[%dma_start3A_39, %dma_start3A_40] : memref<90x112xi32, #tpu.memory_space<vmem>> -> memref<1x112xi32, #tpu.memory_space<vmem>>
    %dma_start3A_42 = tpu.memref_squeeze %dma_start3A_41 : memref<1x112xi32, #tpu.memory_space<vmem>> -> memref<112xi32, #tpu.memory_space<vmem>>
    %dma_start3A_43 = arith.constant 0 : i32
    %dma_start3A_44 = arith.constant 0 : i32
    %dma_start3A_45 = tpu.memref_slice %arg2[%dma_start3A_43, %dma_start3A_44] : memref<10000x64xf32, #tpu.memory_space<hbm>> -> memref<10000x64xf32, #tpu.memory_space<hbm>>
    tpu.enqueue_indirect_dma source(%dma_start3A_45 : memref<10000x64xf32, #tpu.memory_space<hbm>>) target(%arg12 : memref<112x64xf32, #tpu.memory_space<vmem>>) offsets(%dma_start3A_42 : memref<112xi32, #tpu.memory_space<vmem>>) semaphore(%arg21 : memref<!tpu.dma_semaphore, #tpu.memory_space<semaphore_mem>>)
    %scan3A_46 = arith.constant 0 : i32
    %scan3A_47 = arith.constant 0 : i32
    %scan3A_48 = arith.constant 10 : i32
    %scan3A_49 = arith.addi %scan3A_47, %scan3A_48 : i32
    %scan3A_50 = arith.constant 1 : i32
    %scan3A_51 = scf.for %scan3A_92 = %scan3A_47 to %scan3A_49 step %scan3A_50 iter_args(%scan3A_93 = %scan3A_46) -> (i32)  : i32 {
      %mul3A_94 = arith.constant 9 : i32
      %mul3A_95 = arith.muli %scan3A_92, %mul3A_94 : i32
      %add3A_96 = arith.constant 0 : i32
      %add3A_97 = arith.addi %mul3A_95, %add3A_96 : i32
      %dma_wait3A_98 = arith.constant 0 : i32
      %dma_wait3A_99 = tpu.memref_slice %arg6[%add3A_97, %dma_wait3A_98] : memref<90x112xi32, #tpu.memory_space<vmem>> -> memref<1x112xi32, #tpu.memory_space<vmem>>
      %dma_wait3A_100 = tpu.memref_squeeze %dma_wait3A_99 : memref<1x112xi32, #tpu.memory_space<vmem>> -> memref<112xi32, #tpu.memory_space<vmem>>
      %dma_wait3A_101 = arith.constant 0 : i32
      %dma_wait3A_102 = arith.constant 0 : i32
      %dma_wait3A_103 = tpu.memref_slice %arg2[%dma_wait3A_101, %dma_wait3A_102] : memref<10000x64xf32, #tpu.memory_space<hbm>> -> memref<10000x64xf32, #tpu.memory_space<hbm>>
      tpu.wait_indirect_dma semaphore(%arg18 : memref<!tpu.dma_semaphore, #tpu.memory_space<semaphore_mem>>) src(%dma_wait3A_103 : memref<10000x64xf32, #tpu.memory_space<hbm>>) dst(%arg9 : memref<112x64xf32, #tpu.memory_space<vmem>>)
      %dma_start3A_104 = arith.constant 0 : i32
      %dma_start3A_105 = tpu.memref_slice %arg7[%add3A_97, %dma_start3A_104] : memref<90x112xi32, #tpu.memory_space<vmem>> -> memref<1x112xi32, #tpu.memory_space<vmem>>
      %dma_start3A_106 = tpu.memref_squeeze %dma_start3A_105 : memref<1x112xi32, #tpu.memory_space<vmem>> -> memref<112xi32, #tpu.memory_space<vmem>>
      %dma_start3A_107 = arith.constant 0 : i32
      %dma_start3A_108 = arith.constant 0 : i32
      %dma_start3A_109 = tpu.memref_slice %arg8[%dma_start3A_107, %dma_start3A_108] : memref<10016x64xf32, #tpu.memory_space<vmem_shared>> -> memref<10016x64xf32, #tpu.memory_space<vmem_shared>>
      tpu.enqueue_indirect_dma source(%arg9 : memref<112x64xf32, #tpu.memory_space<vmem>>) target(%dma_start3A_109 : memref<10016x64xf32, #tpu.memory_space<vmem_shared>>) offsets(%dma_start3A_106 : memref<112xi32, #tpu.memory_space<vmem>>) semaphore(%arg27 : memref<!tpu.dma_semaphore, #tpu.memory_space<semaphore_mem>>) {add = true}
      %ge3A = arith.constant 5 : i32
      %ge3A_110 = arith.cmpi sge, %add3A_97, %ge3A : i32
      %convert_element_type3A = arith.extui %ge3A_110 : i1 to i32
      %cond3A = arith.constant 0 : i32
      %cond3A_111 = arith.cmpi ne, %convert_element_type3A, %cond3A : i32
      scf.if %cond3A_111 {
        %dma_wait3A_343 = arith.constant 0 : i32
        %dma_wait3A_344 = tpu.memref_slice %arg7[%add3A_97, %dma_wait3A_343] : memref<90x112xi32, #tpu.memory_space<vmem>> -> memref<1x112xi32, #tpu.memory_space<vmem>>
        %dma_wait3A_345 = tpu.memref_squeeze %dma_wait3A_344 : memref<1x112xi32, #tpu.memory_space<vmem>> -> memref<112xi32, #tpu.memory_space<vmem>>
        %dma_wait3A_346 = arith.constant 0 : i32
        %dma_wait3A_347 = arith.constant 0 : i32
        %dma_wait3A_348 = tpu.memref_slice %arg8[%dma_wait3A_346, %dma_wait3A_347] : memref<10016x64xf32, #tpu.memory_space<vmem_shared>> -> memref<10016x64xf32, #tpu.memory_space<vmem_shared>>
        tpu.wait_indirect_dma semaphore(%arg31 : memref<!tpu.dma_semaphore, #tpu.memory_space<semaphore_mem>>) src(%arg13 : memref<112x64xf32, #tpu.memory_space<vmem>>) dst(%dma_wait3A_348 : memref<10016x64xf32, #tpu.memory_space<vmem_shared>>)
      } else {
      }
      %add3A_112 = arith.constant 4 : i32
      %add3A_113 = arith.addi %add3A_97, %add3A_112 : i32
      %lt3A = arith.constant 90 : i32
      %lt3A_114 = arith.cmpi slt, %add3A_113, %lt3A : i32
      %convert_element_type3A_115 = arith.extui %lt3A_114 : i1 to i32
      %cond3A_116 = arith.constant 0 : i32
      %cond3A_117 = arith.cmpi ne, %convert_element_type3A_115, %cond3A_116 : i32
      scf.if %cond3A_117 {
        %add3A_343 = arith.constant 4 : i32
        %add3A_344 = arith.addi %add3A_97, %add3A_343 : i32
        %dma_start3A_345 = arith.constant 0 : i32
        %dma_start3A_346 = tpu.memref_slice %arg6[%add3A_344, %dma_start3A_345] : memref<90x112xi32, #tpu.memory_space<vmem>> -> memref<1x112xi32, #tpu.memory_space<vmem>>
        %dma_start3A_347 = tpu.memref_squeeze %dma_start3A_346 : memref<1x112xi32, #tpu.memory_space<vmem>> -> memref<112xi32, #tpu.memory_space<vmem>>
        %dma_start3A_348 = arith.constant 0 : i32
        %dma_start3A_349 = arith.constant 0 : i32
        %dma_start3A_350 = tpu.memref_slice %arg2[%dma_start3A_348, %dma_start3A_349] : memref<10000x64xf32, #tpu.memory_space<hbm>> -> memref<10000x64xf32, #tpu.memory_space<hbm>>
        tpu.enqueue_indirect_dma source(%dma_start3A_350 : memref<10000x64xf32, #tpu.memory_space<hbm>>) target(%arg13 : memref<112x64xf32, #tpu.memory_space<vmem>>) offsets(%dma_start3A_347 : memref<112xi32, #tpu.memory_space<vmem>>) semaphore(%arg22 : memref<!tpu.dma_semaphore, #tpu.memory_space<semaphore_mem>>)
      } else {
      }
      %mul3A_118 = arith.constant 9 : i32
      %mul3A_119 = arith.muli %scan3A_92, %mul3A_118 : i32
      %add3A_120 = arith.constant 1 : i32
      %add3A_121 = arith.addi %mul3A_119, %add3A_120 : i32
      %dma_wait3A_122 = arith.constant 0 : i32
      %dma_wait3A_123 = tpu.memref_slice %arg6[%add3A_121, %dma_wait3A_122] : memref<90x112xi32, #tpu.memory_space<vmem>> -> memref<1x112xi32, #tpu.memory_space<vmem>>
      %dma_wait3A_124 = tpu.memref_squeeze %dma_wait3A_123 : memref<1x112xi32, #tpu.memory_space<vmem>> -> memref<112xi32, #tpu.memory_space<vmem>>
      %dma_wait3A_125 = arith.constant 0 : i32
      %dma_wait3A_126 = arith.constant 0 : i32
      %dma_wait3A_127 = tpu.memref_slice %arg2[%dma_wait3A_125, %dma_wait3A_126] : memref<10000x64xf32, #tpu.memory_space<hbm>> -> memref<10000x64xf32, #tpu.memory_space<hbm>>
      tpu.wait_indirect_dma semaphore(%arg19 : memref<!tpu.dma_semaphore, #tpu.memory_space<semaphore_mem>>) src(%dma_wait3A_127 : memref<10000x64xf32, #tpu.memory_space<hbm>>) dst(%arg10 : memref<112x64xf32, #tpu.memory_space<vmem>>)
      %dma_start3A_128 = arith.constant 0 : i32
      %dma_start3A_129 = tpu.memref_slice %arg7[%add3A_121, %dma_start3A_128] : memref<90x112xi32, #tpu.memory_space<vmem>> -> memref<1x112xi32, #tpu.memory_space<vmem>>
      %dma_start3A_130 = tpu.memref_squeeze %dma_start3A_129 : memref<1x112xi32, #tpu.memory_space<vmem>> -> memref<112xi32, #tpu.memory_space<vmem>>
      %dma_start3A_131 = arith.constant 0 : i32
      %dma_start3A_132 = arith.constant 0 : i32
      %dma_start3A_133 = tpu.memref_slice %arg8[%dma_start3A_131, %dma_start3A_132] : memref<10016x64xf32, #tpu.memory_space<vmem_shared>> -> memref<10016x64xf32, #tpu.memory_space<vmem_shared>>
      tpu.enqueue_indirect_dma source(%arg10 : memref<112x64xf32, #tpu.memory_space<vmem>>) target(%dma_start3A_133 : memref<10016x64xf32, #tpu.memory_space<vmem_shared>>) offsets(%dma_start3A_130 : memref<112xi32, #tpu.memory_space<vmem>>) semaphore(%arg28 : memref<!tpu.dma_semaphore, #tpu.memory_space<semaphore_mem>>) {add = true}
      %ge3A_134 = arith.constant 5 : i32
      %ge3A_135 = arith.cmpi sge, %add3A_121, %ge3A_134 : i32
      %convert_element_type3A_136 = arith.extui %ge3A_135 : i1 to i32
      %cond3A_137 = arith.constant 0 : i32
      %cond3A_138 = arith.cmpi ne, %convert_element_type3A_136, %cond3A_137 : i32
      scf.if %cond3A_138 {
        %dma_wait3A_343 = arith.constant 0 : i32
        %dma_wait3A_344 = tpu.memref_slice %arg7[%add3A_121, %dma_wait3A_343] : memref<90x112xi32, #tpu.memory_space<vmem>> -> memref<1x112xi32, #tpu.memory_space<vmem>>
        %dma_wait3A_345 = tpu.memref_squeeze %dma_wait3A_344 : memref<1x112xi32, #tpu.memory_space<vmem>> -> memref<112xi32, #tpu.memory_space<vmem>>
        %dma_wait3A_346 = arith.constant 0 : i32
        %dma_wait3A_347 = arith.constant 0 : i32
        %dma_wait3A_348 = tpu.memref_slice %arg8[%dma_wait3A_346, %dma_wait3A_347] : memref<10016x64xf32, #tpu.memory_space<vmem_shared>> -> memref<10016x64xf32, #tpu.memory_space<vmem_shared>>
        tpu.wait_indirect_dma semaphore(%arg32 : memref<!tpu.dma_semaphore, #tpu.memory_space<semaphore_mem>>) src(%arg14 : memref<112x64xf32, #tpu.memory_space<vmem>>) dst(%dma_wait3A_348 : memref<10016x64xf32, #tpu.memory_space<vmem_shared>>)
      } else {
      }
      %add3A_139 = arith.constant 4 : i32
      %add3A_140 = arith.addi %add3A_121, %add3A_139 : i32
      %lt3A_141 = arith.constant 90 : i32
      %lt3A_142 = arith.cmpi slt, %add3A_140, %lt3A_141 : i32
      %convert_element_type3A_143 = arith.extui %lt3A_142 : i1 to i32
      %cond3A_144 = arith.constant 0 : i32
      %cond3A_145 = arith.cmpi ne, %convert_element_type3A_143, %cond3A_144 : i32
      scf.if %cond3A_145 {
        %add3A_343 = arith.constant 4 : i32
        %add3A_344 = arith.addi %add3A_121, %add3A_343 : i32
        %dma_start3A_345 = arith.constant 0 : i32
        %dma_start3A_346 = tpu.memref_slice %arg6[%add3A_344, %dma_start3A_345] : memref<90x112xi32, #tpu.memory_space<vmem>> -> memref<1x112xi32, #tpu.memory_space<vmem>>
        %dma_start3A_347 = tpu.memref_squeeze %dma_start3A_346 : memref<1x112xi32, #tpu.memory_space<vmem>> -> memref<112xi32, #tpu.memory_space<vmem>>
        %dma_start3A_348 = arith.constant 0 : i32
        %dma_start3A_349 = arith.constant 0 : i32
        %dma_start3A_350 = tpu.memref_slice %arg2[%dma_start3A_348, %dma_start3A_349] : memref<10000x64xf32, #tpu.memory_space<hbm>> -> memref<10000x64xf32, #tpu.memory_space<hbm>>
        tpu.enqueue_indirect_dma source(%dma_start3A_350 : memref<10000x64xf32, #tpu.memory_space<hbm>>) target(%arg14 : memref<112x64xf32, #tpu.memory_space<vmem>>) offsets(%dma_start3A_347 : memref<112xi32, #tpu.memory_space<vmem>>) semaphore(%arg23 : memref<!tpu.dma_semaphore, #tpu.memory_space<semaphore_mem>>)
      } else {
      }
      %mul3A_146 = arith.constant 9 : i32
      %mul3A_147 = arith.muli %scan3A_92, %mul3A_146 : i32
      %add3A_148 = arith.constant 2 : i32
      %add3A_149 = arith.addi %mul3A_147, %add3A_148 : i32
      %dma_wait3A_150 = arith.constant 0 : i32
      %dma_wait3A_151 = tpu.memref_slice %arg6[%add3A_149, %dma_wait3A_150] : memref<90x112xi32, #tpu.memory_space<vmem>> -> memref<1x112xi32, #tpu.memory_space<vmem>>
      %dma_wait3A_152 = tpu.memref_squeeze %dma_wait3A_151 : memref<1x112xi32, #tpu.memory_space<vmem>> -> memref<112xi32, #tpu.memory_space<vmem>>
      %dma_wait3A_153 = arith.constant 0 : i32
      %dma_wait3A_154 = arith.constant 0 : i32
      %dma_wait3A_155 = tpu.memref_slice %arg2[%dma_wait3A_153, %dma_wait3A_154] : memref<10000x64xf32, #tpu.memory_space<hbm>> -> memref<10000x64xf32, #tpu.memory_space<hbm>>
      tpu.wait_indirect_dma semaphore(%arg20 : memref<!tpu.dma_semaphore, #tpu.memory_space<semaphore_mem>>) src(%dma_wait3A_155 : memref<10000x64xf32, #tpu.memory_space<hbm>>) dst(%arg11 : memref<112x64xf32, #tpu.memory_space<vmem>>)
      %dma_start3A_156 = arith.constant 0 : i32
      %dma_start3A_157 = tpu.memref_slice %arg7[%add3A_149, %dma_start3A_156] : memref<90x112xi32, #tpu.memory_space<vmem>> -> memref<1x112xi32, #tpu.memory_space<vmem>>
      %dma_start3A_158 = tpu.memref_squeeze %dma_start3A_157 : memref<1x112xi32, #tpu.memory_space<vmem>> -> memref<112xi32, #tpu.memory_space<vmem>>
      %dma_start3A_159 = arith.constant 0 : i32
      %dma_start3A_160 = arith.constant 0 : i32
      %dma_start3A_161 = tpu.memref_slice %arg8[%dma_start3A_159, %dma_start3A_160] : memref<10016x64xf32, #tpu.memory_space<vmem_shared>> -> memref<10016x64xf32, #tpu.memory_space<vmem_shared>>
      tpu.enqueue_indirect_dma source(%arg11 : memref<112x64xf32, #tpu.memory_space<vmem>>) target(%dma_start3A_161 : memref<10016x64xf32, #tpu.memory_space<vmem_shared>>) offsets(%dma_start3A_158 : memref<112xi32, #tpu.memory_space<vmem>>) semaphore(%arg29 : memref<!tpu.dma_semaphore, #tpu.memory_space<semaphore_mem>>) {add = true}
      %ge3A_162 = arith.constant 5 : i32
      %ge3A_163 = arith.cmpi sge, %add3A_149, %ge3A_162 : i32
      %convert_element_type3A_164 = arith.extui %ge3A_163 : i1 to i32
      %cond3A_165 = arith.constant 0 : i32
      %cond3A_166 = arith.cmpi ne, %convert_element_type3A_164, %cond3A_165 : i32
      scf.if %cond3A_166 {
        %dma_wait3A_343 = arith.constant 0 : i32
        %dma_wait3A_344 = tpu.memref_slice %arg7[%add3A_149, %dma_wait3A_343] : memref<90x112xi32, #tpu.memory_space<vmem>> -> memref<1x112xi32, #tpu.memory_space<vmem>>
        %dma_wait3A_345 = tpu.memref_squeeze %dma_wait3A_344 : memref<1x112xi32, #tpu.memory_space<vmem>> -> memref<112xi32, #tpu.memory_space<vmem>>
        %dma_wait3A_346 = arith.constant 0 : i32
        %dma_wait3A_347 = arith.constant 0 : i32
        %dma_wait3A_348 = tpu.memref_slice %arg8[%dma_wait3A_346, %dma_wait3A_347] : memref<10016x64xf32, #tpu.memory_space<vmem_shared>> -> memref<10016x64xf32, #tpu.memory_space<vmem_shared>>
        tpu.wait_indirect_dma semaphore(%arg33 : memref<!tpu.dma_semaphore, #tpu.memory_space<semaphore_mem>>) src(%arg15 : memref<112x64xf32, #tpu.memory_space<vmem>>) dst(%dma_wait3A_348 : memref<10016x64xf32, #tpu.memory_space<vmem_shared>>)
      } else {
      }
      %add3A_167 = arith.constant 4 : i32
      %add3A_168 = arith.addi %add3A_149, %add3A_167 : i32
      %lt3A_169 = arith.constant 90 : i32
      %lt3A_170 = arith.cmpi slt, %add3A_168, %lt3A_169 : i32
      %convert_element_type3A_171 = arith.extui %lt3A_170 : i1 to i32
      %cond3A_172 = arith.constant 0 : i32
      %cond3A_173 = arith.cmpi ne, %convert_element_type3A_171, %cond3A_172 : i32
      scf.if %cond3A_173 {
        %add3A_343 = arith.constant 4 : i32
        %add3A_344 = arith.addi %add3A_149, %add3A_343 : i32
        %dma_start3A_345 = arith.constant 0 : i32
        %dma_start3A_346 = tpu.memref_slice %arg6[%add3A_344, %dma_start3A_345] : memref<90x112xi32, #tpu.memory_space<vmem>> -> memref<1x112xi32, #tpu.memory_space<vmem>>
        %dma_start3A_347 = tpu.memref_squeeze %dma_start3A_346 : memref<1x112xi32, #tpu.memory_space<vmem>> -> memref<112xi32, #tpu.memory_space<vmem>>
        %dma_start3A_348 = arith.constant 0 : i32
        %dma_start3A_349 = arith.constant 0 : i32
        %dma_start3A_350 = tpu.memref_slice %arg2[%dma_start3A_348, %dma_start3A_349] : memref<10000x64xf32, #tpu.memory_space<hbm>> -> memref<10000x64xf32, #tpu.memory_space<hbm>>
        tpu.enqueue_indirect_dma source(%dma_start3A_350 : memref<10000x64xf32, #tpu.memory_space<hbm>>) target(%arg15 : memref<112x64xf32, #tpu.memory_space<vmem>>) offsets(%dma_start3A_347 : memref<112xi32, #tpu.memory_space<vmem>>) semaphore(%arg24 : memref<!tpu.dma_semaphore, #tpu.memory_space<semaphore_mem>>)
      } else {
      }
      %mul3A_174 = arith.constant 9 : i32
      %mul3A_175 = arith.muli %scan3A_92, %mul3A_174 : i32
      %add3A_176 = arith.constant 3 : i32
      %add3A_177 = arith.addi %mul3A_175, %add3A_176 : i32
      %dma_wait3A_178 = arith.constant 0 : i32
      %dma_wait3A_179 = tpu.memref_slice %arg6[%add3A_177, %dma_wait3A_178] : memref<90x112xi32, #tpu.memory_space<vmem>> -> memref<1x112xi32, #tpu.memory_space<vmem>>
      %dma_wait3A_180 = tpu.memref_squeeze %dma_wait3A_179 : memref<1x112xi32, #tpu.memory_space<vmem>> -> memref<112xi32, #tpu.memory_space<vmem>>
      %dma_wait3A_181 = arith.constant 0 : i32
      %dma_wait3A_182 = arith.constant 0 : i32
      %dma_wait3A_183 = tpu.memref_slice %arg2[%dma_wait3A_181, %dma_wait3A_182] : memref<10000x64xf32, #tpu.memory_space<hbm>> -> memref<10000x64xf32, #tpu.memory_space<hbm>>
      tpu.wait_indirect_dma semaphore(%arg21 : memref<!tpu.dma_semaphore, #tpu.memory_space<semaphore_mem>>) src(%dma_wait3A_183 : memref<10000x64xf32, #tpu.memory_space<hbm>>) dst(%arg12 : memref<112x64xf32, #tpu.memory_space<vmem>>)
      %dma_start3A_184 = arith.constant 0 : i32
      %dma_start3A_185 = tpu.memref_slice %arg7[%add3A_177, %dma_start3A_184] : memref<90x112xi32, #tpu.memory_space<vmem>> -> memref<1x112xi32, #tpu.memory_space<vmem>>
      %dma_start3A_186 = tpu.memref_squeeze %dma_start3A_185 : memref<1x112xi32, #tpu.memory_space<vmem>> -> memref<112xi32, #tpu.memory_space<vmem>>
      %dma_start3A_187 = arith.constant 0 : i32
      %dma_start3A_188 = arith.constant 0 : i32
      %dma_start3A_189 = tpu.memref_slice %arg8[%dma_start3A_187, %dma_start3A_188] : memref<10016x64xf32, #tpu.memory_space<vmem_shared>> -> memref<10016x64xf32, #tpu.memory_space<vmem_shared>>
      tpu.enqueue_indirect_dma source(%arg12 : memref<112x64xf32, #tpu.memory_space<vmem>>) target(%dma_start3A_189 : memref<10016x64xf32, #tpu.memory_space<vmem_shared>>) offsets(%dma_start3A_186 : memref<112xi32, #tpu.memory_space<vmem>>) semaphore(%arg30 : memref<!tpu.dma_semaphore, #tpu.memory_space<semaphore_mem>>) {add = true}
      %ge3A_190 = arith.constant 5 : i32
      %ge3A_191 = arith.cmpi sge, %add3A_177, %ge3A_190 : i32
      %convert_element_type3A_192 = arith.extui %ge3A_191 : i1 to i32
      %cond3A_193 = arith.constant 0 : i32
      %cond3A_194 = arith.cmpi ne, %convert_element_type3A_192, %cond3A_193 : i32
      scf.if %cond3A_194 {
        %dma_wait3A_343 = arith.constant 0 : i32
        %dma_wait3A_344 = tpu.memref_slice %arg7[%add3A_177, %dma_wait3A_343] : memref<90x112xi32, #tpu.memory_space<vmem>> -> memref<1x112xi32, #tpu.memory_space<vmem>>
        %dma_wait3A_345 = tpu.memref_squeeze %dma_wait3A_344 : memref<1x112xi32, #tpu.memory_space<vmem>> -> memref<112xi32, #tpu.memory_space<vmem>>
        %dma_wait3A_346 = arith.constant 0 : i32
        %dma_wait3A_347 = arith.constant 0 : i32
        %dma_wait3A_348 = tpu.memref_slice %arg8[%dma_wait3A_346, %dma_wait3A_347] : memref<10016x64xf32, #tpu.memory_space<vmem_shared>> -> memref<10016x64xf32, #tpu.memory_space<vmem_shared>>
        tpu.wait_indirect_dma semaphore(%arg34 : memref<!tpu.dma_semaphore, #tpu.memory_space<semaphore_mem>>) src(%arg16 : memref<112x64xf32, #tpu.memory_space<vmem>>) dst(%dma_wait3A_348 : memref<10016x64xf32, #tpu.memory_space<vmem_shared>>)
      } else {
      }
      %add3A_195 = arith.constant 4 : i32
      %add3A_196 = arith.addi %add3A_177, %add3A_195 : i32
      %lt3A_197 = arith.constant 90 : i32
      %lt3A_198 = arith.cmpi slt, %add3A_196, %lt3A_197 : i32
      %convert_element_type3A_199 = arith.extui %lt3A_198 : i1 to i32
      %cond3A_200 = arith.constant 0 : i32
      %cond3A_201 = arith.cmpi ne, %convert_element_type3A_199, %cond3A_200 : i32
      scf.if %cond3A_201 {
        %add3A_343 = arith.constant 4 : i32
        %add3A_344 = arith.addi %add3A_177, %add3A_343 : i32
        %dma_start3A_345 = arith.constant 0 : i32
        %dma_start3A_346 = tpu.memref_slice %arg6[%add3A_344, %dma_start3A_345] : memref<90x112xi32, #tpu.memory_space<vmem>> -> memref<1x112xi32, #tpu.memory_space<vmem>>
        %dma_start3A_347 = tpu.memref_squeeze %dma_start3A_346 : memref<1x112xi32, #tpu.memory_space<vmem>> -> memref<112xi32, #tpu.memory_space<vmem>>
        %dma_start3A_348 = arith.constant 0 : i32
        %dma_start3A_349 = arith.constant 0 : i32
        %dma_start3A_350 = tpu.memref_slice %arg2[%dma_start3A_348, %dma_start3A_349] : memref<10000x64xf32, #tpu.memory_space<hbm>> -> memref<10000x64xf32, #tpu.memory_space<hbm>>
        tpu.enqueue_indirect_dma source(%dma_start3A_350 : memref<10000x64xf32, #tpu.memory_space<hbm>>) target(%arg16 : memref<112x64xf32, #tpu.memory_space<vmem>>) offsets(%dma_start3A_347 : memref<112xi32, #tpu.memory_space<vmem>>) semaphore(%arg25 : memref<!tpu.dma_semaphore, #tpu.memory_space<semaphore_mem>>)
      } else {
      }
      %mul3A_202 = arith.constant 9 : i32
      %mul3A_203 = arith.muli %scan3A_92, %mul3A_202 : i32
      %add3A_204 = arith.constant 4 : i32
      %add3A_205 = arith.addi %mul3A_203, %add3A_204 : i32
      %dma_wait3A_206 = arith.constant 0 : i32
      %dma_wait3A_207 = tpu.memref_slice %arg6[%add3A_205, %dma_wait3A_206] : memref<90x112xi32, #tpu.memory_space<vmem>> -> memref<1x112xi32, #tpu.memory_space<vmem>>
      %dma_wait3A_208 = tpu.memref_squeeze %dma_wait3A_207 : memref<1x112xi32, #tpu.memory_space<vmem>> -> memref<112xi32, #tpu.memory_space<vmem>>
      %dma_wait3A_209 = arith.constant 0 : i32
      %dma_wait3A_210 = arith.constant 0 : i32
      %dma_wait3A_211 = tpu.memref_slice %arg2[%dma_wait3A_209, %dma_wait3A_210] : memref<10000x64xf32, #tpu.memory_space<hbm>> -> memref<10000x64xf32, #tpu.memory_space<hbm>>
      tpu.wait_indirect_dma semaphore(%arg22 : memref<!tpu.dma_semaphore, #tpu.memory_space<semaphore_mem>>) src(%dma_wait3A_211 : memref<10000x64xf32, #tpu.memory_space<hbm>>) dst(%arg13 : memref<112x64xf32, #tpu.memory_space<vmem>>)
      %dma_start3A_212 = arith.constant 0 : i32
      %dma_start3A_213 = tpu.memref_slice %arg7[%add3A_205, %dma_start3A_212] : memref<90x112xi32, #tpu.memory_space<vmem>> -> memref<1x112xi32, #tpu.memory_space<vmem>>
      %dma_start3A_214 = tpu.memref_squeeze %dma_start3A_213 : memref<1x112xi32, #tpu.memory_space<vmem>> -> memref<112xi32, #tpu.memory_space<vmem>>
      %dma_start3A_215 = arith.constant 0 : i32
      %dma_start3A_216 = arith.constant 0 : i32
      %dma_start3A_217 = tpu.memref_slice %arg8[%dma_start3A_215, %dma_start3A_216] : memref<10016x64xf32, #tpu.memory_space<vmem_shared>> -> memref<10016x64xf32, #tpu.memory_space<vmem_shared>>
      tpu.enqueue_indirect_dma source(%arg13 : memref<112x64xf32, #tpu.memory_space<vmem>>) target(%dma_start3A_217 : memref<10016x64xf32, #tpu.memory_space<vmem_shared>>) offsets(%dma_start3A_214 : memref<112xi32, #tpu.memory_space<vmem>>) semaphore(%arg31 : memref<!tpu.dma_semaphore, #tpu.memory_space<semaphore_mem>>) {add = true}
      %ge3A_218 = arith.constant 5 : i32
      %ge3A_219 = arith.cmpi sge, %add3A_205, %ge3A_218 : i32
      %convert_element_type3A_220 = arith.extui %ge3A_219 : i1 to i32
      %cond3A_221 = arith.constant 0 : i32
      %cond3A_222 = arith.cmpi ne, %convert_element_type3A_220, %cond3A_221 : i32
      scf.if %cond3A_222 {
        %dma_wait3A_343 = arith.constant 0 : i32
        %dma_wait3A_344 = tpu.memref_slice %arg7[%add3A_205, %dma_wait3A_343] : memref<90x112xi32, #tpu.memory_space<vmem>> -> memref<1x112xi32, #tpu.memory_space<vmem>>
        %dma_wait3A_345 = tpu.memref_squeeze %dma_wait3A_344 : memref<1x112xi32, #tpu.memory_space<vmem>> -> memref<112xi32, #tpu.memory_space<vmem>>
        %dma_wait3A_346 = arith.constant 0 : i32
        %dma_wait3A_347 = arith.constant 0 : i32
        %dma_wait3A_348 = tpu.memref_slice %arg8[%dma_wait3A_346, %dma_wait3A_347] : memref<10016x64xf32, #tpu.memory_space<vmem_shared>> -> memref<10016x64xf32, #tpu.memory_space<vmem_shared>>
        tpu.wait_indirect_dma semaphore(%arg35 : memref<!tpu.dma_semaphore, #tpu.memory_space<semaphore_mem>>) src(%arg17 : memref<112x64xf32, #tpu.memory_space<vmem>>) dst(%dma_wait3A_348 : memref<10016x64xf32, #tpu.memory_space<vmem_shared>>)
      } else {
      }
      %add3A_223 = arith.constant 4 : i32
      %add3A_224 = arith.addi %add3A_205, %add3A_223 : i32
      %lt3A_225 = arith.constant 90 : i32
      %lt3A_226 = arith.cmpi slt, %add3A_224, %lt3A_225 : i32
      %convert_element_type3A_227 = arith.extui %lt3A_226 : i1 to i32
      %cond3A_228 = arith.constant 0 : i32
      %cond3A_229 = arith.cmpi ne, %convert_element_type3A_227, %cond3A_228 : i32
      scf.if %cond3A_229 {
        %add3A_343 = arith.constant 4 : i32
        %add3A_344 = arith.addi %add3A_205, %add3A_343 : i32
        %dma_start3A_345 = arith.constant 0 : i32
        %dma_start3A_346 = tpu.memref_slice %arg6[%add3A_344, %dma_start3A_345] : memref<90x112xi32, #tpu.memory_space<vmem>> -> memref<1x112xi32, #tpu.memory_space<vmem>>
        %dma_start3A_347 = tpu.memref_squeeze %dma_start3A_346 : memref<1x112xi32, #tpu.memory_space<vmem>> -> memref<112xi32, #tpu.memory_space<vmem>>
        %dma_start3A_348 = arith.constant 0 : i32
        %dma_start3A_349 = arith.constant 0 : i32
        %dma_start3A_350 = tpu.memref_slice %arg2[%dma_start3A_348, %dma_start3A_349] : memref<10000x64xf32, #tpu.memory_space<hbm>> -> memref<10000x64xf32, #tpu.memory_space<hbm>>
        tpu.enqueue_indirect_dma source(%dma_start3A_350 : memref<10000x64xf32, #tpu.memory_space<hbm>>) target(%arg17 : memref<112x64xf32, #tpu.memory_space<vmem>>) offsets(%dma_start3A_347 : memref<112xi32, #tpu.memory_space<vmem>>) semaphore(%arg26 : memref<!tpu.dma_semaphore, #tpu.memory_space<semaphore_mem>>)
      } else {
      }
      %mul3A_230 = arith.constant 9 : i32
      %mul3A_231 = arith.muli %scan3A_92, %mul3A_230 : i32
      %add3A_232 = arith.constant 5 : i32
      %add3A_233 = arith.addi %mul3A_231, %add3A_232 : i32
      %dma_wait3A_234 = arith.constant 0 : i32
      %dma_wait3A_235 = tpu.memref_slice %arg6[%add3A_233, %dma_wait3A_234] : memref<90x112xi32, #tpu.memory_space<vmem>> -> memref<1x112xi32, #tpu.memory_space<vmem>>
      %dma_wait3A_236 = tpu.memref_squeeze %dma_wait3A_235 : memref<1x112xi32, #tpu.memory_space<vmem>> -> memref<112xi32, #tpu.memory_space<vmem>>
      %dma_wait3A_237 = arith.constant 0 : i32
      %dma_wait3A_238 = arith.constant 0 : i32
      %dma_wait3A_239 = tpu.memref_slice %arg2[%dma_wait3A_237, %dma_wait3A_238] : memref<10000x64xf32, #tpu.memory_space<hbm>> -> memref<10000x64xf32, #tpu.memory_space<hbm>>
      tpu.wait_indirect_dma semaphore(%arg23 : memref<!tpu.dma_semaphore, #tpu.memory_space<semaphore_mem>>) src(%dma_wait3A_239 : memref<10000x64xf32, #tpu.memory_space<hbm>>) dst(%arg14 : memref<112x64xf32, #tpu.memory_space<vmem>>)
      %dma_start3A_240 = arith.constant 0 : i32
      %dma_start3A_241 = tpu.memref_slice %arg7[%add3A_233, %dma_start3A_240] : memref<90x112xi32, #tpu.memory_space<vmem>> -> memref<1x112xi32, #tpu.memory_space<vmem>>
      %dma_start3A_242 = tpu.memref_squeeze %dma_start3A_241 : memref<1x112xi32, #tpu.memory_space<vmem>> -> memref<112xi32, #tpu.memory_space<vmem>>
      %dma_start3A_243 = arith.constant 0 : i32
      %dma_start3A_244 = arith.constant 0 : i32
      %dma_start3A_245 = tpu.memref_slice %arg8[%dma_start3A_243, %dma_start3A_244] : memref<10016x64xf32, #tpu.memory_space<vmem_shared>> -> memref<10016x64xf32, #tpu.memory_space<vmem_shared>>
      tpu.enqueue_indirect_dma source(%arg14 : memref<112x64xf32, #tpu.memory_space<vmem>>) target(%dma_start3A_245 : memref<10016x64xf32, #tpu.memory_space<vmem_shared>>) offsets(%dma_start3A_242 : memref<112xi32, #tpu.memory_space<vmem>>) semaphore(%arg32 : memref<!tpu.dma_semaphore, #tpu.memory_space<semaphore_mem>>) {add = true}
      %ge3A_246 = arith.constant 5 : i32
      %ge3A_247 = arith.cmpi sge, %add3A_233, %ge3A_246 : i32
      %convert_element_type3A_248 = arith.extui %ge3A_247 : i1 to i32
      %cond3A_249 = arith.constant 0 : i32
      %cond3A_250 = arith.cmpi ne, %convert_element_type3A_248, %cond3A_249 : i32
      scf.if %cond3A_250 {
        %dma_wait3A_343 = arith.constant 0 : i32
        %dma_wait3A_344 = tpu.memref_slice %arg7[%add3A_233, %dma_wait3A_343] : memref<90x112xi32, #tpu.memory_space<vmem>> -> memref<1x112xi32, #tpu.memory_space<vmem>>
        %dma_wait3A_345 = tpu.memref_squeeze %dma_wait3A_344 : memref<1x112xi32, #tpu.memory_space<vmem>> -> memref<112xi32, #tpu.memory_space<vmem>>
        %dma_wait3A_346 = arith.constant 0 : i32
        %dma_wait3A_347 = arith.constant 0 : i32
        %dma_wait3A_348 = tpu.memref_slice %arg8[%dma_wait3A_346, %dma_wait3A_347] : memref<10016x64xf32, #tpu.memory_space<vmem_shared>> -> memref<10016x64xf32, #tpu.memory_space<vmem_shared>>
        tpu.wait_indirect_dma semaphore(%arg27 : memref<!tpu.dma_semaphore, #tpu.memory_space<semaphore_mem>>) src(%arg9 : memref<112x64xf32, #tpu.memory_space<vmem>>) dst(%dma_wait3A_348 : memref<10016x64xf32, #tpu.memory_space<vmem_shared>>)
      } else {
      }
      %add3A_251 = arith.constant 4 : i32
      %add3A_252 = arith.addi %add3A_233, %add3A_251 : i32
      %lt3A_253 = arith.constant 90 : i32
      %lt3A_254 = arith.cmpi slt, %add3A_252, %lt3A_253 : i32
      %convert_element_type3A_255 = arith.extui %lt3A_254 : i1 to i32
      %cond3A_256 = arith.constant 0 : i32
      %cond3A_257 = arith.cmpi ne, %convert_element_type3A_255, %cond3A_256 : i32
      scf.if %cond3A_257 {
        %add3A_343 = arith.constant 4 : i32
        %add3A_344 = arith.addi %add3A_233, %add3A_343 : i32
        %dma_start3A_345 = arith.constant 0 : i32
        %dma_start3A_346 = tpu.memref_slice %arg6[%add3A_344, %dma_start3A_345] : memref<90x112xi32, #tpu.memory_space<vmem>> -> memref<1x112xi32, #tpu.memory_space<vmem>>
        %dma_start3A_347 = tpu.memref_squeeze %dma_start3A_346 : memref<1x112xi32, #tpu.memory_space<vmem>> -> memref<112xi32, #tpu.memory_space<vmem>>
        %dma_start3A_348 = arith.constant 0 : i32
        %dma_start3A_349 = arith.constant 0 : i32
        %dma_start3A_350 = tpu.memref_slice %arg2[%dma_start3A_348, %dma_start3A_349] : memref<10000x64xf32, #tpu.memory_space<hbm>> -> memref<10000x64xf32, #tpu.memory_space<hbm>>
        tpu.enqueue_indirect_dma source(%dma_start3A_350 : memref<10000x64xf32, #tpu.memory_space<hbm>>) target(%arg9 : memref<112x64xf32, #tpu.memory_space<vmem>>) offsets(%dma_start3A_347 : memref<112xi32, #tpu.memory_space<vmem>>) semaphore(%arg18 : memref<!tpu.dma_semaphore, #tpu.memory_space<semaphore_mem>>)
      } else {
      }
      %mul3A_258 = arith.constant 9 : i32
      %mul3A_259 = arith.muli %scan3A_92, %mul3A_258 : i32
      %add3A_260 = arith.constant 6 : i32
      %add3A_261 = arith.addi %mul3A_259, %add3A_260 : i32
      %dma_wait3A_262 = arith.constant 0 : i32
      %dma_wait3A_263 = tpu.memref_slice %arg6[%add3A_261, %dma_wait3A_262] : memref<90x112xi32, #tpu.memory_space<vmem>> -> memref<1x112xi32, #tpu.memory_space<vmem>>
      %dma_wait3A_264 = tpu.memref_squeeze %dma_wait3A_263 : memref<1x112xi32, #tpu.memory_space<vmem>> -> memref<112xi32, #tpu.memory_space<vmem>>
      %dma_wait3A_265 = arith.constant 0 : i32
      %dma_wait3A_266 = arith.constant 0 : i32
      %dma_wait3A_267 = tpu.memref_slice %arg2[%dma_wait3A_265, %dma_wait3A_266] : memref<10000x64xf32, #tpu.memory_space<hbm>> -> memref<10000x64xf32, #tpu.memory_space<hbm>>
      tpu.wait_indirect_dma semaphore(%arg24 : memref<!tpu.dma_semaphore, #tpu.memory_space<semaphore_mem>>) src(%dma_wait3A_267 : memref<10000x64xf32, #tpu.memory_space<hbm>>) dst(%arg15 : memref<112x64xf32, #tpu.memory_space<vmem>>)
      %dma_start3A_268 = arith.constant 0 : i32
      %dma_start3A_269 = tpu.memref_slice %arg7[%add3A_261, %dma_start3A_268] : memref<90x112xi32, #tpu.memory_space<vmem>> -> memref<1x112xi32, #tpu.memory_space<vmem>>
      %dma_start3A_270 = tpu.memref_squeeze %dma_start3A_269 : memref<1x112xi32, #tpu.memory_space<vmem>> -> memref<112xi32, #tpu.memory_space<vmem>>
      %dma_start3A_271 = arith.constant 0 : i32
      %dma_start3A_272 = arith.constant 0 : i32
      %dma_start3A_273 = tpu.memref_slice %arg8[%dma_start3A_271, %dma_start3A_272] : memref<10016x64xf32, #tpu.memory_space<vmem_shared>> -> memref<10016x64xf32, #tpu.memory_space<vmem_shared>>
      tpu.enqueue_indirect_dma source(%arg15 : memref<112x64xf32, #tpu.memory_space<vmem>>) target(%dma_start3A_273 : memref<10016x64xf32, #tpu.memory_space<vmem_shared>>) offsets(%dma_start3A_270 : memref<112xi32, #tpu.memory_space<vmem>>) semaphore(%arg33 : memref<!tpu.dma_semaphore, #tpu.memory_space<semaphore_mem>>) {add = true}
      %ge3A_274 = arith.constant 5 : i32
      %ge3A_275 = arith.cmpi sge, %add3A_261, %ge3A_274 : i32
      %convert_element_type3A_276 = arith.extui %ge3A_275 : i1 to i32
      %cond3A_277 = arith.constant 0 : i32
      %cond3A_278 = arith.cmpi ne, %convert_element_type3A_276, %cond3A_277 : i32
      scf.if %cond3A_278 {
        %dma_wait3A_343 = arith.constant 0 : i32
        %dma_wait3A_344 = tpu.memref_slice %arg7[%add3A_261, %dma_wait3A_343] : memref<90x112xi32, #tpu.memory_space<vmem>> -> memref<1x112xi32, #tpu.memory_space<vmem>>
        %dma_wait3A_345 = tpu.memref_squeeze %dma_wait3A_344 : memref<1x112xi32, #tpu.memory_space<vmem>> -> memref<112xi32, #tpu.memory_space<vmem>>
        %dma_wait3A_346 = arith.constant 0 : i32
        %dma_wait3A_347 = arith.constant 0 : i32
        %dma_wait3A_348 = tpu.memref_slice %arg8[%dma_wait3A_346, %dma_wait3A_347] : memref<10016x64xf32, #tpu.memory_space<vmem_shared>> -> memref<10016x64xf32, #tpu.memory_space<vmem_shared>>
        tpu.wait_indirect_dma semaphore(%arg28 : memref<!tpu.dma_semaphore, #tpu.memory_space<semaphore_mem>>) src(%arg10 : memref<112x64xf32, #tpu.memory_space<vmem>>) dst(%dma_wait3A_348 : memref<10016x64xf32, #tpu.memory_space<vmem_shared>>)
      } else {
      }
      %add3A_279 = arith.constant 4 : i32
      %add3A_280 = arith.addi %add3A_261, %add3A_279 : i32
      %lt3A_281 = arith.constant 90 : i32
      %lt3A_282 = arith.cmpi slt, %add3A_280, %lt3A_281 : i32
      %convert_element_type3A_283 = arith.extui %lt3A_282 : i1 to i32
      %cond3A_284 = arith.constant 0 : i32
      %cond3A_285 = arith.cmpi ne, %convert_element_type3A_283, %cond3A_284 : i32
      scf.if %cond3A_285 {
        %add3A_343 = arith.constant 4 : i32
        %add3A_344 = arith.addi %add3A_261, %add3A_343 : i32
        %dma_start3A_345 = arith.constant 0 : i32
        %dma_start3A_346 = tpu.memref_slice %arg6[%add3A_344, %dma_start3A_345] : memref<90x112xi32, #tpu.memory_space<vmem>> -> memref<1x112xi32, #tpu.memory_space<vmem>>
        %dma_start3A_347 = tpu.memref_squeeze %dma_start3A_346 : memref<1x112xi32, #tpu.memory_space<vmem>> -> memref<112xi32, #tpu.memory_space<vmem>>
        %dma_start3A_348 = arith.constant 0 : i32
        %dma_start3A_349 = arith.constant 0 : i32
        %dma_start3A_350 = tpu.memref_slice %arg2[%dma_start3A_348, %dma_start3A_349] : memref<10000x64xf32, #tpu.memory_space<hbm>> -> memref<10000x64xf32, #tpu.memory_space<hbm>>
        tpu.enqueue_indirect_dma source(%dma_start3A_350 : memref<10000x64xf32, #tpu.memory_space<hbm>>) target(%arg10 : memref<112x64xf32, #tpu.memory_space<vmem>>) offsets(%dma_start3A_347 : memref<112xi32, #tpu.memory_space<vmem>>) semaphore(%arg19 : memref<!tpu.dma_semaphore, #tpu.memory_space<semaphore_mem>>)
      } else {
      }
      %mul3A_286 = arith.constant 9 : i32
      %mul3A_287 = arith.muli %scan3A_92, %mul3A_286 : i32
      %add3A_288 = arith.constant 7 : i32
      %add3A_289 = arith.addi %mul3A_287, %add3A_288 : i32
      %dma_wait3A_290 = arith.constant 0 : i32
      %dma_wait3A_291 = tpu.memref_slice %arg6[%add3A_289, %dma_wait3A_290] : memref<90x112xi32, #tpu.memory_space<vmem>> -> memref<1x112xi32, #tpu.memory_space<vmem>>
      %dma_wait3A_292 = tpu.memref_squeeze %dma_wait3A_291 : memref<1x112xi32, #tpu.memory_space<vmem>> -> memref<112xi32, #tpu.memory_space<vmem>>
      %dma_wait3A_293 = arith.constant 0 : i32
      %dma_wait3A_294 = arith.constant 0 : i32
      %dma_wait3A_295 = tpu.memref_slice %arg2[%dma_wait3A_293, %dma_wait3A_294] : memref<10000x64xf32, #tpu.memory_space<hbm>> -> memref<10000x64xf32, #tpu.memory_space<hbm>>
      tpu.wait_indirect_dma semaphore(%arg25 : memref<!tpu.dma_semaphore, #tpu.memory_space<semaphore_mem>>) src(%dma_wait3A_295 : memref<10000x64xf32, #tpu.memory_space<hbm>>) dst(%arg16 : memref<112x64xf32, #tpu.memory_space<vmem>>)
      %dma_start3A_296 = arith.constant 0 : i32
      %dma_start3A_297 = tpu.memref_slice %arg7[%add3A_289, %dma_start3A_296] : memref<90x112xi32, #tpu.memory_space<vmem>> -> memref<1x112xi32, #tpu.memory_space<vmem>>
      %dma_start3A_298 = tpu.memref_squeeze %dma_start3A_297 : memref<1x112xi32, #tpu.memory_space<vmem>> -> memref<112xi32, #tpu.memory_space<vmem>>
      %dma_start3A_299 = arith.constant 0 : i32
      %dma_start3A_300 = arith.constant 0 : i32
      %dma_start3A_301 = tpu.memref_slice %arg8[%dma_start3A_299, %dma_start3A_300] : memref<10016x64xf32, #tpu.memory_space<vmem_shared>> -> memref<10016x64xf32, #tpu.memory_space<vmem_shared>>
      tpu.enqueue_indirect_dma source(%arg16 : memref<112x64xf32, #tpu.memory_space<vmem>>) target(%dma_start3A_301 : memref<10016x64xf32, #tpu.memory_space<vmem_shared>>) offsets(%dma_start3A_298 : memref<112xi32, #tpu.memory_space<vmem>>) semaphore(%arg34 : memref<!tpu.dma_semaphore, #tpu.memory_space<semaphore_mem>>) {add = true}
      %ge3A_302 = arith.constant 5 : i32
      %ge3A_303 = arith.cmpi sge, %add3A_289, %ge3A_302 : i32
      %convert_element_type3A_304 = arith.extui %ge3A_303 : i1 to i32
      %cond3A_305 = arith.constant 0 : i32
      %cond3A_306 = arith.cmpi ne, %convert_element_type3A_304, %cond3A_305 : i32
      scf.if %cond3A_306 {
        %dma_wait3A_343 = arith.constant 0 : i32
        %dma_wait3A_344 = tpu.memref_slice %arg7[%add3A_289, %dma_wait3A_343] : memref<90x112xi32, #tpu.memory_space<vmem>> -> memref<1x112xi32, #tpu.memory_space<vmem>>
        %dma_wait3A_345 = tpu.memref_squeeze %dma_wait3A_344 : memref<1x112xi32, #tpu.memory_space<vmem>> -> memref<112xi32, #tpu.memory_space<vmem>>
        %dma_wait3A_346 = arith.constant 0 : i32
        %dma_wait3A_347 = arith.constant 0 : i32
        %dma_wait3A_348 = tpu.memref_slice %arg8[%dma_wait3A_346, %dma_wait3A_347] : memref<10016x64xf32, #tpu.memory_space<vmem_shared>> -> memref<10016x64xf32, #tpu.memory_space<vmem_shared>>
        tpu.wait_indirect_dma semaphore(%arg29 : memref<!tpu.dma_semaphore, #tpu.memory_space<semaphore_mem>>) src(%arg11 : memref<112x64xf32, #tpu.memory_space<vmem>>) dst(%dma_wait3A_348 : memref<10016x64xf32, #tpu.memory_space<vmem_shared>>)
      } else {
      }
      %add3A_307 = arith.constant 4 : i32
      %add3A_308 = arith.addi %add3A_289, %add3A_307 : i32
      %lt3A_309 = arith.constant 90 : i32
      %lt3A_310 = arith.cmpi slt, %add3A_308, %lt3A_309 : i32
      %convert_element_type3A_311 = arith.extui %lt3A_310 : i1 to i32
      %cond3A_312 = arith.constant 0 : i32
      %cond3A_313 = arith.cmpi ne, %convert_element_type3A_311, %cond3A_312 : i32
      scf.if %cond3A_313 {
        %add3A_343 = arith.constant 4 : i32
        %add3A_344 = arith.addi %add3A_289, %add3A_343 : i32
        %dma_start3A_345 = arith.constant 0 : i32
        %dma_start3A_346 = tpu.memref_slice %arg6[%add3A_344, %dma_start3A_345] : memref<90x112xi32, #tpu.memory_space<vmem>> -> memref<1x112xi32, #tpu.memory_space<vmem>>
        %dma_start3A_347 = tpu.memref_squeeze %dma_start3A_346 : memref<1x112xi32, #tpu.memory_space<vmem>> -> memref<112xi32, #tpu.memory_space<vmem>>
        %dma_start3A_348 = arith.constant 0 : i32
        %dma_start3A_349 = arith.constant 0 : i32
        %dma_start3A_350 = tpu.memref_slice %arg2[%dma_start3A_348, %dma_start3A_349] : memref<10000x64xf32, #tpu.memory_space<hbm>> -> memref<10000x64xf32, #tpu.memory_space<hbm>>
        tpu.enqueue_indirect_dma source(%dma_start3A_350 : memref<10000x64xf32, #tpu.memory_space<hbm>>) target(%arg11 : memref<112x64xf32, #tpu.memory_space<vmem>>) offsets(%dma_start3A_347 : memref<112xi32, #tpu.memory_space<vmem>>) semaphore(%arg20 : memref<!tpu.dma_semaphore, #tpu.memory_space<semaphore_mem>>)
      } else {
      }
      %mul3A_314 = arith.constant 9 : i32
      %mul3A_315 = arith.muli %scan3A_92, %mul3A_314 : i32
      %add3A_316 = arith.constant 8 : i32
      %add3A_317 = arith.addi %mul3A_315, %add3A_316 : i32
      %dma_wait3A_318 = arith.constant 0 : i32
      %dma_wait3A_319 = tpu.memref_slice %arg6[%add3A_317, %dma_wait3A_318] : memref<90x112xi32, #tpu.memory_space<vmem>> -> memref<1x112xi32, #tpu.memory_space<vmem>>
      %dma_wait3A_320 = tpu.memref_squeeze %dma_wait3A_319 : memref<1x112xi32, #tpu.memory_space<vmem>> -> memref<112xi32, #tpu.memory_space<vmem>>
      %dma_wait3A_321 = arith.constant 0 : i32
      %dma_wait3A_322 = arith.constant 0 : i32
      %dma_wait3A_323 = tpu.memref_slice %arg2[%dma_wait3A_321, %dma_wait3A_322] : memref<10000x64xf32, #tpu.memory_space<hbm>> -> memref<10000x64xf32, #tpu.memory_space<hbm>>
      tpu.wait_indirect_dma semaphore(%arg26 : memref<!tpu.dma_semaphore, #tpu.memory_space<semaphore_mem>>) src(%dma_wait3A_323 : memref<10000x64xf32, #tpu.memory_space<hbm>>) dst(%arg17 : memref<112x64xf32, #tpu.memory_space<vmem>>)
      %dma_start3A_324 = arith.constant 0 : i32
      %dma_start3A_325 = tpu.memref_slice %arg7[%add3A_317, %dma_start3A_324] : memref<90x112xi32, #tpu.memory_space<vmem>> -> memref<1x112xi32, #tpu.memory_space<vmem>>
      %dma_start3A_326 = tpu.memref_squeeze %dma_start3A_325 : memref<1x112xi32, #tpu.memory_space<vmem>> -> memref<112xi32, #tpu.memory_space<vmem>>
      %dma_start3A_327 = arith.constant 0 : i32
      %dma_start3A_328 = arith.constant 0 : i32
      %dma_start3A_329 = tpu.memref_slice %arg8[%dma_start3A_327, %dma_start3A_328] : memref<10016x64xf32, #tpu.memory_space<vmem_shared>> -> memref<10016x64xf32, #tpu.memory_space<vmem_shared>>
      tpu.enqueue_indirect_dma source(%arg17 : memref<112x64xf32, #tpu.memory_space<vmem>>) target(%dma_start3A_329 : memref<10016x64xf32, #tpu.memory_space<vmem_shared>>) offsets(%dma_start3A_326 : memref<112xi32, #tpu.memory_space<vmem>>) semaphore(%arg35 : memref<!tpu.dma_semaphore, #tpu.memory_space<semaphore_mem>>) {add = true}
      %ge3A_330 = arith.constant 5 : i32
      %ge3A_331 = arith.cmpi sge, %add3A_317, %ge3A_330 : i32
      %convert_element_type3A_332 = arith.extui %ge3A_331 : i1 to i32
      %cond3A_333 = arith.constant 0 : i32
      %cond3A_334 = arith.cmpi ne, %convert_element_type3A_332, %cond3A_333 : i32
      scf.if %cond3A_334 {
        %dma_wait3A_343 = arith.constant 0 : i32
        %dma_wait3A_344 = tpu.memref_slice %arg7[%add3A_317, %dma_wait3A_343] : memref<90x112xi32, #tpu.memory_space<vmem>> -> memref<1x112xi32, #tpu.memory_space<vmem>>
        %dma_wait3A_345 = tpu.memref_squeeze %dma_wait3A_344 : memref<1x112xi32, #tpu.memory_space<vmem>> -> memref<112xi32, #tpu.memory_space<vmem>>
        %dma_wait3A_346 = arith.constant 0 : i32
        %dma_wait3A_347 = arith.constant 0 : i32
        %dma_wait3A_348 = tpu.memref_slice %arg8[%dma_wait3A_346, %dma_wait3A_347] : memref<10016x64xf32, #tpu.memory_space<vmem_shared>> -> memref<10016x64xf32, #tpu.memory_space<vmem_shared>>
        tpu.wait_indirect_dma semaphore(%arg30 : memref<!tpu.dma_semaphore, #tpu.memory_space<semaphore_mem>>) src(%arg12 : memref<112x64xf32, #tpu.memory_space<vmem>>) dst(%dma_wait3A_348 : memref<10016x64xf32, #tpu.memory_space<vmem_shared>>)
      } else {
      }
      %add3A_335 = arith.constant 4 : i32
      %add3A_336 = arith.addi %add3A_317, %add3A_335 : i32
      %lt3A_337 = arith.constant 90 : i32
      %lt3A_338 = arith.cmpi slt, %add3A_336, %lt3A_337 : i32
      %convert_element_type3A_339 = arith.extui %lt3A_338 : i1 to i32
      %cond3A_340 = arith.constant 0 : i32
      %cond3A_341 = arith.cmpi ne, %convert_element_type3A_339, %cond3A_340 : i32
      scf.if %cond3A_341 {
        %add3A_343 = arith.constant 4 : i32
        %add3A_344 = arith.addi %add3A_317, %add3A_343 : i32
        %dma_start3A_345 = arith.constant 0 : i32
        %dma_start3A_346 = tpu.memref_slice %arg6[%add3A_344, %dma_start3A_345] : memref<90x112xi32, #tpu.memory_space<vmem>> -> memref<1x112xi32, #tpu.memory_space<vmem>>
        %dma_start3A_347 = tpu.memref_squeeze %dma_start3A_346 : memref<1x112xi32, #tpu.memory_space<vmem>> -> memref<112xi32, #tpu.memory_space<vmem>>
        %dma_start3A_348 = arith.constant 0 : i32
        %dma_start3A_349 = arith.constant 0 : i32
        %dma_start3A_350 = tpu.memref_slice %arg2[%dma_start3A_348, %dma_start3A_349] : memref<10000x64xf32, #tpu.memory_space<hbm>> -> memref<10000x64xf32, #tpu.memory_space<hbm>>
        tpu.enqueue_indirect_dma source(%dma_start3A_350 : memref<10000x64xf32, #tpu.memory_space<hbm>>) target(%arg12 : memref<112x64xf32, #tpu.memory_space<vmem>>) offsets(%dma_start3A_347 : memref<112xi32, #tpu.memory_space<vmem>>) semaphore(%arg21 : memref<!tpu.dma_semaphore, #tpu.memory_space<semaphore_mem>>)
      } else {
      }
      %scan3A_342 = arith.constant 0 : i32
      scf.yield %scan3A_342 : i32
    }
    %scan3A_52 = arith.constant 10 : i32
    %dma_wait3A = arith.constant 0 : i32
    %dma_wait3A_53 = arith.constant 0 : i32
    %dma_wait3A_54 = tpu.memref_slice %arg7[%dma_wait3A, %dma_wait3A_53] : memref<90x112xi32, #tpu.memory_space<vmem>> -> memref<1x112xi32, #tpu.memory_space<vmem>>
    %dma_wait3A_55 = tpu.memref_squeeze %dma_wait3A_54 : memref<1x112xi32, #tpu.memory_space<vmem>> -> memref<112xi32, #tpu.memory_space<vmem>>
    %dma_wait3A_56 = arith.constant 0 : i32
    %dma_wait3A_57 = arith.constant 0 : i32
    %dma_wait3A_58 = tpu.memref_slice %arg8[%dma_wait3A_56, %dma_wait3A_57] : memref<10016x64xf32, #tpu.memory_space<vmem_shared>> -> memref<10016x64xf32, #tpu.memory_space<vmem_shared>>
    tpu.wait_indirect_dma semaphore(%arg31 : memref<!tpu.dma_semaphore, #tpu.memory_space<semaphore_mem>>) src(%arg13 : memref<112x64xf32, #tpu.memory_space<vmem>>) dst(%dma_wait3A_58 : memref<10016x64xf32, #tpu.memory_space<vmem_shared>>)
    %dma_wait3A_59 = arith.constant 0 : i32
    %dma_wait3A_60 = arith.constant 0 : i32
    %dma_wait3A_61 = tpu.memref_slice %arg7[%dma_wait3A_59, %dma_wait3A_60] : memref<90x112xi32, #tpu.memory_space<vmem>> -> memref<1x112xi32, #tpu.memory_space<vmem>>
    %dma_wait3A_62 = tpu.memref_squeeze %dma_wait3A_61 : memref<1x112xi32, #tpu.memory_space<vmem>> -> memref<112xi32, #tpu.memory_space<vmem>>
    %dma_wait3A_63 = arith.constant 0 : i32
    %dma_wait3A_64 = arith.constant 0 : i32
    %dma_wait3A_65 = tpu.memref_slice %arg8[%dma_wait3A_63, %dma_wait3A_64] : memref<10016x64xf32, #tpu.memory_space<vmem_shared>> -> memref<10016x64xf32, #tpu.memory_space<vmem_shared>>
    tpu.wait_indirect_dma semaphore(%arg32 : memref<!tpu.dma_semaphore, #tpu.memory_space<semaphore_mem>>) src(%arg14 : memref<112x64xf32, #tpu.memory_space<vmem>>) dst(%dma_wait3A_65 : memref<10016x64xf32, #tpu.memory_space<vmem_shared>>)
    %dma_wait3A_66 = arith.constant 0 : i32
    %dma_wait3A_67 = arith.constant 0 : i32
    %dma_wait3A_68 = tpu.memref_slice %arg7[%dma_wait3A_66, %dma_wait3A_67] : memref<90x112xi32, #tpu.memory_space<vmem>> -> memref<1x112xi32, #tpu.memory_space<vmem>>
    %dma_wait3A_69 = tpu.memref_squeeze %dma_wait3A_68 : memref<1x112xi32, #tpu.memory_space<vmem>> -> memref<112xi32, #tpu.memory_space<vmem>>
    %dma_wait3A_70 = arith.constant 0 : i32
    %dma_wait3A_71 = arith.constant 0 : i32
    %dma_wait3A_72 = tpu.memref_slice %arg8[%dma_wait3A_70, %dma_wait3A_71] : memref<10016x64xf32, #tpu.memory_space<vmem_shared>> -> memref<10016x64xf32, #tpu.memory_space<vmem_shared>>
    tpu.wait_indirect_dma semaphore(%arg33 : memref<!tpu.dma_semaphore, #tpu.memory_space<semaphore_mem>>) src(%arg15 : memref<112x64xf32, #tpu.memory_space<vmem>>) dst(%dma_wait3A_72 : memref<10016x64xf32, #tpu.memory_space<vmem_shared>>)
    %dma_wait3A_73 = arith.constant 0 : i32
    %dma_wait3A_74 = arith.constant 0 : i32
    %dma_wait3A_75 = tpu.memref_slice %arg7[%dma_wait3A_73, %dma_wait3A_74] : memref<90x112xi32, #tpu.memory_space<vmem>> -> memref<1x112xi32, #tpu.memory_space<vmem>>
    %dma_wait3A_76 = tpu.memref_squeeze %dma_wait3A_75 : memref<1x112xi32, #tpu.memory_space<vmem>> -> memref<112xi32, #tpu.memory_space<vmem>>
    %dma_wait3A_77 = arith.constant 0 : i32
    %dma_wait3A_78 = arith.constant 0 : i32
    %dma_wait3A_79 = tpu.memref_slice %arg8[%dma_wait3A_77, %dma_wait3A_78] : memref<10016x64xf32, #tpu.memory_space<vmem_shared>> -> memref<10016x64xf32, #tpu.memory_space<vmem_shared>>
    tpu.wait_indirect_dma semaphore(%arg34 : memref<!tpu.dma_semaphore, #tpu.memory_space<semaphore_mem>>) src(%arg16 : memref<112x64xf32, #tpu.memory_space<vmem>>) dst(%dma_wait3A_79 : memref<10016x64xf32, #tpu.memory_space<vmem_shared>>)
    %dma_wait3A_80 = arith.constant 0 : i32
    %dma_wait3A_81 = arith.constant 0 : i32
    %dma_wait3A_82 = tpu.memref_slice %arg7[%dma_wait3A_80, %dma_wait3A_81] : memref<90x112xi32, #tpu.memory_space<vmem>> -> memref<1x112xi32, #tpu.memory_space<vmem>>
    %dma_wait3A_83 = tpu.memref_squeeze %dma_wait3A_82 : memref<1x112xi32, #tpu.memory_space<vmem>> -> memref<112xi32, #tpu.memory_space<vmem>>
    %dma_wait3A_84 = arith.constant 0 : i32
    %dma_wait3A_85 = arith.constant 0 : i32
    %dma_wait3A_86 = tpu.memref_slice %arg8[%dma_wait3A_84, %dma_wait3A_85] : memref<10016x64xf32, #tpu.memory_space<vmem_shared>> -> memref<10016x64xf32, #tpu.memory_space<vmem_shared>>
    tpu.wait_indirect_dma semaphore(%arg35 : memref<!tpu.dma_semaphore, #tpu.memory_space<semaphore_mem>>) src(%arg17 : memref<112x64xf32, #tpu.memory_space<vmem>>) dst(%dma_wait3A_86 : memref<10016x64xf32, #tpu.memory_space<vmem_shared>>)
    %barrier3A_87 = arith.constant 0 : index
    tpu.barrier barrier_id(%barrier3A_87)
    %mul3A_88 = arith.constant 626 : i32
    %mul3A_89 = arith.muli %arg1, %mul3A_88 : i32
    %mul3A_90 = arith.constant 626 : i32
    %mul3A_91 = arith.muli %arg1, %mul3A_90 : i32
    "tpu.region"() ({
      %run_scoped3A = tpu.sem_alloc : memref<!tpu.dma_semaphore, #tpu.memory_space<semaphore_mem>>
      %dma_start3A_92 = arith.constant 0 : i32
      %dma_start3A_93 = tpu.memref_slice %arg5[%arg0, %mul3A_91, %dma_start3A_92] : memref<2x10016x64xf32, #tpu.memory_space<hbm>> -> memref<1x626x64xf32, #tpu.memory_space<hbm>>
      %dma_start3A_94 = tpu.memref_squeeze %dma_start3A_93 : memref<1x626x64xf32, #tpu.memory_space<hbm>> -> memref<626x64xf32, #tpu.memory_space<hbm>>
      %dma_start3A_95 = arith.constant 0 : i32
      %dma_start3A_96 = tpu.memref_slice %arg8[%mul3A_89, %dma_start3A_95] : memref<10016x64xf32, #tpu.memory_space<vmem_shared>> -> memref<626x64xf32, #tpu.memory_space<vmem_shared>>
      tpu.enqueue_dma source(%dma_start3A_96 : memref<626x64xf32, #tpu.memory_space<vmem_shared>>) target(%dma_start3A_94 : memref<626x64xf32, #tpu.memory_space<hbm>>) target_semaphore(%run_scoped3A : memref<!tpu.dma_semaphore, #tpu.memory_space<semaphore_mem>>)
      %dma_wait3A_97 = arith.constant 0 : i32
      %dma_wait3A_98 = tpu.memref_slice %arg5[%arg0, %mul3A_91, %dma_wait3A_97] : memref<2x10016x64xf32, #tpu.memory_space<hbm>> -> memref<1x626x64xf32, #tpu.memory_space<hbm>>
      %dma_wait3A_99 = tpu.memref_squeeze %dma_wait3A_98 : memref<1x626x64xf32, #tpu.memory_space<hbm>> -> memref<626x64xf32, #tpu.memory_space<hbm>>
      %dma_wait3A_100 = arith.constant 0 : i32
      %dma_wait3A_101 = tpu.memref_slice %arg8[%mul3A_89, %dma_wait3A_100] : memref<10016x64xf32, #tpu.memory_space<vmem_shared>> -> memref<626x64xf32, #tpu.memory_space<vmem_shared>>
      tpu.wait_dma2 semaphore(%run_scoped3A : memref<!tpu.dma_semaphore, #tpu.memory_space<semaphore_mem>>) src(%dma_wait3A_101 : memref<626x64xf32, #tpu.memory_space<vmem_shared>>) dst(%dma_wait3A_99 : memref<626x64xf32, #tpu.memory_space<hbm>>)
      tpu.yield
    }) : () -> ()
    return
  }
}

#map = affine_map<(d0, d1) -> (0, 0)>
#map1 = affine_map<(d0, d1) -> (0, 0, 0)>
module attributes {stable_mosaic.version = 14 : i64} {
  func.func @agg(%arg0: i32, %arg1: i32, %arg2: memref<10000x128xf32, #tpu.memory_space<hbm>>, %arg3: memref<32x90x112xi32, #tpu.memory_space<hbm>>, %arg4: memref<32x90x112xi32, #tpu.memory_space<hbm>>, %arg5: memref<2x10016x128xf32, #tpu.memory_space<hbm>>, %arg6: memref<90x112xi32, #tpu.memory_space<vmem>>, %arg7: memref<90x112xi32, #tpu.memory_space<vmem>>, %arg8: memref<10016x128xf32, #tpu.memory_space<vmem_shared>>, %arg9: memref<112x128xf32, #tpu.memory_space<vmem>>, %arg10: memref<112x128xf32, #tpu.memory_space<vmem>>, %arg11: memref<!tpu.dma_semaphore, #tpu.memory_space<semaphore_mem>>, %arg12: memref<!tpu.dma_semaphore, #tpu.memory_space<semaphore_mem>>, %arg13: memref<!tpu.dma_semaphore, #tpu.memory_space<semaphore_mem>>, %arg14: memref<!tpu.dma_semaphore, #tpu.memory_space<semaphore_mem>>) attributes {dimension_semantics = [#tpu.dimension_semantics<core_parallel>, #tpu.dimension_semantics<subcore_parallel>], iteration_bounds = array<i64: 2, 16>, scalar_prefetch = 0 : i64, scratch_operands = 9 : i64, tpu.core_type = #tpu.core_type<sc_vector_subcore>, window_params = [{transform_indices = #map}, {transform_indices = #map1}, {transform_indices = #map1}, {transform_indices = #map1}]} {
    %mul3A = arith.constant 2 : i32
    %mul3A_0 = arith.muli %arg1, %mul3A : i32
    %add3A = arith.addi %mul3A_0, %arg0 : i32
    "tpu.region"() ({
      %run_scoped3A = tpu.sem_alloc : memref<!tpu.dma_semaphore, #tpu.memory_space<semaphore_mem>>
      %dma_start3A_43 = arith.constant 0 : i32
      %dma_start3A_44 = arith.constant 0 : i32
      %dma_start3A_45 = tpu.memref_slice %arg3[%add3A, %dma_start3A_43, %dma_start3A_44] : memref<32x90x112xi32, #tpu.memory_space<hbm>> -> memref<1x90x112xi32, #tpu.memory_space<hbm>>
      %dma_start3A_46 = tpu.memref_squeeze %dma_start3A_45 : memref<1x90x112xi32, #tpu.memory_space<hbm>> -> memref<90x112xi32, #tpu.memory_space<hbm>>
      %dma_start3A_47 = arith.constant 0 : i32
      %dma_start3A_48 = arith.constant 0 : i32
      %dma_start3A_49 = tpu.memref_slice %arg3[%add3A, %dma_start3A_47, %dma_start3A_48] : memref<32x90x112xi32, #tpu.memory_space<hbm>> -> memref<1x90x112xi32, #tpu.memory_space<hbm>>
      %dma_start3A_50 = tpu.memref_squeeze %dma_start3A_49 : memref<1x90x112xi32, #tpu.memory_space<hbm>> -> memref<90x112xi32, #tpu.memory_space<hbm>>
      tpu.enqueue_dma source(%dma_start3A_50 : memref<90x112xi32, #tpu.memory_space<hbm>>) target(%arg6 : memref<90x112xi32, #tpu.memory_space<vmem>>) target_semaphore(%run_scoped3A : memref<!tpu.dma_semaphore, #tpu.memory_space<semaphore_mem>>)
      %dma_wait3A_51 = arith.constant 0 : i32
      %dma_wait3A_52 = arith.constant 0 : i32
      %dma_wait3A_53 = tpu.memref_slice %arg3[%add3A, %dma_wait3A_51, %dma_wait3A_52] : memref<32x90x112xi32, #tpu.memory_space<hbm>> -> memref<1x90x112xi32, #tpu.memory_space<hbm>>
      %dma_wait3A_54 = tpu.memref_squeeze %dma_wait3A_53 : memref<1x90x112xi32, #tpu.memory_space<hbm>> -> memref<90x112xi32, #tpu.memory_space<hbm>>
      %dma_wait3A_55 = arith.constant 0 : i32
      %dma_wait3A_56 = arith.constant 0 : i32
      %dma_wait3A_57 = tpu.memref_slice %arg3[%add3A, %dma_wait3A_55, %dma_wait3A_56] : memref<32x90x112xi32, #tpu.memory_space<hbm>> -> memref<1x90x112xi32, #tpu.memory_space<hbm>>
      %dma_wait3A_58 = tpu.memref_squeeze %dma_wait3A_57 : memref<1x90x112xi32, #tpu.memory_space<hbm>> -> memref<90x112xi32, #tpu.memory_space<hbm>>
      tpu.wait_dma2 semaphore(%run_scoped3A : memref<!tpu.dma_semaphore, #tpu.memory_space<semaphore_mem>>) src(%dma_wait3A_58 : memref<90x112xi32, #tpu.memory_space<hbm>>) dst(%arg6 : memref<90x112xi32, #tpu.memory_space<vmem>>)
      tpu.yield
    }) : () -> ()
    "tpu.region"() ({
      %run_scoped3A = tpu.sem_alloc : memref<!tpu.dma_semaphore, #tpu.memory_space<semaphore_mem>>
      %dma_start3A_43 = arith.constant 0 : i32
      %dma_start3A_44 = arith.constant 0 : i32
      %dma_start3A_45 = tpu.memref_slice %arg4[%add3A, %dma_start3A_43, %dma_start3A_44] : memref<32x90x112xi32, #tpu.memory_space<hbm>> -> memref<1x90x112xi32, #tpu.memory_space<hbm>>
      %dma_start3A_46 = tpu.memref_squeeze %dma_start3A_45 : memref<1x90x112xi32, #tpu.memory_space<hbm>> -> memref<90x112xi32, #tpu.memory_space<hbm>>
      %dma_start3A_47 = arith.constant 0 : i32
      %dma_start3A_48 = arith.constant 0 : i32
      %dma_start3A_49 = tpu.memref_slice %arg4[%add3A, %dma_start3A_47, %dma_start3A_48] : memref<32x90x112xi32, #tpu.memory_space<hbm>> -> memref<1x90x112xi32, #tpu.memory_space<hbm>>
      %dma_start3A_50 = tpu.memref_squeeze %dma_start3A_49 : memref<1x90x112xi32, #tpu.memory_space<hbm>> -> memref<90x112xi32, #tpu.memory_space<hbm>>
      tpu.enqueue_dma source(%dma_start3A_50 : memref<90x112xi32, #tpu.memory_space<hbm>>) target(%arg7 : memref<90x112xi32, #tpu.memory_space<vmem>>) target_semaphore(%run_scoped3A : memref<!tpu.dma_semaphore, #tpu.memory_space<semaphore_mem>>)
      %dma_wait3A_51 = arith.constant 0 : i32
      %dma_wait3A_52 = arith.constant 0 : i32
      %dma_wait3A_53 = tpu.memref_slice %arg4[%add3A, %dma_wait3A_51, %dma_wait3A_52] : memref<32x90x112xi32, #tpu.memory_space<hbm>> -> memref<1x90x112xi32, #tpu.memory_space<hbm>>
      %dma_wait3A_54 = tpu.memref_squeeze %dma_wait3A_53 : memref<1x90x112xi32, #tpu.memory_space<hbm>> -> memref<90x112xi32, #tpu.memory_space<hbm>>
      %dma_wait3A_55 = arith.constant 0 : i32
      %dma_wait3A_56 = arith.constant 0 : i32
      %dma_wait3A_57 = tpu.memref_slice %arg4[%add3A, %dma_wait3A_55, %dma_wait3A_56] : memref<32x90x112xi32, #tpu.memory_space<hbm>> -> memref<1x90x112xi32, #tpu.memory_space<hbm>>
      %dma_wait3A_58 = tpu.memref_squeeze %dma_wait3A_57 : memref<1x90x112xi32, #tpu.memory_space<hbm>> -> memref<90x112xi32, #tpu.memory_space<hbm>>
      tpu.wait_dma2 semaphore(%run_scoped3A : memref<!tpu.dma_semaphore, #tpu.memory_space<semaphore_mem>>) src(%dma_wait3A_58 : memref<90x112xi32, #tpu.memory_space<hbm>>) dst(%arg7 : memref<90x112xi32, #tpu.memory_space<vmem>>)
      tpu.yield
    }) : () -> ()
    %broadcast_in_dim3A = arith.constant 0.000000e+00 : f32
    %broadcast_in_dim3A_1 = vector.broadcast %broadcast_in_dim3A : f32 to vector<16xf32>
    %scan3A = arith.constant 0 : i32
    %scan3A_2 = arith.constant 0 : i32
    %scan3A_3 = arith.constant 112 : i32
    %scan3A_4 = arith.addi %scan3A_2, %scan3A_3 : i32
    %scan3A_5 = arith.constant 1 : i32
    %scan3A_6 = scf.for %scan3A_43 = %scan3A_2 to %scan3A_4 step %scan3A_5 iter_args(%scan3A_44 = %scan3A) -> (i32)  : i32 {
      %scan3A_45 = arith.constant 0 : i32
      %scan3A_46 = arith.constant 0 : i32
      %scan3A_47 = arith.constant 8 : i32
      %scan3A_48 = arith.addi %scan3A_46, %scan3A_47 : i32
      %scan3A_49 = arith.constant 1 : i32
      %scan3A_50 = scf.for %scan3A_52 = %scan3A_46 to %scan3A_48 step %scan3A_49 iter_args(%scan3A_53 = %scan3A_45) -> (i32)  : i32 {
        %mul3A_54 = arith.constant 16 : i32
        %mul3A_55 = arith.muli %scan3A_52, %mul3A_54 : i32
        %swap3A = arith.index_cast %scan3A_43 : i32 to index
        %swap3A_56 = arith.index_cast %mul3A_55 : i32 to index
        %swap3A_57 = tpu.vector_load %arg9[%swap3A, %swap3A_56] {strides = array<i32>} : memref<112x128xf32, #tpu.memory_space<vmem>>, vector<1x16xf32>,
        %swap3A_58 = vector.shape_cast %swap3A_57 : vector<1x16xf32> to vector<16xf32>
        %swap3A_59 = vector.shape_cast %broadcast_in_dim3A_1 : vector<16xf32> to vector<1x16xf32>
        tpu.vector_store %arg9[%swap3A, %swap3A_56], %swap3A_59 {strides = array<i32>} : memref<112x128xf32, #tpu.memory_space<vmem>>, vector<1x16xf32>,
        %scan3A_60 = arith.constant 0 : i32
        scf.yield %scan3A_60 : i32
      }
      %scan3A_51 = arith.constant 8 : i32
      scf.yield %scan3A_50 : i32
    }
    %scan3A_7 = arith.constant 112 : i32
    %scan3A_8 = arith.constant 0 : i32
    %scan3A_9 = arith.constant 0 : i32
    %scan3A_10 = arith.constant 5 : i32
    %scan3A_11 = arith.addi %scan3A_9, %scan3A_10 : i32
    %scan3A_12 = arith.constant 1 : i32
    %scan3A_13 = scf.for %scan3A_43 = %scan3A_9 to %scan3A_11 step %scan3A_12 iter_args(%scan3A_44 = %scan3A_8) -> (i32)  : i32 {
      %mul3A_45 = arith.constant 626 : i32
      %mul3A_46 = arith.muli %arg1, %mul3A_45 : i32
      %mul3A_47 = arith.constant 112 : i32
      %mul3A_48 = arith.muli %scan3A_43, %mul3A_47 : i32
      %add3A_49 = arith.addi %mul3A_46, %mul3A_48 : i32
      "tpu.region"() ({
        %run_scoped3A = tpu.sem_alloc : memref<!tpu.dma_semaphore, #tpu.memory_space<semaphore_mem>>
        %dma_start3A_51 = arith.constant 0 : i32
        %dma_start3A_52 = tpu.memref_slice %arg8[%add3A_49, %dma_start3A_51] : memref<10016x128xf32, #tpu.memory_space<vmem_shared>> -> memref<112x128xf32, #tpu.memory_space<vmem_shared>>
        %dma_start3A_53 = arith.constant 0 : i32
        %dma_start3A_54 = tpu.memref_slice %arg8[%add3A_49, %dma_start3A_53] : memref<10016x128xf32, #tpu.memory_space<vmem_shared>> -> memref<112x128xf32, #tpu.memory_space<vmem_shared>>
        tpu.enqueue_dma source(%arg9 : memref<112x128xf32, #tpu.memory_space<vmem>>) target(%dma_start3A_54 : memref<112x128xf32, #tpu.memory_space<vmem_shared>>) target_semaphore(%run_scoped3A : memref<!tpu.dma_semaphore, #tpu.memory_space<semaphore_mem>>)
        %dma_wait3A_55 = arith.constant 0 : i32
        %dma_wait3A_56 = tpu.memref_slice %arg8[%add3A_49, %dma_wait3A_55] : memref<10016x128xf32, #tpu.memory_space<vmem_shared>> -> memref<112x128xf32, #tpu.memory_space<vmem_shared>>
        %dma_wait3A_57 = arith.constant 0 : i32
        %dma_wait3A_58 = tpu.memref_slice %arg8[%add3A_49, %dma_wait3A_57] : memref<10016x128xf32, #tpu.memory_space<vmem_shared>> -> memref<112x128xf32, #tpu.memory_space<vmem_shared>>
        tpu.wait_dma2 semaphore(%run_scoped3A : memref<!tpu.dma_semaphore, #tpu.memory_space<semaphore_mem>>) src(%arg9 : memref<112x128xf32, #tpu.memory_space<vmem>>) dst(%dma_wait3A_58 : memref<112x128xf32, #tpu.memory_space<vmem_shared>>)
        tpu.yield
      }) : () -> ()
      %scan3A_50 = arith.constant 0 : i32
      scf.yield %scan3A_50 : i32
    }
    %scan3A_14 = arith.constant 5 : i32
    %mul3A_15 = arith.constant 626 : i32
    %mul3A_16 = arith.muli %arg1, %mul3A_15 : i32
    %add3A_17 = arith.constant 560 : i32
    %add3A_18 = arith.addi %mul3A_16, %add3A_17 : i32
    "tpu.region"() ({
      %run_scoped3A = tpu.sem_alloc : memref<!tpu.dma_semaphore, #tpu.memory_space<semaphore_mem>>
      %dma_start3A_43 = arith.constant 0 : i32
      %dma_start3A_44 = arith.constant 0 : i32
      %dma_start3A_45 = tpu.memref_slice %arg9[%dma_start3A_43, %dma_start3A_44] : memref<112x128xf32, #tpu.memory_space<vmem>> -> memref<66x128xf32, #tpu.memory_space<vmem>>
      %dma_start3A_46 = arith.constant 0 : i32
      %dma_start3A_47 = tpu.memref_slice %arg8[%add3A_18, %dma_start3A_46] : memref<10016x128xf32, #tpu.memory_space<vmem_shared>> -> memref<66x128xf32, #tpu.memory_space<vmem_shared>>
      %dma_start3A_48 = arith.constant 0 : i32
      %dma_start3A_49 = tpu.memref_slice %arg8[%add3A_18, %dma_start3A_48] : memref<10016x128xf32, #tpu.memory_space<vmem_shared>> -> memref<66x128xf32, #tpu.memory_space<vmem_shared>>
      %dma_start3A_50 = arith.constant 0 : i32
      %dma_start3A_51 = arith.constant 0 : i32
      %dma_start3A_52 = tpu.memref_slice %arg9[%dma_start3A_50, %dma_start3A_51] : memref<112x128xf32, #tpu.memory_space<vmem>> -> memref<66x128xf32, #tpu.memory_space<vmem>>
      tpu.enqueue_dma source(%dma_start3A_52 : memref<66x128xf32, #tpu.memory_space<vmem>>) target(%dma_start3A_49 : memref<66x128xf32, #tpu.memory_space<vmem_shared>>) target_semaphore(%run_scoped3A : memref<!tpu.dma_semaphore, #tpu.memory_space<semaphore_mem>>)
      %dma_wait3A_53 = arith.constant 0 : i32
      %dma_wait3A_54 = arith.constant 0 : i32
      %dma_wait3A_55 = tpu.memref_slice %arg9[%dma_wait3A_53, %dma_wait3A_54] : memref<112x128xf32, #tpu.memory_space<vmem>> -> memref<66x128xf32, #tpu.memory_space<vmem>>
      %dma_wait3A_56 = arith.constant 0 : i32
      %dma_wait3A_57 = tpu.memref_slice %arg8[%add3A_18, %dma_wait3A_56] : memref<10016x128xf32, #tpu.memory_space<vmem_shared>> -> memref<66x128xf32, #tpu.memory_space<vmem_shared>>
      %dma_wait3A_58 = arith.constant 0 : i32
      %dma_wait3A_59 = tpu.memref_slice %arg8[%add3A_18, %dma_wait3A_58] : memref<10016x128xf32, #tpu.memory_space<vmem_shared>> -> memref<66x128xf32, #tpu.memory_space<vmem_shared>>
      %dma_wait3A_60 = arith.constant 0 : i32
      %dma_wait3A_61 = arith.constant 0 : i32
      %dma_wait3A_62 = tpu.memref_slice %arg9[%dma_wait3A_60, %dma_wait3A_61] : memref<112x128xf32, #tpu.memory_space<vmem>> -> memref<66x128xf32, #tpu.memory_space<vmem>>
      tpu.wait_dma2 semaphore(%run_scoped3A : memref<!tpu.dma_semaphore, #tpu.memory_space<semaphore_mem>>) src(%dma_wait3A_62 : memref<66x128xf32, #tpu.memory_space<vmem>>) dst(%dma_wait3A_59 : memref<66x128xf32, #tpu.memory_space<vmem_shared>>)
      tpu.yield
    }) : () -> ()
    %barrier3A = arith.constant 0 : index
    tpu.barrier barrier_id(%barrier3A)
    %dma_start3A = arith.constant 0 : i32
    %dma_start3A_19 = arith.constant 0 : i32
    %dma_start3A_20 = tpu.memref_slice %arg6[%dma_start3A, %dma_start3A_19] : memref<90x112xi32, #tpu.memory_space<vmem>> -> memref<1x112xi32, #tpu.memory_space<vmem>>
    %dma_start3A_21 = tpu.memref_squeeze %dma_start3A_20 : memref<1x112xi32, #tpu.memory_space<vmem>> -> memref<112xi32, #tpu.memory_space<vmem>>
    %dma_start3A_22 = arith.constant 0 : i32
    %dma_start3A_23 = arith.constant 0 : i32
    %dma_start3A_24 = tpu.memref_slice %arg2[%dma_start3A_22, %dma_start3A_23] : memref<10000x128xf32, #tpu.memory_space<hbm>> -> memref<10000x128xf32, #tpu.memory_space<hbm>>
    tpu.enqueue_indirect_dma source(%dma_start3A_24 : memref<10000x128xf32, #tpu.memory_space<hbm>>) target(%arg9 : memref<112x128xf32, #tpu.memory_space<vmem>>) offsets(%dma_start3A_21 : memref<112xi32, #tpu.memory_space<vmem>>) semaphore(%arg11 : memref<!tpu.dma_semaphore, #tpu.memory_space<semaphore_mem>>)
    %scan3A_25 = arith.constant 0 : i32
    %scan3A_26 = arith.constant 0 : i32
    %scan3A_27 = arith.constant 45 : i32
    %scan3A_28 = arith.addi %scan3A_26, %scan3A_27 : i32
    %scan3A_29 = arith.constant 1 : i32
    %scan3A_30 = scf.for %scan3A_43 = %scan3A_26 to %scan3A_28 step %scan3A_29 iter_args(%scan3A_44 = %scan3A_25) -> (i32)  : i32 {
      %mul3A_45 = arith.constant 2 : i32
      %mul3A_46 = arith.muli %scan3A_43, %mul3A_45 : i32
      %add3A_47 = arith.constant 0 : i32
      %add3A_48 = arith.addi %mul3A_46, %add3A_47 : i32
      %dma_wait3A_49 = arith.constant 0 : i32
      %dma_wait3A_50 = tpu.memref_slice %arg6[%add3A_48, %dma_wait3A_49] : memref<90x112xi32, #tpu.memory_space<vmem>> -> memref<1x112xi32, #tpu.memory_space<vmem>>
      %dma_wait3A_51 = tpu.memref_squeeze %dma_wait3A_50 : memref<1x112xi32, #tpu.memory_space<vmem>> -> memref<112xi32, #tpu.memory_space<vmem>>
      %dma_wait3A_52 = arith.constant 0 : i32
      %dma_wait3A_53 = arith.constant 0 : i32
      %dma_wait3A_54 = tpu.memref_slice %arg2[%dma_wait3A_52, %dma_wait3A_53] : memref<10000x128xf32, #tpu.memory_space<hbm>> -> memref<10000x128xf32, #tpu.memory_space<hbm>>
      tpu.wait_indirect_dma semaphore(%arg11 : memref<!tpu.dma_semaphore, #tpu.memory_space<semaphore_mem>>) src(%dma_wait3A_54 : memref<10000x128xf32, #tpu.memory_space<hbm>>) dst(%arg9 : memref<112x128xf32, #tpu.memory_space<vmem>>)
      %dma_start3A_55 = arith.constant 0 : i32
      %dma_start3A_56 = tpu.memref_slice %arg7[%add3A_48, %dma_start3A_55] : memref<90x112xi32, #tpu.memory_space<vmem>> -> memref<1x112xi32, #tpu.memory_space<vmem>>
      %dma_start3A_57 = tpu.memref_squeeze %dma_start3A_56 : memref<1x112xi32, #tpu.memory_space<vmem>> -> memref<112xi32, #tpu.memory_space<vmem>>
      %dma_start3A_58 = arith.constant 0 : i32
      %dma_start3A_59 = arith.constant 0 : i32
      %dma_start3A_60 = tpu.memref_slice %arg8[%dma_start3A_58, %dma_start3A_59] : memref<10016x128xf32, #tpu.memory_space<vmem_shared>> -> memref<10016x128xf32, #tpu.memory_space<vmem_shared>>
      tpu.enqueue_indirect_dma source(%arg9 : memref<112x128xf32, #tpu.memory_space<vmem>>) target(%dma_start3A_60 : memref<10016x128xf32, #tpu.memory_space<vmem_shared>>) offsets(%dma_start3A_57 : memref<112xi32, #tpu.memory_space<vmem>>) semaphore(%arg13 : memref<!tpu.dma_semaphore, #tpu.memory_space<semaphore_mem>>) {add = true}
      %ge3A = arith.constant 1 : i32
      %ge3A_61 = arith.cmpi sge, %add3A_48, %ge3A : i32
      %convert_element_type3A = arith.extui %ge3A_61 : i1 to i32
      %cond3A = arith.constant 0 : i32
      %cond3A_62 = arith.cmpi ne, %convert_element_type3A, %cond3A : i32
      scf.if %cond3A_62 {
        %dma_wait3A_98 = arith.constant 0 : i32
        %dma_wait3A_99 = tpu.memref_slice %arg7[%add3A_48, %dma_wait3A_98] : memref<90x112xi32, #tpu.memory_space<vmem>> -> memref<1x112xi32, #tpu.memory_space<vmem>>
        %dma_wait3A_100 = tpu.memref_squeeze %dma_wait3A_99 : memref<1x112xi32, #tpu.memory_space<vmem>> -> memref<112xi32, #tpu.memory_space<vmem>>
        %dma_wait3A_101 = arith.constant 0 : i32
        %dma_wait3A_102 = arith.constant 0 : i32
        %dma_wait3A_103 = tpu.memref_slice %arg8[%dma_wait3A_101, %dma_wait3A_102] : memref<10016x128xf32, #tpu.memory_space<vmem_shared>> -> memref<10016x128xf32, #tpu.memory_space<vmem_shared>>
        tpu.wait_indirect_dma semaphore(%arg14 : memref<!tpu.dma_semaphore, #tpu.memory_space<semaphore_mem>>) src(%arg10 : memref<112x128xf32, #tpu.memory_space<vmem>>) dst(%dma_wait3A_103 : memref<10016x128xf32, #tpu.memory_space<vmem_shared>>)
      } else {
      }
      %add3A_63 = arith.constant 1 : i32
      %add3A_64 = arith.addi %add3A_48, %add3A_63 : i32
      %lt3A = arith.constant 90 : i32
      %lt3A_65 = arith.cmpi slt, %add3A_64, %lt3A : i32
      %convert_element_type3A_66 = arith.extui %lt3A_65 : i1 to i32
      %cond3A_67 = arith.constant 0 : i32
      %cond3A_68 = arith.cmpi ne, %convert_element_type3A_66, %cond3A_67 : i32
      scf.if %cond3A_68 {
        %add3A_98 = arith.constant 1 : i32
        %add3A_99 = arith.addi %add3A_48, %add3A_98 : i32
        %dma_start3A_100 = arith.constant 0 : i32
        %dma_start3A_101 = tpu.memref_slice %arg6[%add3A_99, %dma_start3A_100] : memref<90x112xi32, #tpu.memory_space<vmem>> -> memref<1x112xi32, #tpu.memory_space<vmem>>
        %dma_start3A_102 = tpu.memref_squeeze %dma_start3A_101 : memref<1x112xi32, #tpu.memory_space<vmem>> -> memref<112xi32, #tpu.memory_space<vmem>>
        %dma_start3A_103 = arith.constant 0 : i32
        %dma_start3A_104 = arith.constant 0 : i32
        %dma_start3A_105 = tpu.memref_slice %arg2[%dma_start3A_103, %dma_start3A_104] : memref<10000x128xf32, #tpu.memory_space<hbm>> -> memref<10000x128xf32, #tpu.memory_space<hbm>>
        tpu.enqueue_indirect_dma source(%dma_start3A_105 : memref<10000x128xf32, #tpu.memory_space<hbm>>) target(%arg10 : memref<112x128xf32, #tpu.memory_space<vmem>>) offsets(%dma_start3A_102 : memref<112xi32, #tpu.memory_space<vmem>>) semaphore(%arg12 : memref<!tpu.dma_semaphore, #tpu.memory_space<semaphore_mem>>)
      } else {
      }
      %mul3A_69 = arith.constant 2 : i32
      %mul3A_70 = arith.muli %scan3A_43, %mul3A_69 : i32
      %add3A_71 = arith.constant 1 : i32
      %add3A_72 = arith.addi %mul3A_70, %add3A_71 : i32
      %dma_wait3A_73 = arith.constant 0 : i32
      %dma_wait3A_74 = tpu.memref_slice %arg6[%add3A_72, %dma_wait3A_73] : memref<90x112xi32, #tpu.memory_space<vmem>> -> memref<1x112xi32, #tpu.memory_space<vmem>>
      %dma_wait3A_75 = tpu.memref_squeeze %dma_wait3A_74 : memref<1x112xi32, #tpu.memory_space<vmem>> -> memref<112xi32, #tpu.memory_space<vmem>>
      %dma_wait3A_76 = arith.constant 0 : i32
      %dma_wait3A_77 = arith.constant 0 : i32
      %dma_wait3A_78 = tpu.memref_slice %arg2[%dma_wait3A_76, %dma_wait3A_77] : memref<10000x128xf32, #tpu.memory_space<hbm>> -> memref<10000x128xf32, #tpu.memory_space<hbm>>
      tpu.wait_indirect_dma semaphore(%arg12 : memref<!tpu.dma_semaphore, #tpu.memory_space<semaphore_mem>>) src(%dma_wait3A_78 : memref<10000x128xf32, #tpu.memory_space<hbm>>) dst(%arg10 : memref<112x128xf32, #tpu.memory_space<vmem>>)
      %dma_start3A_79 = arith.constant 0 : i32
      %dma_start3A_80 = tpu.memref_slice %arg7[%add3A_72, %dma_start3A_79] : memref<90x112xi32, #tpu.memory_space<vmem>> -> memref<1x112xi32, #tpu.memory_space<vmem>>
      %dma_start3A_81 = tpu.memref_squeeze %dma_start3A_80 : memref<1x112xi32, #tpu.memory_space<vmem>> -> memref<112xi32, #tpu.memory_space<vmem>>
      %dma_start3A_82 = arith.constant 0 : i32
      %dma_start3A_83 = arith.constant 0 : i32
      %dma_start3A_84 = tpu.memref_slice %arg8[%dma_start3A_82, %dma_start3A_83] : memref<10016x128xf32, #tpu.memory_space<vmem_shared>> -> memref<10016x128xf32, #tpu.memory_space<vmem_shared>>
      tpu.enqueue_indirect_dma source(%arg10 : memref<112x128xf32, #tpu.memory_space<vmem>>) target(%dma_start3A_84 : memref<10016x128xf32, #tpu.memory_space<vmem_shared>>) offsets(%dma_start3A_81 : memref<112xi32, #tpu.memory_space<vmem>>) semaphore(%arg14 : memref<!tpu.dma_semaphore, #tpu.memory_space<semaphore_mem>>) {add = true}
      %ge3A_85 = arith.constant 1 : i32
      %ge3A_86 = arith.cmpi sge, %add3A_72, %ge3A_85 : i32
      %convert_element_type3A_87 = arith.extui %ge3A_86 : i1 to i32
      %cond3A_88 = arith.constant 0 : i32
      %cond3A_89 = arith.cmpi ne, %convert_element_type3A_87, %cond3A_88 : i32
      scf.if %cond3A_89 {
        %dma_wait3A_98 = arith.constant 0 : i32
        %dma_wait3A_99 = tpu.memref_slice %arg7[%add3A_72, %dma_wait3A_98] : memref<90x112xi32, #tpu.memory_space<vmem>> -> memref<1x112xi32, #tpu.memory_space<vmem>>
        %dma_wait3A_100 = tpu.memref_squeeze %dma_wait3A_99 : memref<1x112xi32, #tpu.memory_space<vmem>> -> memref<112xi32, #tpu.memory_space<vmem>>
        %dma_wait3A_101 = arith.constant 0 : i32
        %dma_wait3A_102 = arith.constant 0 : i32
        %dma_wait3A_103 = tpu.memref_slice %arg8[%dma_wait3A_101, %dma_wait3A_102] : memref<10016x128xf32, #tpu.memory_space<vmem_shared>> -> memref<10016x128xf32, #tpu.memory_space<vmem_shared>>
        tpu.wait_indirect_dma semaphore(%arg13 : memref<!tpu.dma_semaphore, #tpu.memory_space<semaphore_mem>>) src(%arg9 : memref<112x128xf32, #tpu.memory_space<vmem>>) dst(%dma_wait3A_103 : memref<10016x128xf32, #tpu.memory_space<vmem_shared>>)
      } else {
      }
      %add3A_90 = arith.constant 1 : i32
      %add3A_91 = arith.addi %add3A_72, %add3A_90 : i32
      %lt3A_92 = arith.constant 90 : i32
      %lt3A_93 = arith.cmpi slt, %add3A_91, %lt3A_92 : i32
      %convert_element_type3A_94 = arith.extui %lt3A_93 : i1 to i32
      %cond3A_95 = arith.constant 0 : i32
      %cond3A_96 = arith.cmpi ne, %convert_element_type3A_94, %cond3A_95 : i32
      scf.if %cond3A_96 {
        %add3A_98 = arith.constant 1 : i32
        %add3A_99 = arith.addi %add3A_72, %add3A_98 : i32
        %dma_start3A_100 = arith.constant 0 : i32
        %dma_start3A_101 = tpu.memref_slice %arg6[%add3A_99, %dma_start3A_100] : memref<90x112xi32, #tpu.memory_space<vmem>> -> memref<1x112xi32, #tpu.memory_space<vmem>>
        %dma_start3A_102 = tpu.memref_squeeze %dma_start3A_101 : memref<1x112xi32, #tpu.memory_space<vmem>> -> memref<112xi32, #tpu.memory_space<vmem>>
        %dma_start3A_103 = arith.constant 0 : i32
        %dma_start3A_104 = arith.constant 0 : i32
        %dma_start3A_105 = tpu.memref_slice %arg2[%dma_start3A_103, %dma_start3A_104] : memref<10000x128xf32, #tpu.memory_space<hbm>> -> memref<10000x128xf32, #tpu.memory_space<hbm>>
        tpu.enqueue_indirect_dma source(%dma_start3A_105 : memref<10000x128xf32, #tpu.memory_space<hbm>>) target(%arg9 : memref<112x128xf32, #tpu.memory_space<vmem>>) offsets(%dma_start3A_102 : memref<112xi32, #tpu.memory_space<vmem>>) semaphore(%arg11 : memref<!tpu.dma_semaphore, #tpu.memory_space<semaphore_mem>>)
      } else {
      }
      %scan3A_97 = arith.constant 0 : i32
      scf.yield %scan3A_97 : i32
    }
    %scan3A_31 = arith.constant 45 : i32
    %dma_wait3A = arith.constant 0 : i32
    %dma_wait3A_32 = arith.constant 0 : i32
    %dma_wait3A_33 = tpu.memref_slice %arg7[%dma_wait3A, %dma_wait3A_32] : memref<90x112xi32, #tpu.memory_space<vmem>> -> memref<1x112xi32, #tpu.memory_space<vmem>>
    %dma_wait3A_34 = tpu.memref_squeeze %dma_wait3A_33 : memref<1x112xi32, #tpu.memory_space<vmem>> -> memref<112xi32, #tpu.memory_space<vmem>>
    %dma_wait3A_35 = arith.constant 0 : i32
    %dma_wait3A_36 = arith.constant 0 : i32
    %dma_wait3A_37 = tpu.memref_slice %arg8[%dma_wait3A_35, %dma_wait3A_36] : memref<10016x128xf32, #tpu.memory_space<vmem_shared>> -> memref<10016x128xf32, #tpu.memory_space<vmem_shared>>
    tpu.wait_indirect_dma semaphore(%arg14 : memref<!tpu.dma_semaphore, #tpu.memory_space<semaphore_mem>>) src(%arg10 : memref<112x128xf32, #tpu.memory_space<vmem>>) dst(%dma_wait3A_37 : memref<10016x128xf32, #tpu.memory_space<vmem_shared>>)
    %barrier3A_38 = arith.constant 0 : index
    tpu.barrier barrier_id(%barrier3A_38)
    %mul3A_39 = arith.constant 626 : i32
    %mul3A_40 = arith.muli %arg1, %mul3A_39 : i32
    %mul3A_41 = arith.constant 626 : i32
    %mul3A_42 = arith.muli %arg1, %mul3A_41 : i32
    "tpu.region"() ({
      %run_scoped3A = tpu.sem_alloc : memref<!tpu.dma_semaphore, #tpu.memory_space<semaphore_mem>>
      %dma_start3A_43 = arith.constant 0 : i32
      %dma_start3A_44 = tpu.memref_slice %arg5[%arg0, %mul3A_42, %dma_start3A_43] : memref<2x10016x128xf32, #tpu.memory_space<hbm>> -> memref<1x626x128xf32, #tpu.memory_space<hbm>>
      %dma_start3A_45 = tpu.memref_squeeze %dma_start3A_44 : memref<1x626x128xf32, #tpu.memory_space<hbm>> -> memref<626x128xf32, #tpu.memory_space<hbm>>
      %dma_start3A_46 = arith.constant 0 : i32
      %dma_start3A_47 = tpu.memref_slice %arg8[%mul3A_40, %dma_start3A_46] : memref<10016x128xf32, #tpu.memory_space<vmem_shared>> -> memref<626x128xf32, #tpu.memory_space<vmem_shared>>
      tpu.enqueue_dma source(%dma_start3A_47 : memref<626x128xf32, #tpu.memory_space<vmem_shared>>) target(%dma_start3A_45 : memref<626x128xf32, #tpu.memory_space<hbm>>) target_semaphore(%run_scoped3A : memref<!tpu.dma_semaphore, #tpu.memory_space<semaphore_mem>>)
      %dma_wait3A_48 = arith.constant 0 : i32
      %dma_wait3A_49 = tpu.memref_slice %arg5[%arg0, %mul3A_42, %dma_wait3A_48] : memref<2x10016x128xf32, #tpu.memory_space<hbm>> -> memref<1x626x128xf32, #tpu.memory_space<hbm>>
      %dma_wait3A_50 = tpu.memref_squeeze %dma_wait3A_49 : memref<1x626x128xf32, #tpu.memory_space<hbm>> -> memref<626x128xf32, #tpu.memory_space<hbm>>
      %dma_wait3A_51 = arith.constant 0 : i32
      %dma_wait3A_52 = tpu.memref_slice %arg8[%mul3A_40, %dma_wait3A_51] : memref<10016x128xf32, #tpu.memory_space<vmem_shared>> -> memref<626x128xf32, #tpu.memory_space<vmem_shared>>
      tpu.wait_dma2 semaphore(%run_scoped3A : memref<!tpu.dma_semaphore, #tpu.memory_space<semaphore_mem>>) src(%dma_wait3A_52 : memref<626x128xf32, #tpu.memory_space<vmem_shared>>) dst(%dma_wait3A_50 : memref<626x128xf32, #tpu.memory_space<hbm>>)
      tpu.yield
    }) : () -> ()
    return
  }
}

#map = affine_map<(d0, d1) -> (0, 0)>
#map1 = affine_map<(d0, d1) -> (0, 0, 0)>
module attributes {stable_mosaic.version = 14 : i64} {
  func.func @agg(%arg0: i32, %arg1: i32, %arg2: memref<10000x64xf32, #tpu.memory_space<hbm>>, %arg3: memref<32x90x112xi32, #tpu.memory_space<hbm>>, %arg4: memref<32x90x112xi32, #tpu.memory_space<hbm>>, %arg5: memref<2x10016x64xf32, #tpu.memory_space<hbm>>, %arg6: memref<90x112xi32, #tpu.memory_space<vmem>>, %arg7: memref<90x112xi32, #tpu.memory_space<vmem>>, %arg8: memref<10016x64xf32, #tpu.memory_space<vmem_shared>>, %arg9: memref<112x64xf32, #tpu.memory_space<vmem>>, %arg10: memref<112x64xf32, #tpu.memory_space<vmem>>, %arg11: memref<112x64xf32, #tpu.memory_space<vmem>>, %arg12: memref<112x64xf32, #tpu.memory_space<vmem>>, %arg13: memref<112x64xf32, #tpu.memory_space<vmem>>, %arg14: memref<112x64xf32, #tpu.memory_space<vmem>>, %arg15: memref<112x64xf32, #tpu.memory_space<vmem>>, %arg16: memref<112x64xf32, #tpu.memory_space<vmem>>, %arg17: memref<112x64xf32, #tpu.memory_space<vmem>>, %arg18: memref<!tpu.dma_semaphore, #tpu.memory_space<semaphore_mem>>, %arg19: memref<!tpu.dma_semaphore, #tpu.memory_space<semaphore_mem>>, %arg20: memref<!tpu.dma_semaphore, #tpu.memory_space<semaphore_mem>>, %arg21: memref<!tpu.dma_semaphore, #tpu.memory_space<semaphore_mem>>, %arg22: memref<!tpu.dma_semaphore, #tpu.memory_space<semaphore_mem>>, %arg23: memref<!tpu.dma_semaphore, #tpu.memory_space<semaphore_mem>>, %arg24: memref<!tpu.dma_semaphore, #tpu.memory_space<semaphore_mem>>, %arg25: memref<!tpu.dma_semaphore, #tpu.memory_space<semaphore_mem>>, %arg26: memref<!tpu.dma_semaphore, #tpu.memory_space<semaphore_mem>>, %arg27: memref<!tpu.dma_semaphore, #tpu.memory_space<semaphore_mem>>, %arg28: memref<!tpu.dma_semaphore, #tpu.memory_space<semaphore_mem>>, %arg29: memref<!tpu.dma_semaphore, #tpu.memory_space<semaphore_mem>>, %arg30: memref<!tpu.dma_semaphore, #tpu.memory_space<semaphore_mem>>, %arg31: memref<!tpu.dma_semaphore, #tpu.memory_space<semaphore_mem>>, %arg32: memref<!tpu.dma_semaphore, #tpu.memory_space<semaphore_mem>>, %arg33: memref<!tpu.dma_semaphore, #tpu.memory_space<semaphore_mem>>, %arg34: memref<!tpu.dma_semaphore, #tpu.memory_space<semaphore_mem>>, %arg35: memref<!tpu.dma_semaphore, #tpu.memory_space<semaphore_mem>>) attributes {dimension_semantics = [#tpu.dimension_semantics<core_parallel>, #tpu.dimension_semantics<subcore_parallel>], iteration_bounds = array<i64: 2, 16>, scalar_prefetch = 0 : i64, scratch_operands = 30 : i64, tpu.core_type = #tpu.core_type<sc_vector_subcore>, window_params = [{transform_indices = #map}, {transform_indices = #map1}, {transform_indices = #map1}, {transform_indices = #map1}]} {
    %mul3A = arith.constant 2 : i32
    %mul3A_0 = arith.muli %arg1, %mul3A : i32
    %add3A = arith.addi %mul3A_0, %arg0 : i32
    "tpu.region"() ({
      %run_scoped3A = tpu.sem_alloc : memref<!tpu.dma_semaphore, #tpu.memory_space<semaphore_mem>>
      %dma_start3A_92 = arith.constant 0 : i32
      %dma_start3A_93 = arith.constant 0 : i32
      %dma_start3A_94 = tpu.memref_slice %arg3[%add3A, %dma_start3A_92, %dma_start3A_93] : memref<32x90x112xi32, #tpu.memory_space<hbm>> -> memref<1x90x112xi32, #tpu.memory_space<hbm>>
      %dma_start3A_95 = tpu.memref_squeeze %dma_start3A_94 : memref<1x90x112xi32, #tpu.memory_space<hbm>> -> memref<90x112xi32, #tpu.memory_space<hbm>>
      %dma_start3A_96 = arith.constant 0 : i32
      %dma_start3A_97 = arith.constant 0 : i32
      %dma_start3A_98 = tpu.memref_slice %arg3[%add3A, %dma_start3A_96, %dma_start3A_97] : memref<32x90x112xi32, #tpu.memory_space<hbm>> -> memref<1x90x112xi32, #tpu.memory_space<hbm>>
      %dma_start3A_99 = tpu.memref_squeeze %dma_start3A_98 : memref<1x90x112xi32, #tpu.memory_space<hbm>> -> memref<90x112xi32, #tpu.memory_space<hbm>>
      tpu.enqueue_dma source(%dma_start3A_99 : memref<90x112xi32, #tpu.memory_space<hbm>>) target(%arg6 : memref<90x112xi32, #tpu.memory_space<vmem>>) target_semaphore(%run_scoped3A : memref<!tpu.dma_semaphore, #tpu.memory_space<semaphore_mem>>)
      %dma_wait3A_100 = arith.constant 0 : i32
      %dma_wait3A_101 = arith.constant 0 : i32
      %dma_wait3A_102 = tpu.memref_slice %arg3[%add3A, %dma_wait3A_100, %dma_wait3A_101] : memref<32x90x112xi32, #tpu.memory_space<hbm>> -> memref<1x90x112xi32, #tpu.memory_space<hbm>>
      %dma_wait3A_103 = tpu.memref_squeeze %dma_wait3A_102 : memref<1x90x112xi32, #tpu.memory_space<hbm>> -> memref<90x112xi32, #tpu.memory_space<hbm>>
      %dma_wait3A_104 = arith.constant 0 : i32
      %dma_wait3A_105 = arith.constant 0 : i32
      %dma_wait3A_106 = tpu.memref_slice %arg3[%add3A, %dma_wait3A_104, %dma_wait3A_105] : memref<32x90x112xi32, #tpu.memory_space<hbm>> -> memref<1x90x112xi32, #tpu.memory_space<hbm>>
      %dma_wait3A_107 = tpu.memref_squeeze %dma_wait3A_106 : memref<1x90x112xi32, #tpu.memory_space<hbm>> -> memref<90x112xi32, #tpu.memory_space<hbm>>
      tpu.wait_dma2 semaphore(%run_scoped3A : memref<!tpu.dma_semaphore, #tpu.memory_space<semaphore_mem>>) src(%dma_wait3A_107 : memref<90x112xi32, #tpu.memory_space<hbm>>) dst(%arg6 : memref<90x112xi32, #tpu.memory_space<vmem>>)
      tpu.yield
    }) : () -> ()
    "tpu.region"() ({
      %run_scoped3A = tpu.sem_alloc : memref<!tpu.dma_semaphore, #tpu.memory_space<semaphore_mem>>
      %dma_start3A_92 = arith.constant 0 : i32
      %dma_start3A_93 = arith.constant 0 : i32
      %dma_start3A_94 = tpu.memref_slice %arg4[%add3A, %dma_start3A_92, %dma_start3A_93] : memref<32x90x112xi32, #tpu.memory_space<hbm>> -> memref<1x90x112xi32, #tpu.memory_space<hbm>>
      %dma_start3A_95 = tpu.memref_squeeze %dma_start3A_94 : memref<1x90x112xi32, #tpu.memory_space<hbm>> -> memref<90x112xi32, #tpu.memory_space<hbm>>
      %dma_start3A_96 = arith.constant 0 : i32
      %dma_start3A_97 = arith.constant 0 : i32
      %dma_start3A_98 = tpu.memref_slice %arg4[%add3A, %dma_start3A_96, %dma_start3A_97] : memref<32x90x112xi32, #tpu.memory_space<hbm>> -> memref<1x90x112xi32, #tpu.memory_space<hbm>>
      %dma_start3A_99 = tpu.memref_squeeze %dma_start3A_98 : memref<1x90x112xi32, #tpu.memory_space<hbm>> -> memref<90x112xi32, #tpu.memory_space<hbm>>
      tpu.enqueue_dma source(%dma_start3A_99 : memref<90x112xi32, #tpu.memory_space<hbm>>) target(%arg7 : memref<90x112xi32, #tpu.memory_space<vmem>>) target_semaphore(%run_scoped3A : memref<!tpu.dma_semaphore, #tpu.memory_space<semaphore_mem>>)
      %dma_wait3A_100 = arith.constant 0 : i32
      %dma_wait3A_101 = arith.constant 0 : i32
      %dma_wait3A_102 = tpu.memref_slice %arg4[%add3A, %dma_wait3A_100, %dma_wait3A_101] : memref<32x90x112xi32, #tpu.memory_space<hbm>> -> memref<1x90x112xi32, #tpu.memory_space<hbm>>
      %dma_wait3A_103 = tpu.memref_squeeze %dma_wait3A_102 : memref<1x90x112xi32, #tpu.memory_space<hbm>> -> memref<90x112xi32, #tpu.memory_space<hbm>>
      %dma_wait3A_104 = arith.constant 0 : i32
      %dma_wait3A_105 = arith.constant 0 : i32
      %dma_wait3A_106 = tpu.memref_slice %arg4[%add3A, %dma_wait3A_104, %dma_wait3A_105] : memref<32x90x112xi32, #tpu.memory_space<hbm>> -> memref<1x90x112xi32, #tpu.memory_space<hbm>>
      %dma_wait3A_107 = tpu.memref_squeeze %dma_wait3A_106 : memref<1x90x112xi32, #tpu.memory_space<hbm>> -> memref<90x112xi32, #tpu.memory_space<hbm>>
      tpu.wait_dma2 semaphore(%run_scoped3A : memref<!tpu.dma_semaphore, #tpu.memory_space<semaphore_mem>>) src(%dma_wait3A_107 : memref<90x112xi32, #tpu.memory_space<hbm>>) dst(%arg7 : memref<90x112xi32, #tpu.memory_space<vmem>>)
      tpu.yield
    }) : () -> ()
    %broadcast_in_dim3A = arith.constant 0.000000e+00 : f32
    %broadcast_in_dim3A_1 = vector.broadcast %broadcast_in_dim3A : f32 to vector<16xf32>
    %scan3A = arith.constant 0 : i32
    %scan3A_2 = arith.constant 0 : i32
    %scan3A_3 = arith.constant 112 : i32
    %scan3A_4 = arith.addi %scan3A_2, %scan3A_3 : i32
    %scan3A_5 = arith.constant 1 : i32
    %scan3A_6 = scf.for %scan3A_92 = %scan3A_2 to %scan3A_4 step %scan3A_5 iter_args(%scan3A_93 = %scan3A) -> (i32)  : i32 {
      %scan3A_94 = arith.constant 0 : i32
      %scan3A_95 = arith.constant 0 : i32
      %scan3A_96 = arith.constant 4 : i32
      %scan3A_97 = arith.addi %scan3A_95, %scan3A_96 : i32
      %scan3A_98 = arith.constant 1 : i32
      %scan3A_99 = scf.for %scan3A_101 = %scan3A_95 to %scan3A_97 step %scan3A_98 iter_args(%scan3A_102 = %scan3A_94) -> (i32)  : i32 {
        %mul3A_103 = arith.constant 16 : i32
        %mul3A_104 = arith.muli %scan3A_101, %mul3A_103 : i32
        %swap3A = arith.index_cast %scan3A_92 : i32 to index
        %swap3A_105 = arith.index_cast %mul3A_104 : i32 to index
        %swap3A_106 = tpu.vector_load %arg9[%swap3A, %swap3A_105] {strides = array<i32>} : memref<112x64xf32, #tpu.memory_space<vmem>>, vector<1x16xf32>,
        %swap3A_107 = vector.shape_cast %swap3A_106 : vector<1x16xf32> to vector<16xf32>
        %swap3A_108 = vector.shape_cast %broadcast_in_dim3A_1 : vector<16xf32> to vector<1x16xf32>
        tpu.vector_store %arg9[%swap3A, %swap3A_105], %swap3A_108 {strides = array<i32>} : memref<112x64xf32, #tpu.memory_space<vmem>>, vector<1x16xf32>,
        %scan3A_109 = arith.constant 0 : i32
        scf.yield %scan3A_109 : i32
      }
      %scan3A_100 = arith.constant 4 : i32
      scf.yield %scan3A_99 : i32
    }
    %scan3A_7 = arith.constant 112 : i32
    %scan3A_8 = arith.constant 0 : i32
    %scan3A_9 = arith.constant 0 : i32
    %scan3A_10 = arith.constant 5 : i32
    %scan3A_11 = arith.addi %scan3A_9, %scan3A_10 : i32
    %scan3A_12 = arith.constant 1 : i32
    %scan3A_13 = scf.for %scan3A_92 = %scan3A_9 to %scan3A_11 step %scan3A_12 iter_args(%scan3A_93 = %scan3A_8) -> (i32)  : i32 {
      %mul3A_94 = arith.constant 626 : i32
      %mul3A_95 = arith.muli %arg1, %mul3A_94 : i32
      %mul3A_96 = arith.constant 112 : i32
      %mul3A_97 = arith.muli %scan3A_92, %mul3A_96 : i32
      %add3A_98 = arith.addi %mul3A_95, %mul3A_97 : i32
      "tpu.region"() ({
        %run_scoped3A = tpu.sem_alloc : memref<!tpu.dma_semaphore, #tpu.memory_space<semaphore_mem>>
        %dma_start3A_100 = arith.constant 0 : i32
        %dma_start3A_101 = tpu.memref_slice %arg8[%add3A_98, %dma_start3A_100] : memref<10016x64xf32, #tpu.memory_space<vmem_shared>> -> memref<112x64xf32, #tpu.memory_space<vmem_shared>>
        %dma_start3A_102 = arith.constant 0 : i32
        %dma_start3A_103 = tpu.memref_slice %arg8[%add3A_98, %dma_start3A_102] : memref<10016x64xf32, #tpu.memory_space<vmem_shared>> -> memref<112x64xf32, #tpu.memory_space<vmem_shared>>
        tpu.enqueue_dma source(%arg9 : memref<112x64xf32, #tpu.memory_space<vmem>>) target(%dma_start3A_103 : memref<112x64xf32, #tpu.memory_space<vmem_shared>>) target_semaphore(%run_scoped3A : memref<!tpu.dma_semaphore, #tpu.memory_space<semaphore_mem>>)
        %dma_wait3A_104 = arith.constant 0 : i32
        %dma_wait3A_105 = tpu.memref_slice %arg8[%add3A_98, %dma_wait3A_104] : memref<10016x64xf32, #tpu.memory_space<vmem_shared>> -> memref<112x64xf32, #tpu.memory_space<vmem_shared>>
        %dma_wait3A_106 = arith.constant 0 : i32
        %dma_wait3A_107 = tpu.memref_slice %arg8[%add3A_98, %dma_wait3A_106] : memref<10016x64xf32, #tpu.memory_space<vmem_shared>> -> memref<112x64xf32, #tpu.memory_space<vmem_shared>>
        tpu.wait_dma2 semaphore(%run_scoped3A : memref<!tpu.dma_semaphore, #tpu.memory_space<semaphore_mem>>) src(%arg9 : memref<112x64xf32, #tpu.memory_space<vmem>>) dst(%dma_wait3A_107 : memref<112x64xf32, #tpu.memory_space<vmem_shared>>)
        tpu.yield
      }) : () -> ()
      %scan3A_99 = arith.constant 0 : i32
      scf.yield %scan3A_99 : i32
    }
    %scan3A_14 = arith.constant 5 : i32
    %mul3A_15 = arith.constant 626 : i32
    %mul3A_16 = arith.muli %arg1, %mul3A_15 : i32
    %add3A_17 = arith.constant 560 : i32
    %add3A_18 = arith.addi %mul3A_16, %add3A_17 : i32
    "tpu.region"() ({
      %run_scoped3A = tpu.sem_alloc : memref<!tpu.dma_semaphore, #tpu.memory_space<semaphore_mem>>
      %dma_start3A_92 = arith.constant 0 : i32
      %dma_start3A_93 = arith.constant 0 : i32
      %dma_start3A_94 = tpu.memref_slice %arg9[%dma_start3A_92, %dma_start3A_93] : memref<112x64xf32, #tpu.memory_space<vmem>> -> memref<66x64xf32, #tpu.memory_space<vmem>>
      %dma_start3A_95 = arith.constant 0 : i32
      %dma_start3A_96 = tpu.memref_slice %arg8[%add3A_18, %dma_start3A_95] : memref<10016x64xf32, #tpu.memory_space<vmem_shared>> -> memref<66x64xf32, #tpu.memory_space<vmem_shared>>
      %dma_start3A_97 = arith.constant 0 : i32
      %dma_start3A_98 = tpu.memref_slice %arg8[%add3A_18, %dma_start3A_97] : memref<10016x64xf32, #tpu.memory_space<vmem_shared>> -> memref<66x64xf32, #tpu.memory_space<vmem_shared>>
      %dma_start3A_99 = arith.constant 0 : i32
      %dma_start3A_100 = arith.constant 0 : i32
      %dma_start3A_101 = tpu.memref_slice %arg9[%dma_start3A_99, %dma_start3A_100] : memref<112x64xf32, #tpu.memory_space<vmem>> -> memref<66x64xf32, #tpu.memory_space<vmem>>
      tpu.enqueue_dma source(%dma_start3A_101 : memref<66x64xf32, #tpu.memory_space<vmem>>) target(%dma_start3A_98 : memref<66x64xf32, #tpu.memory_space<vmem_shared>>) target_semaphore(%run_scoped3A : memref<!tpu.dma_semaphore, #tpu.memory_space<semaphore_mem>>)
      %dma_wait3A_102 = arith.constant 0 : i32
      %dma_wait3A_103 = arith.constant 0 : i32
      %dma_wait3A_104 = tpu.memref_slice %arg9[%dma_wait3A_102, %dma_wait3A_103] : memref<112x64xf32, #tpu.memory_space<vmem>> -> memref<66x64xf32, #tpu.memory_space<vmem>>
      %dma_wait3A_105 = arith.constant 0 : i32
      %dma_wait3A_106 = tpu.memref_slice %arg8[%add3A_18, %dma_wait3A_105] : memref<10016x64xf32, #tpu.memory_space<vmem_shared>> -> memref<66x64xf32, #tpu.memory_space<vmem_shared>>
      %dma_wait3A_107 = arith.constant 0 : i32
      %dma_wait3A_108 = tpu.memref_slice %arg8[%add3A_18, %dma_wait3A_107] : memref<10016x64xf32, #tpu.memory_space<vmem_shared>> -> memref<66x64xf32, #tpu.memory_space<vmem_shared>>
      %dma_wait3A_109 = arith.constant 0 : i32
      %dma_wait3A_110 = arith.constant 0 : i32
      %dma_wait3A_111 = tpu.memref_slice %arg9[%dma_wait3A_109, %dma_wait3A_110] : memref<112x64xf32, #tpu.memory_space<vmem>> -> memref<66x64xf32, #tpu.memory_space<vmem>>
      tpu.wait_dma2 semaphore(%run_scoped3A : memref<!tpu.dma_semaphore, #tpu.memory_space<semaphore_mem>>) src(%dma_wait3A_111 : memref<66x64xf32, #tpu.memory_space<vmem>>) dst(%dma_wait3A_108 : memref<66x64xf32, #tpu.memory_space<vmem_shared>>)
      tpu.yield
    }) : () -> ()
    %barrier3A = arith.constant 0 : index
    tpu.barrier barrier_id(%barrier3A)
    %dma_start3A = arith.constant 0 : i32
    %dma_start3A_19 = arith.constant 0 : i32
    %dma_start3A_20 = tpu.memref_slice %arg6[%dma_start3A, %dma_start3A_19] : memref<90x112xi32, #tpu.memory_space<vmem>> -> memref<1x112xi32, #tpu.memory_space<vmem>>
    %dma_start3A_21 = tpu.memref_squeeze %dma_start3A_20 : memref<1x112xi32, #tpu.memory_space<vmem>> -> memref<112xi32, #tpu.memory_space<vmem>>
    %dma_start3A_22 = arith.constant 0 : i32
    %dma_start3A_23 = arith.constant 0 : i32
    %dma_start3A_24 = tpu.memref_slice %arg2[%dma_start3A_22, %dma_start3A_23] : memref<10000x64xf32, #tpu.memory_space<hbm>> -> memref<10000x64xf32, #tpu.memory_space<hbm>>
    tpu.enqueue_indirect_dma source(%dma_start3A_24 : memref<10000x64xf32, #tpu.memory_space<hbm>>) target(%arg9 : memref<112x64xf32, #tpu.memory_space<vmem>>) offsets(%dma_start3A_21 : memref<112xi32, #tpu.memory_space<vmem>>) semaphore(%arg18 : memref<!tpu.dma_semaphore, #tpu.memory_space<semaphore_mem>>)
    %dma_start3A_25 = arith.constant 1 : i32
    %dma_start3A_26 = arith.constant 0 : i32
    %dma_start3A_27 = tpu.memref_slice %arg6[%dma_start3A_25, %dma_start3A_26] : memref<90x112xi32, #tpu.memory_space<vmem>> -> memref<1x112xi32, #tpu.memory_space<vmem>>
    %dma_start3A_28 = tpu.memref_squeeze %dma_start3A_27 : memref<1x112xi32, #tpu.memory_space<vmem>> -> memref<112xi32, #tpu.memory_space<vmem>>
    %dma_start3A_29 = arith.constant 0 : i32
    %dma_start3A_30 = arith.constant 0 : i32
    %dma_start3A_31 = tpu.memref_slice %arg2[%dma_start3A_29, %dma_start3A_30] : memref<10000x64xf32, #tpu.memory_space<hbm>> -> memref<10000x64xf32, #tpu.memory_space<hbm>>
    tpu.enqueue_indirect_dma source(%dma_start3A_31 : memref<10000x64xf32, #tpu.memory_space<hbm>>) target(%arg10 : memref<112x64xf32, #tpu.memory_space<vmem>>) offsets(%dma_start3A_28 : memref<112xi32, #tpu.memory_space<vmem>>) semaphore(%arg19 : memref<!tpu.dma_semaphore, #tpu.memory_space<semaphore_mem>>)
    %dma_start3A_32 = arith.constant 2 : i32
    %dma_start3A_33 = arith.constant 0 : i32
    %dma_start3A_34 = tpu.memref_slice %arg6[%dma_start3A_32, %dma_start3A_33] : memref<90x112xi32, #tpu.memory_space<vmem>> -> memref<1x112xi32, #tpu.memory_space<vmem>>
    %dma_start3A_35 = tpu.memref_squeeze %dma_start3A_34 : memref<1x112xi32, #tpu.memory_space<vmem>> -> memref<112xi32, #tpu.memory_space<vmem>>
    %dma_start3A_36 = arith.constant 0 : i32
    %dma_start3A_37 = arith.constant 0 : i32
    %dma_start3A_38 = tpu.memref_slice %arg2[%dma_start3A_36, %dma_start3A_37] : memref<10000x64xf32, #tpu.memory_space<hbm>> -> memref<10000x64xf32, #tpu.memory_space<hbm>>
    tpu.enqueue_indirect_dma source(%dma_start3A_38 : memref<10000x64xf32, #tpu.memory_space<hbm>>) target(%arg11 : memref<112x64xf32, #tpu.memory_space<vmem>>) offsets(%dma_start3A_35 : memref<112xi32, #tpu.memory_space<vmem>>) semaphore(%arg20 : memref<!tpu.dma_semaphore, #tpu.memory_space<semaphore_mem>>)
    %dma_start3A_39 = arith.constant 3 : i32
    %dma_start3A_40 = arith.constant 0 : i32
    %dma_start3A_41 = tpu.memref_slice %arg6[%dma_start3A_39, %dma_start3A_40] : memref<90x112xi32, #tpu.memory_space<vmem>> -> memref<1x112xi32, #tpu.memory_space<vmem>>
    %dma_start3A_42 = tpu.memref_squeeze %dma_start3A_41 : memref<1x112xi32, #tpu.memory_space<vmem>> -> memref<112xi32, #tpu.memory_space<vmem>>
    %dma_start3A_43 = arith.constant 0 : i32
    %dma_start3A_44 = arith.constant 0 : i32
    %dma_start3A_45 = tpu.memref_slice %arg2[%dma_start3A_43, %dma_start3A_44] : memref<10000x64xf32, #tpu.memory_space<hbm>> -> memref<10000x64xf32, #tpu.memory_space<hbm>>
    tpu.enqueue_indirect_dma source(%dma_start3A_45 : memref<10000x64xf32, #tpu.memory_space<hbm>>) target(%arg12 : memref<112x64xf32, #tpu.memory_space<vmem>>) offsets(%dma_start3A_42 : memref<112xi32, #tpu.memory_space<vmem>>) semaphore(%arg21 : memref<!tpu.dma_semaphore, #tpu.memory_space<semaphore_mem>>)
    %scan3A_46 = arith.constant 0 : i32
    %scan3A_47 = arith.constant 0 : i32
    %scan3A_48 = arith.constant 10 : i32
    %scan3A_49 = arith.addi %scan3A_47, %scan3A_48 : i32
    %scan3A_50 = arith.constant 1 : i32
    %scan3A_51 = scf.for %scan3A_92 = %scan3A_47 to %scan3A_49 step %scan3A_50 iter_args(%scan3A_93 = %scan3A_46) -> (i32)  : i32 {
      %mul3A_94 = arith.constant 9 : i32
      %mul3A_95 = arith.muli %scan3A_92, %mul3A_94 : i32
      %add3A_96 = arith.constant 0 : i32
      %add3A_97 = arith.addi %mul3A_95, %add3A_96 : i32
      %dma_wait3A_98 = arith.constant 0 : i32
      %dma_wait3A_99 = tpu.memref_slice %arg6[%add3A_97, %dma_wait3A_98] : memref<90x112xi32, #tpu.memory_space<vmem>> -> memref<1x112xi32, #tpu.memory_space<vmem>>
      %dma_wait3A_100 = tpu.memref_squeeze %dma_wait3A_99 : memref<1x112xi32, #tpu.memory_space<vmem>> -> memref<112xi32, #tpu.memory_space<vmem>>
      %dma_wait3A_101 = arith.constant 0 : i32
      %dma_wait3A_102 = arith.constant 0 : i32
      %dma_wait3A_103 = tpu.memref_slice %arg2[%dma_wait3A_101, %dma_wait3A_102] : memref<10000x64xf32, #tpu.memory_space<hbm>> -> memref<10000x64xf32, #tpu.memory_space<hbm>>
      tpu.wait_indirect_dma semaphore(%arg18 : memref<!tpu.dma_semaphore, #tpu.memory_space<semaphore_mem>>) src(%dma_wait3A_103 : memref<10000x64xf32, #tpu.memory_space<hbm>>) dst(%arg9 : memref<112x64xf32, #tpu.memory_space<vmem>>)
      %dma_start3A_104 = arith.constant 0 : i32
      %dma_start3A_105 = tpu.memref_slice %arg7[%add3A_97, %dma_start3A_104] : memref<90x112xi32, #tpu.memory_space<vmem>> -> memref<1x112xi32, #tpu.memory_space<vmem>>
      %dma_start3A_106 = tpu.memref_squeeze %dma_start3A_105 : memref<1x112xi32, #tpu.memory_space<vmem>> -> memref<112xi32, #tpu.memory_space<vmem>>
      %dma_start3A_107 = arith.constant 0 : i32
      %dma_start3A_108 = arith.constant 0 : i32
      %dma_start3A_109 = tpu.memref_slice %arg8[%dma_start3A_107, %dma_start3A_108] : memref<10016x64xf32, #tpu.memory_space<vmem_shared>> -> memref<10016x64xf32, #tpu.memory_space<vmem_shared>>
      tpu.enqueue_indirect_dma source(%arg9 : memref<112x64xf32, #tpu.memory_space<vmem>>) target(%dma_start3A_109 : memref<10016x64xf32, #tpu.memory_space<vmem_shared>>) offsets(%dma_start3A_106 : memref<112xi32, #tpu.memory_space<vmem>>) semaphore(%arg27 : memref<!tpu.dma_semaphore, #tpu.memory_space<semaphore_mem>>) {add = true}
      %ge3A = arith.constant 5 : i32
      %ge3A_110 = arith.cmpi sge, %add3A_97, %ge3A : i32
      %convert_element_type3A = arith.extui %ge3A_110 : i1 to i32
      %cond3A = arith.constant 0 : i32
      %cond3A_111 = arith.cmpi ne, %convert_element_type3A, %cond3A : i32
      scf.if %cond3A_111 {
        %dma_wait3A_343 = arith.constant 0 : i32
        %dma_wait3A_344 = tpu.memref_slice %arg7[%add3A_97, %dma_wait3A_343] : memref<90x112xi32, #tpu.memory_space<vmem>> -> memref<1x112xi32, #tpu.memory_space<vmem>>
        %dma_wait3A_345 = tpu.memref_squeeze %dma_wait3A_344 : memref<1x112xi32, #tpu.memory_space<vmem>> -> memref<112xi32, #tpu.memory_space<vmem>>
        %dma_wait3A_346 = arith.constant 0 : i32
        %dma_wait3A_347 = arith.constant 0 : i32
        %dma_wait3A_348 = tpu.memref_slice %arg8[%dma_wait3A_346, %dma_wait3A_347] : memref<10016x64xf32, #tpu.memory_space<vmem_shared>> -> memref<10016x64xf32, #tpu.memory_space<vmem_shared>>
        tpu.wait_indirect_dma semaphore(%arg31 : memref<!tpu.dma_semaphore, #tpu.memory_space<semaphore_mem>>) src(%arg13 : memref<112x64xf32, #tpu.memory_space<vmem>>) dst(%dma_wait3A_348 : memref<10016x64xf32, #tpu.memory_space<vmem_shared>>)
      } else {
      }
      %add3A_112 = arith.constant 4 : i32
      %add3A_113 = arith.addi %add3A_97, %add3A_112 : i32
      %lt3A = arith.constant 90 : i32
      %lt3A_114 = arith.cmpi slt, %add3A_113, %lt3A : i32
      %convert_element_type3A_115 = arith.extui %lt3A_114 : i1 to i32
      %cond3A_116 = arith.constant 0 : i32
      %cond3A_117 = arith.cmpi ne, %convert_element_type3A_115, %cond3A_116 : i32
      scf.if %cond3A_117 {
        %add3A_343 = arith.constant 4 : i32
        %add3A_344 = arith.addi %add3A_97, %add3A_343 : i32
        %dma_start3A_345 = arith.constant 0 : i32
        %dma_start3A_346 = tpu.memref_slice %arg6[%add3A_344, %dma_start3A_345] : memref<90x112xi32, #tpu.memory_space<vmem>> -> memref<1x112xi32, #tpu.memory_space<vmem>>
        %dma_start3A_347 = tpu.memref_squeeze %dma_start3A_346 : memref<1x112xi32, #tpu.memory_space<vmem>> -> memref<112xi32, #tpu.memory_space<vmem>>
        %dma_start3A_348 = arith.constant 0 : i32
        %dma_start3A_349 = arith.constant 0 : i32
        %dma_start3A_350 = tpu.memref_slice %arg2[%dma_start3A_348, %dma_start3A_349] : memref<10000x64xf32, #tpu.memory_space<hbm>> -> memref<10000x64xf32, #tpu.memory_space<hbm>>
        tpu.enqueue_indirect_dma source(%dma_start3A_350 : memref<10000x64xf32, #tpu.memory_space<hbm>>) target(%arg13 : memref<112x64xf32, #tpu.memory_space<vmem>>) offsets(%dma_start3A_347 : memref<112xi32, #tpu.memory_space<vmem>>) semaphore(%arg22 : memref<!tpu.dma_semaphore, #tpu.memory_space<semaphore_mem>>)
      } else {
      }
      %mul3A_118 = arith.constant 9 : i32
      %mul3A_119 = arith.muli %scan3A_92, %mul3A_118 : i32
      %add3A_120 = arith.constant 1 : i32
      %add3A_121 = arith.addi %mul3A_119, %add3A_120 : i32
      %dma_wait3A_122 = arith.constant 0 : i32
      %dma_wait3A_123 = tpu.memref_slice %arg6[%add3A_121, %dma_wait3A_122] : memref<90x112xi32, #tpu.memory_space<vmem>> -> memref<1x112xi32, #tpu.memory_space<vmem>>
      %dma_wait3A_124 = tpu.memref_squeeze %dma_wait3A_123 : memref<1x112xi32, #tpu.memory_space<vmem>> -> memref<112xi32, #tpu.memory_space<vmem>>
      %dma_wait3A_125 = arith.constant 0 : i32
      %dma_wait3A_126 = arith.constant 0 : i32
      %dma_wait3A_127 = tpu.memref_slice %arg2[%dma_wait3A_125, %dma_wait3A_126] : memref<10000x64xf32, #tpu.memory_space<hbm>> -> memref<10000x64xf32, #tpu.memory_space<hbm>>
      tpu.wait_indirect_dma semaphore(%arg19 : memref<!tpu.dma_semaphore, #tpu.memory_space<semaphore_mem>>) src(%dma_wait3A_127 : memref<10000x64xf32, #tpu.memory_space<hbm>>) dst(%arg10 : memref<112x64xf32, #tpu.memory_space<vmem>>)
      %dma_start3A_128 = arith.constant 0 : i32
      %dma_start3A_129 = tpu.memref_slice %arg7[%add3A_121, %dma_start3A_128] : memref<90x112xi32, #tpu.memory_space<vmem>> -> memref<1x112xi32, #tpu.memory_space<vmem>>
      %dma_start3A_130 = tpu.memref_squeeze %dma_start3A_129 : memref<1x112xi32, #tpu.memory_space<vmem>> -> memref<112xi32, #tpu.memory_space<vmem>>
      %dma_start3A_131 = arith.constant 0 : i32
      %dma_start3A_132 = arith.constant 0 : i32
      %dma_start3A_133 = tpu.memref_slice %arg8[%dma_start3A_131, %dma_start3A_132] : memref<10016x64xf32, #tpu.memory_space<vmem_shared>> -> memref<10016x64xf32, #tpu.memory_space<vmem_shared>>
      tpu.enqueue_indirect_dma source(%arg10 : memref<112x64xf32, #tpu.memory_space<vmem>>) target(%dma_start3A_133 : memref<10016x64xf32, #tpu.memory_space<vmem_shared>>) offsets(%dma_start3A_130 : memref<112xi32, #tpu.memory_space<vmem>>) semaphore(%arg28 : memref<!tpu.dma_semaphore, #tpu.memory_space<semaphore_mem>>) {add = true}
      %ge3A_134 = arith.constant 5 : i32
      %ge3A_135 = arith.cmpi sge, %add3A_121, %ge3A_134 : i32
      %convert_element_type3A_136 = arith.extui %ge3A_135 : i1 to i32
      %cond3A_137 = arith.constant 0 : i32
      %cond3A_138 = arith.cmpi ne, %convert_element_type3A_136, %cond3A_137 : i32
      scf.if %cond3A_138 {
        %dma_wait3A_343 = arith.constant 0 : i32
        %dma_wait3A_344 = tpu.memref_slice %arg7[%add3A_121, %dma_wait3A_343] : memref<90x112xi32, #tpu.memory_space<vmem>> -> memref<1x112xi32, #tpu.memory_space<vmem>>
        %dma_wait3A_345 = tpu.memref_squeeze %dma_wait3A_344 : memref<1x112xi32, #tpu.memory_space<vmem>> -> memref<112xi32, #tpu.memory_space<vmem>>
        %dma_wait3A_346 = arith.constant 0 : i32
        %dma_wait3A_347 = arith.constant 0 : i32
        %dma_wait3A_348 = tpu.memref_slice %arg8[%dma_wait3A_346, %dma_wait3A_347] : memref<10016x64xf32, #tpu.memory_space<vmem_shared>> -> memref<10016x64xf32, #tpu.memory_space<vmem_shared>>
        tpu.wait_indirect_dma semaphore(%arg32 : memref<!tpu.dma_semaphore, #tpu.memory_space<semaphore_mem>>) src(%arg14 : memref<112x64xf32, #tpu.memory_space<vmem>>) dst(%dma_wait3A_348 : memref<10016x64xf32, #tpu.memory_space<vmem_shared>>)
      } else {
      }
      %add3A_139 = arith.constant 4 : i32
      %add3A_140 = arith.addi %add3A_121, %add3A_139 : i32
      %lt3A_141 = arith.constant 90 : i32
      %lt3A_142 = arith.cmpi slt, %add3A_140, %lt3A_141 : i32
      %convert_element_type3A_143 = arith.extui %lt3A_142 : i1 to i32
      %cond3A_144 = arith.constant 0 : i32
      %cond3A_145 = arith.cmpi ne, %convert_element_type3A_143, %cond3A_144 : i32
      scf.if %cond3A_145 {
        %add3A_343 = arith.constant 4 : i32
        %add3A_344 = arith.addi %add3A_121, %add3A_343 : i32
        %dma_start3A_345 = arith.constant 0 : i32
        %dma_start3A_346 = tpu.memref_slice %arg6[%add3A_344, %dma_start3A_345] : memref<90x112xi32, #tpu.memory_space<vmem>> -> memref<1x112xi32, #tpu.memory_space<vmem>>
        %dma_start3A_347 = tpu.memref_squeeze %dma_start3A_346 : memref<1x112xi32, #tpu.memory_space<vmem>> -> memref<112xi32, #tpu.memory_space<vmem>>
        %dma_start3A_348 = arith.constant 0 : i32
        %dma_start3A_349 = arith.constant 0 : i32
        %dma_start3A_350 = tpu.memref_slice %arg2[%dma_start3A_348, %dma_start3A_349] : memref<10000x64xf32, #tpu.memory_space<hbm>> -> memref<10000x64xf32, #tpu.memory_space<hbm>>
        tpu.enqueue_indirect_dma source(%dma_start3A_350 : memref<10000x64xf32, #tpu.memory_space<hbm>>) target(%arg14 : memref<112x64xf32, #tpu.memory_space<vmem>>) offsets(%dma_start3A_347 : memref<112xi32, #tpu.memory_space<vmem>>) semaphore(%arg23 : memref<!tpu.dma_semaphore, #tpu.memory_space<semaphore_mem>>)
      } else {
      }
      %mul3A_146 = arith.constant 9 : i32
      %mul3A_147 = arith.muli %scan3A_92, %mul3A_146 : i32
      %add3A_148 = arith.constant 2 : i32
      %add3A_149 = arith.addi %mul3A_147, %add3A_148 : i32
      %dma_wait3A_150 = arith.constant 0 : i32
      %dma_wait3A_151 = tpu.memref_slice %arg6[%add3A_149, %dma_wait3A_150] : memref<90x112xi32, #tpu.memory_space<vmem>> -> memref<1x112xi32, #tpu.memory_space<vmem>>
      %dma_wait3A_152 = tpu.memref_squeeze %dma_wait3A_151 : memref<1x112xi32, #tpu.memory_space<vmem>> -> memref<112xi32, #tpu.memory_space<vmem>>
      %dma_wait3A_153 = arith.constant 0 : i32
      %dma_wait3A_154 = arith.constant 0 : i32
      %dma_wait3A_155 = tpu.memref_slice %arg2[%dma_wait3A_153, %dma_wait3A_154] : memref<10000x64xf32, #tpu.memory_space<hbm>> -> memref<10000x64xf32, #tpu.memory_space<hbm>>
      tpu.wait_indirect_dma semaphore(%arg20 : memref<!tpu.dma_semaphore, #tpu.memory_space<semaphore_mem>>) src(%dma_wait3A_155 : memref<10000x64xf32, #tpu.memory_space<hbm>>) dst(%arg11 : memref<112x64xf32, #tpu.memory_space<vmem>>)
      %dma_start3A_156 = arith.constant 0 : i32
      %dma_start3A_157 = tpu.memref_slice %arg7[%add3A_149, %dma_start3A_156] : memref<90x112xi32, #tpu.memory_space<vmem>> -> memref<1x112xi32, #tpu.memory_space<vmem>>
      %dma_start3A_158 = tpu.memref_squeeze %dma_start3A_157 : memref<1x112xi32, #tpu.memory_space<vmem>> -> memref<112xi32, #tpu.memory_space<vmem>>
      %dma_start3A_159 = arith.constant 0 : i32
      %dma_start3A_160 = arith.constant 0 : i32
      %dma_start3A_161 = tpu.memref_slice %arg8[%dma_start3A_159, %dma_start3A_160] : memref<10016x64xf32, #tpu.memory_space<vmem_shared>> -> memref<10016x64xf32, #tpu.memory_space<vmem_shared>>
      tpu.enqueue_indirect_dma source(%arg11 : memref<112x64xf32, #tpu.memory_space<vmem>>) target(%dma_start3A_161 : memref<10016x64xf32, #tpu.memory_space<vmem_shared>>) offsets(%dma_start3A_158 : memref<112xi32, #tpu.memory_space<vmem>>) semaphore(%arg29 : memref<!tpu.dma_semaphore, #tpu.memory_space<semaphore_mem>>) {add = true}
      %ge3A_162 = arith.constant 5 : i32
      %ge3A_163 = arith.cmpi sge, %add3A_149, %ge3A_162 : i32
      %convert_element_type3A_164 = arith.extui %ge3A_163 : i1 to i32
      %cond3A_165 = arith.constant 0 : i32
      %cond3A_166 = arith.cmpi ne, %convert_element_type3A_164, %cond3A_165 : i32
      scf.if %cond3A_166 {
        %dma_wait3A_343 = arith.constant 0 : i32
        %dma_wait3A_344 = tpu.memref_slice %arg7[%add3A_149, %dma_wait3A_343] : memref<90x112xi32, #tpu.memory_space<vmem>> -> memref<1x112xi32, #tpu.memory_space<vmem>>
        %dma_wait3A_345 = tpu.memref_squeeze %dma_wait3A_344 : memref<1x112xi32, #tpu.memory_space<vmem>> -> memref<112xi32, #tpu.memory_space<vmem>>
        %dma_wait3A_346 = arith.constant 0 : i32
        %dma_wait3A_347 = arith.constant 0 : i32
        %dma_wait3A_348 = tpu.memref_slice %arg8[%dma_wait3A_346, %dma_wait3A_347] : memref<10016x64xf32, #tpu.memory_space<vmem_shared>> -> memref<10016x64xf32, #tpu.memory_space<vmem_shared>>
        tpu.wait_indirect_dma semaphore(%arg33 : memref<!tpu.dma_semaphore, #tpu.memory_space<semaphore_mem>>) src(%arg15 : memref<112x64xf32, #tpu.memory_space<vmem>>) dst(%dma_wait3A_348 : memref<10016x64xf32, #tpu.memory_space<vmem_shared>>)
      } else {
      }
      %add3A_167 = arith.constant 4 : i32
      %add3A_168 = arith.addi %add3A_149, %add3A_167 : i32
      %lt3A_169 = arith.constant 90 : i32
      %lt3A_170 = arith.cmpi slt, %add3A_168, %lt3A_169 : i32
      %convert_element_type3A_171 = arith.extui %lt3A_170 : i1 to i32
      %cond3A_172 = arith.constant 0 : i32
      %cond3A_173 = arith.cmpi ne, %convert_element_type3A_171, %cond3A_172 : i32
      scf.if %cond3A_173 {
        %add3A_343 = arith.constant 4 : i32
        %add3A_344 = arith.addi %add3A_149, %add3A_343 : i32
        %dma_start3A_345 = arith.constant 0 : i32
        %dma_start3A_346 = tpu.memref_slice %arg6[%add3A_344, %dma_start3A_345] : memref<90x112xi32, #tpu.memory_space<vmem>> -> memref<1x112xi32, #tpu.memory_space<vmem>>
        %dma_start3A_347 = tpu.memref_squeeze %dma_start3A_346 : memref<1x112xi32, #tpu.memory_space<vmem>> -> memref<112xi32, #tpu.memory_space<vmem>>
        %dma_start3A_348 = arith.constant 0 : i32
        %dma_start3A_349 = arith.constant 0 : i32
        %dma_start3A_350 = tpu.memref_slice %arg2[%dma_start3A_348, %dma_start3A_349] : memref<10000x64xf32, #tpu.memory_space<hbm>> -> memref<10000x64xf32, #tpu.memory_space<hbm>>
        tpu.enqueue_indirect_dma source(%dma_start3A_350 : memref<10000x64xf32, #tpu.memory_space<hbm>>) target(%arg15 : memref<112x64xf32, #tpu.memory_space<vmem>>) offsets(%dma_start3A_347 : memref<112xi32, #tpu.memory_space<vmem>>) semaphore(%arg24 : memref<!tpu.dma_semaphore, #tpu.memory_space<semaphore_mem>>)
      } else {
      }
      %mul3A_174 = arith.constant 9 : i32
      %mul3A_175 = arith.muli %scan3A_92, %mul3A_174 : i32
      %add3A_176 = arith.constant 3 : i32
      %add3A_177 = arith.addi %mul3A_175, %add3A_176 : i32
      %dma_wait3A_178 = arith.constant 0 : i32
      %dma_wait3A_179 = tpu.memref_slice %arg6[%add3A_177, %dma_wait3A_178] : memref<90x112xi32, #tpu.memory_space<vmem>> -> memref<1x112xi32, #tpu.memory_space<vmem>>
      %dma_wait3A_180 = tpu.memref_squeeze %dma_wait3A_179 : memref<1x112xi32, #tpu.memory_space<vmem>> -> memref<112xi32, #tpu.memory_space<vmem>>
      %dma_wait3A_181 = arith.constant 0 : i32
      %dma_wait3A_182 = arith.constant 0 : i32
      %dma_wait3A_183 = tpu.memref_slice %arg2[%dma_wait3A_181, %dma_wait3A_182] : memref<10000x64xf32, #tpu.memory_space<hbm>> -> memref<10000x64xf32, #tpu.memory_space<hbm>>
      tpu.wait_indirect_dma semaphore(%arg21 : memref<!tpu.dma_semaphore, #tpu.memory_space<semaphore_mem>>) src(%dma_wait3A_183 : memref<10000x64xf32, #tpu.memory_space<hbm>>) dst(%arg12 : memref<112x64xf32, #tpu.memory_space<vmem>>)
      %dma_start3A_184 = arith.constant 0 : i32
      %dma_start3A_185 = tpu.memref_slice %arg7[%add3A_177, %dma_start3A_184] : memref<90x112xi32, #tpu.memory_space<vmem>> -> memref<1x112xi32, #tpu.memory_space<vmem>>
      %dma_start3A_186 = tpu.memref_squeeze %dma_start3A_185 : memref<1x112xi32, #tpu.memory_space<vmem>> -> memref<112xi32, #tpu.memory_space<vmem>>
      %dma_start3A_187 = arith.constant 0 : i32
      %dma_start3A_188 = arith.constant 0 : i32
      %dma_start3A_189 = tpu.memref_slice %arg8[%dma_start3A_187, %dma_start3A_188] : memref<10016x64xf32, #tpu.memory_space<vmem_shared>> -> memref<10016x64xf32, #tpu.memory_space<vmem_shared>>
      tpu.enqueue_indirect_dma source(%arg12 : memref<112x64xf32, #tpu.memory_space<vmem>>) target(%dma_start3A_189 : memref<10016x64xf32, #tpu.memory_space<vmem_shared>>) offsets(%dma_start3A_186 : memref<112xi32, #tpu.memory_space<vmem>>) semaphore(%arg30 : memref<!tpu.dma_semaphore, #tpu.memory_space<semaphore_mem>>) {add = true}
      %ge3A_190 = arith.constant 5 : i32
      %ge3A_191 = arith.cmpi sge, %add3A_177, %ge3A_190 : i32
      %convert_element_type3A_192 = arith.extui %ge3A_191 : i1 to i32
      %cond3A_193 = arith.constant 0 : i32
      %cond3A_194 = arith.cmpi ne, %convert_element_type3A_192, %cond3A_193 : i32
      scf.if %cond3A_194 {
        %dma_wait3A_343 = arith.constant 0 : i32
        %dma_wait3A_344 = tpu.memref_slice %arg7[%add3A_177, %dma_wait3A_343] : memref<90x112xi32, #tpu.memory_space<vmem>> -> memref<1x112xi32, #tpu.memory_space<vmem>>
        %dma_wait3A_345 = tpu.memref_squeeze %dma_wait3A_344 : memref<1x112xi32, #tpu.memory_space<vmem>> -> memref<112xi32, #tpu.memory_space<vmem>>
        %dma_wait3A_346 = arith.constant 0 : i32
        %dma_wait3A_347 = arith.constant 0 : i32
        %dma_wait3A_348 = tpu.memref_slice %arg8[%dma_wait3A_346, %dma_wait3A_347] : memref<10016x64xf32, #tpu.memory_space<vmem_shared>> -> memref<10016x64xf32, #tpu.memory_space<vmem_shared>>
        tpu.wait_indirect_dma semaphore(%arg34 : memref<!tpu.dma_semaphore, #tpu.memory_space<semaphore_mem>>) src(%arg16 : memref<112x64xf32, #tpu.memory_space<vmem>>) dst(%dma_wait3A_348 : memref<10016x64xf32, #tpu.memory_space<vmem_shared>>)
      } else {
      }
      %add3A_195 = arith.constant 4 : i32
      %add3A_196 = arith.addi %add3A_177, %add3A_195 : i32
      %lt3A_197 = arith.constant 90 : i32
      %lt3A_198 = arith.cmpi slt, %add3A_196, %lt3A_197 : i32
      %convert_element_type3A_199 = arith.extui %lt3A_198 : i1 to i32
      %cond3A_200 = arith.constant 0 : i32
      %cond3A_201 = arith.cmpi ne, %convert_element_type3A_199, %cond3A_200 : i32
      scf.if %cond3A_201 {
        %add3A_343 = arith.constant 4 : i32
        %add3A_344 = arith.addi %add3A_177, %add3A_343 : i32
        %dma_start3A_345 = arith.constant 0 : i32
        %dma_start3A_346 = tpu.memref_slice %arg6[%add3A_344, %dma_start3A_345] : memref<90x112xi32, #tpu.memory_space<vmem>> -> memref<1x112xi32, #tpu.memory_space<vmem>>
        %dma_start3A_347 = tpu.memref_squeeze %dma_start3A_346 : memref<1x112xi32, #tpu.memory_space<vmem>> -> memref<112xi32, #tpu.memory_space<vmem>>
        %dma_start3A_348 = arith.constant 0 : i32
        %dma_start3A_349 = arith.constant 0 : i32
        %dma_start3A_350 = tpu.memref_slice %arg2[%dma_start3A_348, %dma_start3A_349] : memref<10000x64xf32, #tpu.memory_space<hbm>> -> memref<10000x64xf32, #tpu.memory_space<hbm>>
        tpu.enqueue_indirect_dma source(%dma_start3A_350 : memref<10000x64xf32, #tpu.memory_space<hbm>>) target(%arg16 : memref<112x64xf32, #tpu.memory_space<vmem>>) offsets(%dma_start3A_347 : memref<112xi32, #tpu.memory_space<vmem>>) semaphore(%arg25 : memref<!tpu.dma_semaphore, #tpu.memory_space<semaphore_mem>>)
      } else {
      }
      %mul3A_202 = arith.constant 9 : i32
      %mul3A_203 = arith.muli %scan3A_92, %mul3A_202 : i32
      %add3A_204 = arith.constant 4 : i32
      %add3A_205 = arith.addi %mul3A_203, %add3A_204 : i32
      %dma_wait3A_206 = arith.constant 0 : i32
      %dma_wait3A_207 = tpu.memref_slice %arg6[%add3A_205, %dma_wait3A_206] : memref<90x112xi32, #tpu.memory_space<vmem>> -> memref<1x112xi32, #tpu.memory_space<vmem>>
      %dma_wait3A_208 = tpu.memref_squeeze %dma_wait3A_207 : memref<1x112xi32, #tpu.memory_space<vmem>> -> memref<112xi32, #tpu.memory_space<vmem>>
      %dma_wait3A_209 = arith.constant 0 : i32
      %dma_wait3A_210 = arith.constant 0 : i32
      %dma_wait3A_211 = tpu.memref_slice %arg2[%dma_wait3A_209, %dma_wait3A_210] : memref<10000x64xf32, #tpu.memory_space<hbm>> -> memref<10000x64xf32, #tpu.memory_space<hbm>>
      tpu.wait_indirect_dma semaphore(%arg22 : memref<!tpu.dma_semaphore, #tpu.memory_space<semaphore_mem>>) src(%dma_wait3A_211 : memref<10000x64xf32, #tpu.memory_space<hbm>>) dst(%arg13 : memref<112x64xf32, #tpu.memory_space<vmem>>)
      %dma_start3A_212 = arith.constant 0 : i32
      %dma_start3A_213 = tpu.memref_slice %arg7[%add3A_205, %dma_start3A_212] : memref<90x112xi32, #tpu.memory_space<vmem>> -> memref<1x112xi32, #tpu.memory_space<vmem>>
      %dma_start3A_214 = tpu.memref_squeeze %dma_start3A_213 : memref<1x112xi32, #tpu.memory_space<vmem>> -> memref<112xi32, #tpu.memory_space<vmem>>
      %dma_start3A_215 = arith.constant 0 : i32
      %dma_start3A_216 = arith.constant 0 : i32
      %dma_start3A_217 = tpu.memref_slice %arg8[%dma_start3A_215, %dma_start3A_216] : memref<10016x64xf32, #tpu.memory_space<vmem_shared>> -> memref<10016x64xf32, #tpu.memory_space<vmem_shared>>
      tpu.enqueue_indirect_dma source(%arg13 : memref<112x64xf32, #tpu.memory_space<vmem>>) target(%dma_start3A_217 : memref<10016x64xf32, #tpu.memory_space<vmem_shared>>) offsets(%dma_start3A_214 : memref<112xi32, #tpu.memory_space<vmem>>) semaphore(%arg31 : memref<!tpu.dma_semaphore, #tpu.memory_space<semaphore_mem>>) {add = true}
      %ge3A_218 = arith.constant 5 : i32
      %ge3A_219 = arith.cmpi sge, %add3A_205, %ge3A_218 : i32
      %convert_element_type3A_220 = arith.extui %ge3A_219 : i1 to i32
      %cond3A_221 = arith.constant 0 : i32
      %cond3A_222 = arith.cmpi ne, %convert_element_type3A_220, %cond3A_221 : i32
      scf.if %cond3A_222 {
        %dma_wait3A_343 = arith.constant 0 : i32
        %dma_wait3A_344 = tpu.memref_slice %arg7[%add3A_205, %dma_wait3A_343] : memref<90x112xi32, #tpu.memory_space<vmem>> -> memref<1x112xi32, #tpu.memory_space<vmem>>
        %dma_wait3A_345 = tpu.memref_squeeze %dma_wait3A_344 : memref<1x112xi32, #tpu.memory_space<vmem>> -> memref<112xi32, #tpu.memory_space<vmem>>
        %dma_wait3A_346 = arith.constant 0 : i32
        %dma_wait3A_347 = arith.constant 0 : i32
        %dma_wait3A_348 = tpu.memref_slice %arg8[%dma_wait3A_346, %dma_wait3A_347] : memref<10016x64xf32, #tpu.memory_space<vmem_shared>> -> memref<10016x64xf32, #tpu.memory_space<vmem_shared>>
        tpu.wait_indirect_dma semaphore(%arg35 : memref<!tpu.dma_semaphore, #tpu.memory_space<semaphore_mem>>) src(%arg17 : memref<112x64xf32, #tpu.memory_space<vmem>>) dst(%dma_wait3A_348 : memref<10016x64xf32, #tpu.memory_space<vmem_shared>>)
      } else {
      }
      %add3A_223 = arith.constant 4 : i32
      %add3A_224 = arith.addi %add3A_205, %add3A_223 : i32
      %lt3A_225 = arith.constant 90 : i32
      %lt3A_226 = arith.cmpi slt, %add3A_224, %lt3A_225 : i32
      %convert_element_type3A_227 = arith.extui %lt3A_226 : i1 to i32
      %cond3A_228 = arith.constant 0 : i32
      %cond3A_229 = arith.cmpi ne, %convert_element_type3A_227, %cond3A_228 : i32
      scf.if %cond3A_229 {
        %add3A_343 = arith.constant 4 : i32
        %add3A_344 = arith.addi %add3A_205, %add3A_343 : i32
        %dma_start3A_345 = arith.constant 0 : i32
        %dma_start3A_346 = tpu.memref_slice %arg6[%add3A_344, %dma_start3A_345] : memref<90x112xi32, #tpu.memory_space<vmem>> -> memref<1x112xi32, #tpu.memory_space<vmem>>
        %dma_start3A_347 = tpu.memref_squeeze %dma_start3A_346 : memref<1x112xi32, #tpu.memory_space<vmem>> -> memref<112xi32, #tpu.memory_space<vmem>>
        %dma_start3A_348 = arith.constant 0 : i32
        %dma_start3A_349 = arith.constant 0 : i32
        %dma_start3A_350 = tpu.memref_slice %arg2[%dma_start3A_348, %dma_start3A_349] : memref<10000x64xf32, #tpu.memory_space<hbm>> -> memref<10000x64xf32, #tpu.memory_space<hbm>>
        tpu.enqueue_indirect_dma source(%dma_start3A_350 : memref<10000x64xf32, #tpu.memory_space<hbm>>) target(%arg17 : memref<112x64xf32, #tpu.memory_space<vmem>>) offsets(%dma_start3A_347 : memref<112xi32, #tpu.memory_space<vmem>>) semaphore(%arg26 : memref<!tpu.dma_semaphore, #tpu.memory_space<semaphore_mem>>)
      } else {
      }
      %mul3A_230 = arith.constant 9 : i32
      %mul3A_231 = arith.muli %scan3A_92, %mul3A_230 : i32
      %add3A_232 = arith.constant 5 : i32
      %add3A_233 = arith.addi %mul3A_231, %add3A_232 : i32
      %dma_wait3A_234 = arith.constant 0 : i32
      %dma_wait3A_235 = tpu.memref_slice %arg6[%add3A_233, %dma_wait3A_234] : memref<90x112xi32, #tpu.memory_space<vmem>> -> memref<1x112xi32, #tpu.memory_space<vmem>>
      %dma_wait3A_236 = tpu.memref_squeeze %dma_wait3A_235 : memref<1x112xi32, #tpu.memory_space<vmem>> -> memref<112xi32, #tpu.memory_space<vmem>>
      %dma_wait3A_237 = arith.constant 0 : i32
      %dma_wait3A_238 = arith.constant 0 : i32
      %dma_wait3A_239 = tpu.memref_slice %arg2[%dma_wait3A_237, %dma_wait3A_238] : memref<10000x64xf32, #tpu.memory_space<hbm>> -> memref<10000x64xf32, #tpu.memory_space<hbm>>
      tpu.wait_indirect_dma semaphore(%arg23 : memref<!tpu.dma_semaphore, #tpu.memory_space<semaphore_mem>>) src(%dma_wait3A_239 : memref<10000x64xf32, #tpu.memory_space<hbm>>) dst(%arg14 : memref<112x64xf32, #tpu.memory_space<vmem>>)
      %dma_start3A_240 = arith.constant 0 : i32
      %dma_start3A_241 = tpu.memref_slice %arg7[%add3A_233, %dma_start3A_240] : memref<90x112xi32, #tpu.memory_space<vmem>> -> memref<1x112xi32, #tpu.memory_space<vmem>>
      %dma_start3A_242 = tpu.memref_squeeze %dma_start3A_241 : memref<1x112xi32, #tpu.memory_space<vmem>> -> memref<112xi32, #tpu.memory_space<vmem>>
      %dma_start3A_243 = arith.constant 0 : i32
      %dma_start3A_244 = arith.constant 0 : i32
      %dma_start3A_245 = tpu.memref_slice %arg8[%dma_start3A_243, %dma_start3A_244] : memref<10016x64xf32, #tpu.memory_space<vmem_shared>> -> memref<10016x64xf32, #tpu.memory_space<vmem_shared>>
      tpu.enqueue_indirect_dma source(%arg14 : memref<112x64xf32, #tpu.memory_space<vmem>>) target(%dma_start3A_245 : memref<10016x64xf32, #tpu.memory_space<vmem_shared>>) offsets(%dma_start3A_242 : memref<112xi32, #tpu.memory_space<vmem>>) semaphore(%arg32 : memref<!tpu.dma_semaphore, #tpu.memory_space<semaphore_mem>>) {add = true}
      %ge3A_246 = arith.constant 5 : i32
      %ge3A_247 = arith.cmpi sge, %add3A_233, %ge3A_246 : i32
      %convert_element_type3A_248 = arith.extui %ge3A_247 : i1 to i32
      %cond3A_249 = arith.constant 0 : i32
      %cond3A_250 = arith.cmpi ne, %convert_element_type3A_248, %cond3A_249 : i32
      scf.if %cond3A_250 {
        %dma_wait3A_343 = arith.constant 0 : i32
        %dma_wait3A_344 = tpu.memref_slice %arg7[%add3A_233, %dma_wait3A_343] : memref<90x112xi32, #tpu.memory_space<vmem>> -> memref<1x112xi32, #tpu.memory_space<vmem>>
        %dma_wait3A_345 = tpu.memref_squeeze %dma_wait3A_344 : memref<1x112xi32, #tpu.memory_space<vmem>> -> memref<112xi32, #tpu.memory_space<vmem>>
        %dma_wait3A_346 = arith.constant 0 : i32
        %dma_wait3A_347 = arith.constant 0 : i32
        %dma_wait3A_348 = tpu.memref_slice %arg8[%dma_wait3A_346, %dma_wait3A_347] : memref<10016x64xf32, #tpu.memory_space<vmem_shared>> -> memref<10016x64xf32, #tpu.memory_space<vmem_shared>>
        tpu.wait_indirect_dma semaphore(%arg27 : memref<!tpu.dma_semaphore, #tpu.memory_space<semaphore_mem>>) src(%arg9 : memref<112x64xf32, #tpu.memory_space<vmem>>) dst(%dma_wait3A_348 : memref<10016x64xf32, #tpu.memory_space<vmem_shared>>)
      } else {
      }
      %add3A_251 = arith.constant 4 : i32
      %add3A_252 = arith.addi %add3A_233, %add3A_251 : i32
      %lt3A_253 = arith.constant 90 : i32
      %lt3A_254 = arith.cmpi slt, %add3A_252, %lt3A_253 : i32
      %convert_element_type3A_255 = arith.extui %lt3A_254 : i1 to i32
      %cond3A_256 = arith.constant 0 : i32
      %cond3A_257 = arith.cmpi ne, %convert_element_type3A_255, %cond3A_256 : i32
      scf.if %cond3A_257 {
        %add3A_343 = arith.constant 4 : i32
        %add3A_344 = arith.addi %add3A_233, %add3A_343 : i32
        %dma_start3A_345 = arith.constant 0 : i32
        %dma_start3A_346 = tpu.memref_slice %arg6[%add3A_344, %dma_start3A_345] : memref<90x112xi32, #tpu.memory_space<vmem>> -> memref<1x112xi32, #tpu.memory_space<vmem>>
        %dma_start3A_347 = tpu.memref_squeeze %dma_start3A_346 : memref<1x112xi32, #tpu.memory_space<vmem>> -> memref<112xi32, #tpu.memory_space<vmem>>
        %dma_start3A_348 = arith.constant 0 : i32
        %dma_start3A_349 = arith.constant 0 : i32
        %dma_start3A_350 = tpu.memref_slice %arg2[%dma_start3A_348, %dma_start3A_349] : memref<10000x64xf32, #tpu.memory_space<hbm>> -> memref<10000x64xf32, #tpu.memory_space<hbm>>
        tpu.enqueue_indirect_dma source(%dma_start3A_350 : memref<10000x64xf32, #tpu.memory_space<hbm>>) target(%arg9 : memref<112x64xf32, #tpu.memory_space<vmem>>) offsets(%dma_start3A_347 : memref<112xi32, #tpu.memory_space<vmem>>) semaphore(%arg18 : memref<!tpu.dma_semaphore, #tpu.memory_space<semaphore_mem>>)
      } else {
      }
      %mul3A_258 = arith.constant 9 : i32
      %mul3A_259 = arith.muli %scan3A_92, %mul3A_258 : i32
      %add3A_260 = arith.constant 6 : i32
      %add3A_261 = arith.addi %mul3A_259, %add3A_260 : i32
      %dma_wait3A_262 = arith.constant 0 : i32
      %dma_wait3A_263 = tpu.memref_slice %arg6[%add3A_261, %dma_wait3A_262] : memref<90x112xi32, #tpu.memory_space<vmem>> -> memref<1x112xi32, #tpu.memory_space<vmem>>
      %dma_wait3A_264 = tpu.memref_squeeze %dma_wait3A_263 : memref<1x112xi32, #tpu.memory_space<vmem>> -> memref<112xi32, #tpu.memory_space<vmem>>
      %dma_wait3A_265 = arith.constant 0 : i32
      %dma_wait3A_266 = arith.constant 0 : i32
      %dma_wait3A_267 = tpu.memref_slice %arg2[%dma_wait3A_265, %dma_wait3A_266] : memref<10000x64xf32, #tpu.memory_space<hbm>> -> memref<10000x64xf32, #tpu.memory_space<hbm>>
      tpu.wait_indirect_dma semaphore(%arg24 : memref<!tpu.dma_semaphore, #tpu.memory_space<semaphore_mem>>) src(%dma_wait3A_267 : memref<10000x64xf32, #tpu.memory_space<hbm>>) dst(%arg15 : memref<112x64xf32, #tpu.memory_space<vmem>>)
      %dma_start3A_268 = arith.constant 0 : i32
      %dma_start3A_269 = tpu.memref_slice %arg7[%add3A_261, %dma_start3A_268] : memref<90x112xi32, #tpu.memory_space<vmem>> -> memref<1x112xi32, #tpu.memory_space<vmem>>
      %dma_start3A_270 = tpu.memref_squeeze %dma_start3A_269 : memref<1x112xi32, #tpu.memory_space<vmem>> -> memref<112xi32, #tpu.memory_space<vmem>>
      %dma_start3A_271 = arith.constant 0 : i32
      %dma_start3A_272 = arith.constant 0 : i32
      %dma_start3A_273 = tpu.memref_slice %arg8[%dma_start3A_271, %dma_start3A_272] : memref<10016x64xf32, #tpu.memory_space<vmem_shared>> -> memref<10016x64xf32, #tpu.memory_space<vmem_shared>>
      tpu.enqueue_indirect_dma source(%arg15 : memref<112x64xf32, #tpu.memory_space<vmem>>) target(%dma_start3A_273 : memref<10016x64xf32, #tpu.memory_space<vmem_shared>>) offsets(%dma_start3A_270 : memref<112xi32, #tpu.memory_space<vmem>>) semaphore(%arg33 : memref<!tpu.dma_semaphore, #tpu.memory_space<semaphore_mem>>) {add = true}
      %ge3A_274 = arith.constant 5 : i32
      %ge3A_275 = arith.cmpi sge, %add3A_261, %ge3A_274 : i32
      %convert_element_type3A_276 = arith.extui %ge3A_275 : i1 to i32
      %cond3A_277 = arith.constant 0 : i32
      %cond3A_278 = arith.cmpi ne, %convert_element_type3A_276, %cond3A_277 : i32
      scf.if %cond3A_278 {
        %dma_wait3A_343 = arith.constant 0 : i32
        %dma_wait3A_344 = tpu.memref_slice %arg7[%add3A_261, %dma_wait3A_343] : memref<90x112xi32, #tpu.memory_space<vmem>> -> memref<1x112xi32, #tpu.memory_space<vmem>>
        %dma_wait3A_345 = tpu.memref_squeeze %dma_wait3A_344 : memref<1x112xi32, #tpu.memory_space<vmem>> -> memref<112xi32, #tpu.memory_space<vmem>>
        %dma_wait3A_346 = arith.constant 0 : i32
        %dma_wait3A_347 = arith.constant 0 : i32
        %dma_wait3A_348 = tpu.memref_slice %arg8[%dma_wait3A_346, %dma_wait3A_347] : memref<10016x64xf32, #tpu.memory_space<vmem_shared>> -> memref<10016x64xf32, #tpu.memory_space<vmem_shared>>
        tpu.wait_indirect_dma semaphore(%arg28 : memref<!tpu.dma_semaphore, #tpu.memory_space<semaphore_mem>>) src(%arg10 : memref<112x64xf32, #tpu.memory_space<vmem>>) dst(%dma_wait3A_348 : memref<10016x64xf32, #tpu.memory_space<vmem_shared>>)
      } else {
      }
      %add3A_279 = arith.constant 4 : i32
      %add3A_280 = arith.addi %add3A_261, %add3A_279 : i32
      %lt3A_281 = arith.constant 90 : i32
      %lt3A_282 = arith.cmpi slt, %add3A_280, %lt3A_281 : i32
      %convert_element_type3A_283 = arith.extui %lt3A_282 : i1 to i32
      %cond3A_284 = arith.constant 0 : i32
      %cond3A_285 = arith.cmpi ne, %convert_element_type3A_283, %cond3A_284 : i32
      scf.if %cond3A_285 {
        %add3A_343 = arith.constant 4 : i32
        %add3A_344 = arith.addi %add3A_261, %add3A_343 : i32
        %dma_start3A_345 = arith.constant 0 : i32
        %dma_start3A_346 = tpu.memref_slice %arg6[%add3A_344, %dma_start3A_345] : memref<90x112xi32, #tpu.memory_space<vmem>> -> memref<1x112xi32, #tpu.memory_space<vmem>>
        %dma_start3A_347 = tpu.memref_squeeze %dma_start3A_346 : memref<1x112xi32, #tpu.memory_space<vmem>> -> memref<112xi32, #tpu.memory_space<vmem>>
        %dma_start3A_348 = arith.constant 0 : i32
        %dma_start3A_349 = arith.constant 0 : i32
        %dma_start3A_350 = tpu.memref_slice %arg2[%dma_start3A_348, %dma_start3A_349] : memref<10000x64xf32, #tpu.memory_space<hbm>> -> memref<10000x64xf32, #tpu.memory_space<hbm>>
        tpu.enqueue_indirect_dma source(%dma_start3A_350 : memref<10000x64xf32, #tpu.memory_space<hbm>>) target(%arg10 : memref<112x64xf32, #tpu.memory_space<vmem>>) offsets(%dma_start3A_347 : memref<112xi32, #tpu.memory_space<vmem>>) semaphore(%arg19 : memref<!tpu.dma_semaphore, #tpu.memory_space<semaphore_mem>>)
      } else {
      }
      %mul3A_286 = arith.constant 9 : i32
      %mul3A_287 = arith.muli %scan3A_92, %mul3A_286 : i32
      %add3A_288 = arith.constant 7 : i32
      %add3A_289 = arith.addi %mul3A_287, %add3A_288 : i32
      %dma_wait3A_290 = arith.constant 0 : i32
      %dma_wait3A_291 = tpu.memref_slice %arg6[%add3A_289, %dma_wait3A_290] : memref<90x112xi32, #tpu.memory_space<vmem>> -> memref<1x112xi32, #tpu.memory_space<vmem>>
      %dma_wait3A_292 = tpu.memref_squeeze %dma_wait3A_291 : memref<1x112xi32, #tpu.memory_space<vmem>> -> memref<112xi32, #tpu.memory_space<vmem>>
      %dma_wait3A_293 = arith.constant 0 : i32
      %dma_wait3A_294 = arith.constant 0 : i32
      %dma_wait3A_295 = tpu.memref_slice %arg2[%dma_wait3A_293, %dma_wait3A_294] : memref<10000x64xf32, #tpu.memory_space<hbm>> -> memref<10000x64xf32, #tpu.memory_space<hbm>>
      tpu.wait_indirect_dma semaphore(%arg25 : memref<!tpu.dma_semaphore, #tpu.memory_space<semaphore_mem>>) src(%dma_wait3A_295 : memref<10000x64xf32, #tpu.memory_space<hbm>>) dst(%arg16 : memref<112x64xf32, #tpu.memory_space<vmem>>)
      %dma_start3A_296 = arith.constant 0 : i32
      %dma_start3A_297 = tpu.memref_slice %arg7[%add3A_289, %dma_start3A_296] : memref<90x112xi32, #tpu.memory_space<vmem>> -> memref<1x112xi32, #tpu.memory_space<vmem>>
      %dma_start3A_298 = tpu.memref_squeeze %dma_start3A_297 : memref<1x112xi32, #tpu.memory_space<vmem>> -> memref<112xi32, #tpu.memory_space<vmem>>
      %dma_start3A_299 = arith.constant 0 : i32
      %dma_start3A_300 = arith.constant 0 : i32
      %dma_start3A_301 = tpu.memref_slice %arg8[%dma_start3A_299, %dma_start3A_300] : memref<10016x64xf32, #tpu.memory_space<vmem_shared>> -> memref<10016x64xf32, #tpu.memory_space<vmem_shared>>
      tpu.enqueue_indirect_dma source(%arg16 : memref<112x64xf32, #tpu.memory_space<vmem>>) target(%dma_start3A_301 : memref<10016x64xf32, #tpu.memory_space<vmem_shared>>) offsets(%dma_start3A_298 : memref<112xi32, #tpu.memory_space<vmem>>) semaphore(%arg34 : memref<!tpu.dma_semaphore, #tpu.memory_space<semaphore_mem>>) {add = true}
      %ge3A_302 = arith.constant 5 : i32
      %ge3A_303 = arith.cmpi sge, %add3A_289, %ge3A_302 : i32
      %convert_element_type3A_304 = arith.extui %ge3A_303 : i1 to i32
      %cond3A_305 = arith.constant 0 : i32
      %cond3A_306 = arith.cmpi ne, %convert_element_type3A_304, %cond3A_305 : i32
      scf.if %cond3A_306 {
        %dma_wait3A_343 = arith.constant 0 : i32
        %dma_wait3A_344 = tpu.memref_slice %arg7[%add3A_289, %dma_wait3A_343] : memref<90x112xi32, #tpu.memory_space<vmem>> -> memref<1x112xi32, #tpu.memory_space<vmem>>
        %dma_wait3A_345 = tpu.memref_squeeze %dma_wait3A_344 : memref<1x112xi32, #tpu.memory_space<vmem>> -> memref<112xi32, #tpu.memory_space<vmem>>
        %dma_wait3A_346 = arith.constant 0 : i32
        %dma_wait3A_347 = arith.constant 0 : i32
        %dma_wait3A_348 = tpu.memref_slice %arg8[%dma_wait3A_346, %dma_wait3A_347] : memref<10016x64xf32, #tpu.memory_space<vmem_shared>> -> memref<10016x64xf32, #tpu.memory_space<vmem_shared>>
        tpu.wait_indirect_dma semaphore(%arg29 : memref<!tpu.dma_semaphore, #tpu.memory_space<semaphore_mem>>) src(%arg11 : memref<112x64xf32, #tpu.memory_space<vmem>>) dst(%dma_wait3A_348 : memref<10016x64xf32, #tpu.memory_space<vmem_shared>>)
      } else {
      }
      %add3A_307 = arith.constant 4 : i32
      %add3A_308 = arith.addi %add3A_289, %add3A_307 : i32
      %lt3A_309 = arith.constant 90 : i32
      %lt3A_310 = arith.cmpi slt, %add3A_308, %lt3A_309 : i32
      %convert_element_type3A_311 = arith.extui %lt3A_310 : i1 to i32
      %cond3A_312 = arith.constant 0 : i32
      %cond3A_313 = arith.cmpi ne, %convert_element_type3A_311, %cond3A_312 : i32
      scf.if %cond3A_313 {
        %add3A_343 = arith.constant 4 : i32
        %add3A_344 = arith.addi %add3A_289, %add3A_343 : i32
        %dma_start3A_345 = arith.constant 0 : i32
        %dma_start3A_346 = tpu.memref_slice %arg6[%add3A_344, %dma_start3A_345] : memref<90x112xi32, #tpu.memory_space<vmem>> -> memref<1x112xi32, #tpu.memory_space<vmem>>
        %dma_start3A_347 = tpu.memref_squeeze %dma_start3A_346 : memref<1x112xi32, #tpu.memory_space<vmem>> -> memref<112xi32, #tpu.memory_space<vmem>>
        %dma_start3A_348 = arith.constant 0 : i32
        %dma_start3A_349 = arith.constant 0 : i32
        %dma_start3A_350 = tpu.memref_slice %arg2[%dma_start3A_348, %dma_start3A_349] : memref<10000x64xf32, #tpu.memory_space<hbm>> -> memref<10000x64xf32, #tpu.memory_space<hbm>>
        tpu.enqueue_indirect_dma source(%dma_start3A_350 : memref<10000x64xf32, #tpu.memory_space<hbm>>) target(%arg11 : memref<112x64xf32, #tpu.memory_space<vmem>>) offsets(%dma_start3A_347 : memref<112xi32, #tpu.memory_space<vmem>>) semaphore(%arg20 : memref<!tpu.dma_semaphore, #tpu.memory_space<semaphore_mem>>)
      } else {
      }
      %mul3A_314 = arith.constant 9 : i32
      %mul3A_315 = arith.muli %scan3A_92, %mul3A_314 : i32
      %add3A_316 = arith.constant 8 : i32
      %add3A_317 = arith.addi %mul3A_315, %add3A_316 : i32
      %dma_wait3A_318 = arith.constant 0 : i32
      %dma_wait3A_319 = tpu.memref_slice %arg6[%add3A_317, %dma_wait3A_318] : memref<90x112xi32, #tpu.memory_space<vmem>> -> memref<1x112xi32, #tpu.memory_space<vmem>>
      %dma_wait3A_320 = tpu.memref_squeeze %dma_wait3A_319 : memref<1x112xi32, #tpu.memory_space<vmem>> -> memref<112xi32, #tpu.memory_space<vmem>>
      %dma_wait3A_321 = arith.constant 0 : i32
      %dma_wait3A_322 = arith.constant 0 : i32
      %dma_wait3A_323 = tpu.memref_slice %arg2[%dma_wait3A_321, %dma_wait3A_322] : memref<10000x64xf32, #tpu.memory_space<hbm>> -> memref<10000x64xf32, #tpu.memory_space<hbm>>
      tpu.wait_indirect_dma semaphore(%arg26 : memref<!tpu.dma_semaphore, #tpu.memory_space<semaphore_mem>>) src(%dma_wait3A_323 : memref<10000x64xf32, #tpu.memory_space<hbm>>) dst(%arg17 : memref<112x64xf32, #tpu.memory_space<vmem>>)
      %dma_start3A_324 = arith.constant 0 : i32
      %dma_start3A_325 = tpu.memref_slice %arg7[%add3A_317, %dma_start3A_324] : memref<90x112xi32, #tpu.memory_space<vmem>> -> memref<1x112xi32, #tpu.memory_space<vmem>>
      %dma_start3A_326 = tpu.memref_squeeze %dma_start3A_325 : memref<1x112xi32, #tpu.memory_space<vmem>> -> memref<112xi32, #tpu.memory_space<vmem>>
      %dma_start3A_327 = arith.constant 0 : i32
      %dma_start3A_328 = arith.constant 0 : i32
      %dma_start3A_329 = tpu.memref_slice %arg8[%dma_start3A_327, %dma_start3A_328] : memref<10016x64xf32, #tpu.memory_space<vmem_shared>> -> memref<10016x64xf32, #tpu.memory_space<vmem_shared>>
      tpu.enqueue_indirect_dma source(%arg17 : memref<112x64xf32, #tpu.memory_space<vmem>>) target(%dma_start3A_329 : memref<10016x64xf32, #tpu.memory_space<vmem_shared>>) offsets(%dma_start3A_326 : memref<112xi32, #tpu.memory_space<vmem>>) semaphore(%arg35 : memref<!tpu.dma_semaphore, #tpu.memory_space<semaphore_mem>>) {add = true}
      %ge3A_330 = arith.constant 5 : i32
      %ge3A_331 = arith.cmpi sge, %add3A_317, %ge3A_330 : i32
      %convert_element_type3A_332 = arith.extui %ge3A_331 : i1 to i32
      %cond3A_333 = arith.constant 0 : i32
      %cond3A_334 = arith.cmpi ne, %convert_element_type3A_332, %cond3A_333 : i32
      scf.if %cond3A_334 {
        %dma_wait3A_343 = arith.constant 0 : i32
        %dma_wait3A_344 = tpu.memref_slice %arg7[%add3A_317, %dma_wait3A_343] : memref<90x112xi32, #tpu.memory_space<vmem>> -> memref<1x112xi32, #tpu.memory_space<vmem>>
        %dma_wait3A_345 = tpu.memref_squeeze %dma_wait3A_344 : memref<1x112xi32, #tpu.memory_space<vmem>> -> memref<112xi32, #tpu.memory_space<vmem>>
        %dma_wait3A_346 = arith.constant 0 : i32
        %dma_wait3A_347 = arith.constant 0 : i32
        %dma_wait3A_348 = tpu.memref_slice %arg8[%dma_wait3A_346, %dma_wait3A_347] : memref<10016x64xf32, #tpu.memory_space<vmem_shared>> -> memref<10016x64xf32, #tpu.memory_space<vmem_shared>>
        tpu.wait_indirect_dma semaphore(%arg30 : memref<!tpu.dma_semaphore, #tpu.memory_space<semaphore_mem>>) src(%arg12 : memref<112x64xf32, #tpu.memory_space<vmem>>) dst(%dma_wait3A_348 : memref<10016x64xf32, #tpu.memory_space<vmem_shared>>)
      } else {
      }
      %add3A_335 = arith.constant 4 : i32
      %add3A_336 = arith.addi %add3A_317, %add3A_335 : i32
      %lt3A_337 = arith.constant 90 : i32
      %lt3A_338 = arith.cmpi slt, %add3A_336, %lt3A_337 : i32
      %convert_element_type3A_339 = arith.extui %lt3A_338 : i1 to i32
      %cond3A_340 = arith.constant 0 : i32
      %cond3A_341 = arith.cmpi ne, %convert_element_type3A_339, %cond3A_340 : i32
      scf.if %cond3A_341 {
        %add3A_343 = arith.constant 4 : i32
        %add3A_344 = arith.addi %add3A_317, %add3A_343 : i32
        %dma_start3A_345 = arith.constant 0 : i32
        %dma_start3A_346 = tpu.memref_slice %arg6[%add3A_344, %dma_start3A_345] : memref<90x112xi32, #tpu.memory_space<vmem>> -> memref<1x112xi32, #tpu.memory_space<vmem>>
        %dma_start3A_347 = tpu.memref_squeeze %dma_start3A_346 : memref<1x112xi32, #tpu.memory_space<vmem>> -> memref<112xi32, #tpu.memory_space<vmem>>
        %dma_start3A_348 = arith.constant 0 : i32
        %dma_start3A_349 = arith.constant 0 : i32
        %dma_start3A_350 = tpu.memref_slice %arg2[%dma_start3A_348, %dma_start3A_349] : memref<10000x64xf32, #tpu.memory_space<hbm>> -> memref<10000x64xf32, #tpu.memory_space<hbm>>
        tpu.enqueue_indirect_dma source(%dma_start3A_350 : memref<10000x64xf32, #tpu.memory_space<hbm>>) target(%arg12 : memref<112x64xf32, #tpu.memory_space<vmem>>) offsets(%dma_start3A_347 : memref<112xi32, #tpu.memory_space<vmem>>) semaphore(%arg21 : memref<!tpu.dma_semaphore, #tpu.memory_space<semaphore_mem>>)
      } else {
      }
      %scan3A_342 = arith.constant 0 : i32
      scf.yield %scan3A_342 : i32
    }
    %scan3A_52 = arith.constant 10 : i32
    %dma_wait3A = arith.constant 0 : i32
    %dma_wait3A_53 = arith.constant 0 : i32
    %dma_wait3A_54 = tpu.memref_slice %arg7[%dma_wait3A, %dma_wait3A_53] : memref<90x112xi32, #tpu.memory_space<vmem>> -> memref<1x112xi32, #tpu.memory_space<vmem>>
    %dma_wait3A_55 = tpu.memref_squeeze %dma_wait3A_54 : memref<1x112xi32, #tpu.memory_space<vmem>> -> memref<112xi32, #tpu.memory_space<vmem>>
    %dma_wait3A_56 = arith.constant 0 : i32
    %dma_wait3A_57 = arith.constant 0 : i32
    %dma_wait3A_58 = tpu.memref_slice %arg8[%dma_wait3A_56, %dma_wait3A_57] : memref<10016x64xf32, #tpu.memory_space<vmem_shared>> -> memref<10016x64xf32, #tpu.memory_space<vmem_shared>>
    tpu.wait_indirect_dma semaphore(%arg31 : memref<!tpu.dma_semaphore, #tpu.memory_space<semaphore_mem>>) src(%arg13 : memref<112x64xf32, #tpu.memory_space<vmem>>) dst(%dma_wait3A_58 : memref<10016x64xf32, #tpu.memory_space<vmem_shared>>)
    %dma_wait3A_59 = arith.constant 0 : i32
    %dma_wait3A_60 = arith.constant 0 : i32
    %dma_wait3A_61 = tpu.memref_slice %arg7[%dma_wait3A_59, %dma_wait3A_60] : memref<90x112xi32, #tpu.memory_space<vmem>> -> memref<1x112xi32, #tpu.memory_space<vmem>>
    %dma_wait3A_62 = tpu.memref_squeeze %dma_wait3A_61 : memref<1x112xi32, #tpu.memory_space<vmem>> -> memref<112xi32, #tpu.memory_space<vmem>>
    %dma_wait3A_63 = arith.constant 0 : i32
    %dma_wait3A_64 = arith.constant 0 : i32
    %dma_wait3A_65 = tpu.memref_slice %arg8[%dma_wait3A_63, %dma_wait3A_64] : memref<10016x64xf32, #tpu.memory_space<vmem_shared>> -> memref<10016x64xf32, #tpu.memory_space<vmem_shared>>
    tpu.wait_indirect_dma semaphore(%arg32 : memref<!tpu.dma_semaphore, #tpu.memory_space<semaphore_mem>>) src(%arg14 : memref<112x64xf32, #tpu.memory_space<vmem>>) dst(%dma_wait3A_65 : memref<10016x64xf32, #tpu.memory_space<vmem_shared>>)
    %dma_wait3A_66 = arith.constant 0 : i32
    %dma_wait3A_67 = arith.constant 0 : i32
    %dma_wait3A_68 = tpu.memref_slice %arg7[%dma_wait3A_66, %dma_wait3A_67] : memref<90x112xi32, #tpu.memory_space<vmem>> -> memref<1x112xi32, #tpu.memory_space<vmem>>
    %dma_wait3A_69 = tpu.memref_squeeze %dma_wait3A_68 : memref<1x112xi32, #tpu.memory_space<vmem>> -> memref<112xi32, #tpu.memory_space<vmem>>
    %dma_wait3A_70 = arith.constant 0 : i32
    %dma_wait3A_71 = arith.constant 0 : i32
    %dma_wait3A_72 = tpu.memref_slice %arg8[%dma_wait3A_70, %dma_wait3A_71] : memref<10016x64xf32, #tpu.memory_space<vmem_shared>> -> memref<10016x64xf32, #tpu.memory_space<vmem_shared>>
    tpu.wait_indirect_dma semaphore(%arg33 : memref<!tpu.dma_semaphore, #tpu.memory_space<semaphore_mem>>) src(%arg15 : memref<112x64xf32, #tpu.memory_space<vmem>>) dst(%dma_wait3A_72 : memref<10016x64xf32, #tpu.memory_space<vmem_shared>>)
    %dma_wait3A_73 = arith.constant 0 : i32
    %dma_wait3A_74 = arith.constant 0 : i32
    %dma_wait3A_75 = tpu.memref_slice %arg7[%dma_wait3A_73, %dma_wait3A_74] : memref<90x112xi32, #tpu.memory_space<vmem>> -> memref<1x112xi32, #tpu.memory_space<vmem>>
    %dma_wait3A_76 = tpu.memref_squeeze %dma_wait3A_75 : memref<1x112xi32, #tpu.memory_space<vmem>> -> memref<112xi32, #tpu.memory_space<vmem>>
    %dma_wait3A_77 = arith.constant 0 : i32
    %dma_wait3A_78 = arith.constant 0 : i32
    %dma_wait3A_79 = tpu.memref_slice %arg8[%dma_wait3A_77, %dma_wait3A_78] : memref<10016x64xf32, #tpu.memory_space<vmem_shared>> -> memref<10016x64xf32, #tpu.memory_space<vmem_shared>>
    tpu.wait_indirect_dma semaphore(%arg34 : memref<!tpu.dma_semaphore, #tpu.memory_space<semaphore_mem>>) src(%arg16 : memref<112x64xf32, #tpu.memory_space<vmem>>) dst(%dma_wait3A_79 : memref<10016x64xf32, #tpu.memory_space<vmem_shared>>)
    %dma_wait3A_80 = arith.constant 0 : i32
    %dma_wait3A_81 = arith.constant 0 : i32
    %dma_wait3A_82 = tpu.memref_slice %arg7[%dma_wait3A_80, %dma_wait3A_81] : memref<90x112xi32, #tpu.memory_space<vmem>> -> memref<1x112xi32, #tpu.memory_space<vmem>>
    %dma_wait3A_83 = tpu.memref_squeeze %dma_wait3A_82 : memref<1x112xi32, #tpu.memory_space<vmem>> -> memref<112xi32, #tpu.memory_space<vmem>>
    %dma_wait3A_84 = arith.constant 0 : i32
    %dma_wait3A_85 = arith.constant 0 : i32
    %dma_wait3A_86 = tpu.memref_slice %arg8[%dma_wait3A_84, %dma_wait3A_85] : memref<10016x64xf32, #tpu.memory_space<vmem_shared>> -> memref<10016x64xf32, #tpu.memory_space<vmem_shared>>
    tpu.wait_indirect_dma semaphore(%arg35 : memref<!tpu.dma_semaphore, #tpu.memory_space<semaphore_mem>>) src(%arg17 : memref<112x64xf32, #tpu.memory_space<vmem>>) dst(%dma_wait3A_86 : memref<10016x64xf32, #tpu.memory_space<vmem_shared>>)
    %barrier3A_87 = arith.constant 0 : index
    tpu.barrier barrier_id(%barrier3A_87)
    %mul3A_88 = arith.constant 626 : i32
    %mul3A_89 = arith.muli %arg1, %mul3A_88 : i32
    %mul3A_90 = arith.constant 626 : i32
    %mul3A_91 = arith.muli %arg1, %mul3A_90 : i32
    "tpu.region"() ({
      %run_scoped3A = tpu.sem_alloc : memref<!tpu.dma_semaphore, #tpu.memory_space<semaphore_mem>>
      %dma_start3A_92 = arith.constant 0 : i32
      %dma_start3A_93 = tpu.memref_slice %arg5[%arg0, %mul3A_91, %dma_start3A_92] : memref<2x10016x64xf32, #tpu.memory_space<hbm>> -> memref<1x626x64xf32, #tpu.memory_space<hbm>>
      %dma_start3A_94 = tpu.memref_squeeze %dma_start3A_93 : memref<1x626x64xf32, #tpu.memory_space<hbm>> -> memref<626x64xf32, #tpu.memory_space<hbm>>
      %dma_start3A_95 = arith.constant 0 : i32
      %dma_start3A_96 = tpu.memref_slice %arg8[%mul3A_89, %dma_start3A_95] : memref<10016x64xf32, #tpu.memory_space<vmem_shared>> -> memref<626x64xf32, #tpu.memory_space<vmem_shared>>
      tpu.enqueue_dma source(%dma_start3A_96 : memref<626x64xf32, #tpu.memory_space<vmem_shared>>) target(%dma_start3A_94 : memref<626x64xf32, #tpu.memory_space<hbm>>) target_semaphore(%run_scoped3A : memref<!tpu.dma_semaphore, #tpu.memory_space<semaphore_mem>>)
      %dma_wait3A_97 = arith.constant 0 : i32
      %dma_wait3A_98 = tpu.memref_slice %arg5[%arg0, %mul3A_91, %dma_wait3A_97] : memref<2x10016x64xf32, #tpu.memory_space<hbm>> -> memref<1x626x64xf32, #tpu.memory_space<hbm>>
      %dma_wait3A_99 = tpu.memref_squeeze %dma_wait3A_98 : memref<1x626x64xf32, #tpu.memory_space<hbm>> -> memref<626x64xf32, #tpu.memory_space<hbm>>
      %dma_wait3A_100 = arith.constant 0 : i32
      %dma_wait3A_101 = tpu.memref_slice %arg8[%mul3A_89, %dma_wait3A_100] : memref<10016x64xf32, #tpu.memory_space<vmem_shared>> -> memref<626x64xf32, #tpu.memory_space<vmem_shared>>
      tpu.wait_dma2 semaphore(%run_scoped3A : memref<!tpu.dma_semaphore, #tpu.memory_space<semaphore_mem>>) src(%dma_wait3A_101 : memref<626x64xf32, #tpu.memory_space<vmem_shared>>) dst(%dma_wait3A_99 : memref<626x64xf32, #tpu.memory_space<hbm>>)
      tpu.yield
    }) : () -> ()
    return
  }
}

module attributes {stable_mosaic.version = 14 : i64} {
  func.func @body(%arg0: i32, %arg1: memref<1xf32, #tpu.memory_space<smem>>, %arg2: memref<2000x128xf32, #tpu.memory_space<vmem>>, %arg3: memref<1x2000x128xf32, #tpu.memory_space<vmem>>, %arg4: memref<1x2000x128xf32, #tpu.memory_space<vmem>>, %arg5: memref<128x64xf32, #tpu.memory_space<vmem>>, %arg6: memref<1x64xf32, #tpu.memory_space<vmem>>, %arg7: memref<64x64xf32, #tpu.memory_space<vmem>>, %arg8: memref<1x64xf32, #tpu.memory_space<vmem>>, %arg9: memref<2000x64xf32, #tpu.memory_space<vmem>>) attributes {dimension_semantics = [#tpu.dimension_semantics<arbitrary>], iteration_bounds = array<i64: 5>, scalar_prefetch = 0 : i64, scratch_operands = 0 : i64, tpu.core_type = #tpu.core_type<tc>, window_params = [{transform_indices = @transform_0, window_bounds = array<i64: 1>}, {transform_indices = @transform_1, window_bounds = array<i64: 2000, 128>}, {transform_indices = @transform_2, window_bounds = array<i64: 1, 2000, 128>}, {transform_indices = @transform_3, window_bounds = array<i64: 1, 2000, 128>}, {pipeline_mode = #tpu.pipeline_mode<synchronous>, transform_indices = @transform_4, window_bounds = array<i64: 128, 64>}, {pipeline_mode = #tpu.pipeline_mode<synchronous>, transform_indices = @transform_5, window_bounds = array<i64: 1, 64>}, {pipeline_mode = #tpu.pipeline_mode<synchronous>, transform_indices = @transform_6, window_bounds = array<i64: 64, 64>}, {pipeline_mode = #tpu.pipeline_mode<synchronous>, transform_indices = @transform_7, window_bounds = array<i64: 1, 64>}, {transform_indices = @transform_8, window_bounds = array<i64: 2000, 64>}]} {
    %get3A = arith.constant 0 : index
    %get3A_0 = memref.load %arg1[%get3A] : memref<1xf32, #tpu.memory_space<smem>>
    %add3A = arith.constant 1.000000e+00 : f32
    %add3A_1 = arith.addf %add3A, %get3A_0 : f32
    %get3A_2 = arith.constant 0 : index
    %get3A_3 = arith.constant 0 : index
    %get3A_4 = vector.load %arg2[%get3A_2, %get3A_3] : memref<2000x128xf32, #tpu.memory_space<vmem>>, vector<2000x128xf32>
    %mul3A = vector.broadcast %add3A_1 : f32 to vector<2000x128xf32>
    %mul3A_5 = arith.mulf %mul3A, %get3A_4 : vector<2000x128xf32>
    %get3A_6 = arith.constant 0 : index
    %get3A_7 = arith.constant 0 : index
    %get3A_8 = arith.constant 0 : index
    %get3A_9 = vector.load %arg3[%get3A_6, %get3A_7, %get3A_8] : memref<1x2000x128xf32, #tpu.memory_space<vmem>>, vector<1x2000x128xf32>
    %get3A_10 = vector.shape_cast %get3A_9 : vector<1x2000x128xf32> to vector<2000x128xf32>
    %add3A_11 = arith.addf %mul3A_5, %get3A_10 : vector<2000x128xf32>
    %get3A_12 = arith.constant 0 : index
    %get3A_13 = arith.constant 0 : index
    %get3A_14 = arith.constant 0 : index
    %get3A_15 = vector.load %arg4[%get3A_12, %get3A_13, %get3A_14] : memref<1x2000x128xf32, #tpu.memory_space<vmem>>, vector<1x2000x128xf32>
    %get3A_16 = vector.shape_cast %get3A_15 : vector<1x2000x128xf32> to vector<2000x128xf32>
    %add3A_17 = arith.addf %add3A_11, %get3A_16 : vector<2000x128xf32>
    %get3A_18 = arith.constant 0 : index
    %get3A_19 = arith.constant 0 : index
    %get3A_20 = vector.load %arg5[%get3A_18, %get3A_19] : memref<128x64xf32, #tpu.memory_space<vmem>>, vector<128x64xf32>
    %get3A_21 = arith.constant 0 : index
    %get3A_22 = arith.constant 0 : index
    %get3A_23 = vector.load %arg6[%get3A_21, %get3A_22] : memref<1x64xf32, #tpu.memory_space<vmem>>, vector<1x64xf32>
    %get3A_24 = arith.constant 0 : index
    %get3A_25 = arith.constant 0 : index
    %get3A_26 = vector.load %arg7[%get3A_24, %get3A_25] : memref<64x64xf32, #tpu.memory_space<vmem>>, vector<64x64xf32>
    %get3A_27 = arith.constant 0 : index
    %get3A_28 = arith.constant 0 : index
    %get3A_29 = vector.load %arg8[%get3A_27, %get3A_28] : memref<1x64xf32, #tpu.memory_space<vmem>>, vector<1x64xf32>
    %dot_general3A = arith.constant dense<0.000000e+00> : vector<2000x64xf32>
    %dot_general3A_30 = tpu.matmul %add3A_17, %get3A_20, %dot_general3A {dimension_numbers = #tpu.dot_dimension_numbers<[1], [0], [0], [1], [0, 0, 1, 1], [], []>, transpose_lhs_hint = false} : vector<2000x128xf32>, vector<128x64xf32>, vector<2000x64xf32> -> vector<2000x64xf32>
    %add3A_31 = vector.broadcast %get3A_23 : vector<1x64xf32> to vector<2000x64xf32>
    %add3A_32 = arith.addf %dot_general3A_30, %add3A_31 : vector<2000x64xf32>
    %max3A = arith.constant 0.000000e+00 : f32
    %max3A_33 = vector.broadcast %max3A : f32 to vector<2000x64xf32>
    %max3A_34 = arith.maximumf %add3A_32, %max3A_33 : vector<2000x64xf32>
    %dot_general3A_35 = arith.constant dense<0.000000e+00> : vector<2000x64xf32>
    %dot_general3A_36 = tpu.matmul %max3A_34, %get3A_26, %dot_general3A_35 {dimension_numbers = #tpu.dot_dimension_numbers<[1], [0], [0], [1], [0, 0, 1, 1], [], []>, transpose_lhs_hint = false} : vector<2000x64xf32>, vector<64x64xf32>, vector<2000x64xf32> -> vector<2000x64xf32>
    %add3A_37 = vector.broadcast %get3A_29 : vector<1x64xf32> to vector<2000x64xf32>
    %add3A_38 = arith.addf %dot_general3A_36, %add3A_37 : vector<2000x64xf32>
    %max3A_39 = arith.constant 0.000000e+00 : f32
    %max3A_40 = vector.broadcast %max3A_39 : f32 to vector<2000x64xf32>
    %max3A_41 = arith.maximumf %add3A_38, %max3A_40 : vector<2000x64xf32>
    %swap3A = arith.constant 0 : index
    %swap3A_42 = arith.constant 0 : index
    %swap3A_43 = vector.load %arg9[%swap3A, %swap3A_42] : memref<2000x64xf32, #tpu.memory_space<vmem>>, vector<2000x64xf32>
    tpu.vector_store %arg9[%swap3A, %swap3A_42], %max3A_41 {strides = array<i32>} : memref<2000x64xf32, #tpu.memory_space<vmem>>, vector<2000x64xf32>,
    return
  }
  func.func @transform_0(%arg0: i32) -> i32 {
    %c0_i32 = arith.constant 0 : i32
    %c0_i32_0 = arith.constant 0 : i32
    return %c0_i32 : i32
  }
  func.func @transform_1(%arg0: i32) -> (i32, i32) {
    %c0_i32 = arith.constant 0 : i32
    %c0_i32_0 = arith.constant 0 : i32
    return %arg0, %c0_i32 : i32, i32
  }
  func.func @transform_2(%arg0: i32) -> (i32, i32, i32) {
    %c0_i32 = arith.constant 0 : i32
    %c0_i32_0 = arith.constant 0 : i32
    %c0_i32_1 = arith.constant 0 : i32
    return %c0_i32, %arg0, %c0_i32_0 : i32, i32, i32
  }
  func.func @transform_3(%arg0: i32) -> (i32, i32, i32) {
    %c1_i32 = arith.constant 1 : i32
    %c0_i32 = arith.constant 0 : i32
    %c0_i32_0 = arith.constant 0 : i32
    return %c1_i32, %arg0, %c0_i32 : i32, i32, i32
  }
  func.func @transform_4(%arg0: i32) -> (i32, i32) {
    %c0_i32 = arith.constant 0 : i32
    %c0_i32_0 = arith.constant 0 : i32
    %c0_i32_1 = arith.constant 0 : i32
    return %c0_i32, %c0_i32_0 : i32, i32
  }
  func.func @transform_5(%arg0: i32) -> (i32, i32) {
    %c0_i32 = arith.constant 0 : i32
    %c0_i32_0 = arith.constant 0 : i32
    %c0_i32_1 = arith.constant 0 : i32
    return %c0_i32, %c0_i32_0 : i32, i32
  }
  func.func @transform_6(%arg0: i32) -> (i32, i32) {
    %c0_i32 = arith.constant 0 : i32
    %c0_i32_0 = arith.constant 0 : i32
    %c0_i32_1 = arith.constant 0 : i32
    return %c0_i32, %c0_i32_0 : i32, i32
  }
  func.func @transform_7(%arg0: i32) -> (i32, i32) {
    %c0_i32 = arith.constant 0 : i32
    %c0_i32_0 = arith.constant 0 : i32
    %c0_i32_1 = arith.constant 0 : i32
    return %c0_i32, %c0_i32_0 : i32, i32
  }
  func.func @transform_8(%arg0: i32) -> (i32, i32) {
    %c0_i32 = arith.constant 0 : i32
    %c0_i32_0 = arith.constant 0 : i32
    return %arg0, %c0_i32 : i32, i32
  }
}

module attributes {stable_mosaic.version = 14 : i64} {
  func.func @body(%arg0: i32, %arg1: memref<1xf32, #tpu.memory_space<smem>>, %arg2: memref<2000x64xf32, #tpu.memory_space<vmem>>, %arg3: memref<1x2000x64xf32, #tpu.memory_space<vmem>>, %arg4: memref<1x2000x64xf32, #tpu.memory_space<vmem>>, %arg5: memref<64x64xf32, #tpu.memory_space<vmem>>, %arg6: memref<1x64xf32, #tpu.memory_space<vmem>>, %arg7: memref<64x64xf32, #tpu.memory_space<vmem>>, %arg8: memref<1x64xf32, #tpu.memory_space<vmem>>, %arg9: memref<2000x64xf32, #tpu.memory_space<vmem>>) attributes {dimension_semantics = [#tpu.dimension_semantics<arbitrary>], iteration_bounds = array<i64: 5>, scalar_prefetch = 0 : i64, scratch_operands = 0 : i64, tpu.core_type = #tpu.core_type<tc>, window_params = [{transform_indices = @transform_0, window_bounds = array<i64: 1>}, {transform_indices = @transform_1, window_bounds = array<i64: 2000, 64>}, {transform_indices = @transform_2, window_bounds = array<i64: 1, 2000, 64>}, {transform_indices = @transform_3, window_bounds = array<i64: 1, 2000, 64>}, {pipeline_mode = #tpu.pipeline_mode<synchronous>, transform_indices = @transform_4, window_bounds = array<i64: 64, 64>}, {pipeline_mode = #tpu.pipeline_mode<synchronous>, transform_indices = @transform_5, window_bounds = array<i64: 1, 64>}, {pipeline_mode = #tpu.pipeline_mode<synchronous>, transform_indices = @transform_6, window_bounds = array<i64: 64, 64>}, {pipeline_mode = #tpu.pipeline_mode<synchronous>, transform_indices = @transform_7, window_bounds = array<i64: 1, 64>}, {transform_indices = @transform_8, window_bounds = array<i64: 2000, 64>}]} {
    %get3A = arith.constant 0 : index
    %get3A_0 = memref.load %arg1[%get3A] : memref<1xf32, #tpu.memory_space<smem>>
    %add3A = arith.constant 1.000000e+00 : f32
    %add3A_1 = arith.addf %add3A, %get3A_0 : f32
    %get3A_2 = arith.constant 0 : index
    %get3A_3 = arith.constant 0 : index
    %get3A_4 = vector.load %arg2[%get3A_2, %get3A_3] : memref<2000x64xf32, #tpu.memory_space<vmem>>, vector<2000x64xf32>
    %mul3A = vector.broadcast %add3A_1 : f32 to vector<2000x64xf32>
    %mul3A_5 = arith.mulf %mul3A, %get3A_4 : vector<2000x64xf32>
    %get3A_6 = arith.constant 0 : index
    %get3A_7 = arith.constant 0 : index
    %get3A_8 = arith.constant 0 : index
    %get3A_9 = vector.load %arg3[%get3A_6, %get3A_7, %get3A_8] : memref<1x2000x64xf32, #tpu.memory_space<vmem>>, vector<1x2000x64xf32>
    %get3A_10 = vector.shape_cast %get3A_9 : vector<1x2000x64xf32> to vector<2000x64xf32>
    %add3A_11 = arith.addf %mul3A_5, %get3A_10 : vector<2000x64xf32>
    %get3A_12 = arith.constant 0 : index
    %get3A_13 = arith.constant 0 : index
    %get3A_14 = arith.constant 0 : index
    %get3A_15 = vector.load %arg4[%get3A_12, %get3A_13, %get3A_14] : memref<1x2000x64xf32, #tpu.memory_space<vmem>>, vector<1x2000x64xf32>
    %get3A_16 = vector.shape_cast %get3A_15 : vector<1x2000x64xf32> to vector<2000x64xf32>
    %add3A_17 = arith.addf %add3A_11, %get3A_16 : vector<2000x64xf32>
    %get3A_18 = arith.constant 0 : index
    %get3A_19 = arith.constant 0 : index
    %get3A_20 = vector.load %arg5[%get3A_18, %get3A_19] : memref<64x64xf32, #tpu.memory_space<vmem>>, vector<64x64xf32>
    %get3A_21 = arith.constant 0 : index
    %get3A_22 = arith.constant 0 : index
    %get3A_23 = vector.load %arg6[%get3A_21, %get3A_22] : memref<1x64xf32, #tpu.memory_space<vmem>>, vector<1x64xf32>
    %get3A_24 = arith.constant 0 : index
    %get3A_25 = arith.constant 0 : index
    %get3A_26 = vector.load %arg7[%get3A_24, %get3A_25] : memref<64x64xf32, #tpu.memory_space<vmem>>, vector<64x64xf32>
    %get3A_27 = arith.constant 0 : index
    %get3A_28 = arith.constant 0 : index
    %get3A_29 = vector.load %arg8[%get3A_27, %get3A_28] : memref<1x64xf32, #tpu.memory_space<vmem>>, vector<1x64xf32>
    %dot_general3A = arith.constant dense<0.000000e+00> : vector<2000x64xf32>
    %dot_general3A_30 = tpu.matmul %add3A_17, %get3A_20, %dot_general3A {dimension_numbers = #tpu.dot_dimension_numbers<[1], [0], [0], [1], [0, 0, 1, 1], [], []>, transpose_lhs_hint = false} : vector<2000x64xf32>, vector<64x64xf32>, vector<2000x64xf32> -> vector<2000x64xf32>
    %add3A_31 = vector.broadcast %get3A_23 : vector<1x64xf32> to vector<2000x64xf32>
    %add3A_32 = arith.addf %dot_general3A_30, %add3A_31 : vector<2000x64xf32>
    %max3A = arith.constant 0.000000e+00 : f32
    %max3A_33 = vector.broadcast %max3A : f32 to vector<2000x64xf32>
    %max3A_34 = arith.maximumf %add3A_32, %max3A_33 : vector<2000x64xf32>
    %dot_general3A_35 = arith.constant dense<0.000000e+00> : vector<2000x64xf32>
    %dot_general3A_36 = tpu.matmul %max3A_34, %get3A_26, %dot_general3A_35 {dimension_numbers = #tpu.dot_dimension_numbers<[1], [0], [0], [1], [0, 0, 1, 1], [], []>, transpose_lhs_hint = false} : vector<2000x64xf32>, vector<64x64xf32>, vector<2000x64xf32> -> vector<2000x64xf32>
    %add3A_37 = vector.broadcast %get3A_29 : vector<1x64xf32> to vector<2000x64xf32>
    %add3A_38 = arith.addf %dot_general3A_36, %add3A_37 : vector<2000x64xf32>
    %max3A_39 = arith.constant 0.000000e+00 : f32
    %max3A_40 = vector.broadcast %max3A_39 : f32 to vector<2000x64xf32>
    %max3A_41 = arith.maximumf %add3A_38, %max3A_40 : vector<2000x64xf32>
    %swap3A = arith.constant 0 : index
    %swap3A_42 = arith.constant 0 : index
    %swap3A_43 = vector.load %arg9[%swap3A, %swap3A_42] : memref<2000x64xf32, #tpu.memory_space<vmem>>, vector<2000x64xf32>
    tpu.vector_store %arg9[%swap3A, %swap3A_42], %max3A_41 {strides = array<i32>} : memref<2000x64xf32, #tpu.memory_space<vmem>>, vector<2000x64xf32>,
    return
  }
  func.func @transform_0(%arg0: i32) -> i32 {
    %c0_i32 = arith.constant 0 : i32
    %c0_i32_0 = arith.constant 0 : i32
    return %c0_i32 : i32
  }
  func.func @transform_1(%arg0: i32) -> (i32, i32) {
    %c0_i32 = arith.constant 0 : i32
    %c0_i32_0 = arith.constant 0 : i32
    return %arg0, %c0_i32 : i32, i32
  }
  func.func @transform_2(%arg0: i32) -> (i32, i32, i32) {
    %c0_i32 = arith.constant 0 : i32
    %c0_i32_0 = arith.constant 0 : i32
    %c0_i32_1 = arith.constant 0 : i32
    return %c0_i32, %arg0, %c0_i32_0 : i32, i32, i32
  }
  func.func @transform_3(%arg0: i32) -> (i32, i32, i32) {
    %c1_i32 = arith.constant 1 : i32
    %c0_i32 = arith.constant 0 : i32
    %c0_i32_0 = arith.constant 0 : i32
    return %c1_i32, %arg0, %c0_i32 : i32, i32, i32
  }
  func.func @transform_4(%arg0: i32) -> (i32, i32) {
    %c0_i32 = arith.constant 0 : i32
    %c0_i32_0 = arith.constant 0 : i32
    %c0_i32_1 = arith.constant 0 : i32
    return %c0_i32, %c0_i32_0 : i32, i32
  }
  func.func @transform_5(%arg0: i32) -> (i32, i32) {
    %c0_i32 = arith.constant 0 : i32
    %c0_i32_0 = arith.constant 0 : i32
    %c0_i32_1 = arith.constant 0 : i32
    return %c0_i32, %c0_i32_0 : i32, i32
  }
  func.func @transform_6(%arg0: i32) -> (i32, i32) {
    %c0_i32 = arith.constant 0 : i32
    %c0_i32_0 = arith.constant 0 : i32
    %c0_i32_1 = arith.constant 0 : i32
    return %c0_i32, %c0_i32_0 : i32, i32
  }
  func.func @transform_7(%arg0: i32) -> (i32, i32) {
    %c0_i32 = arith.constant 0 : i32
    %c0_i32_0 = arith.constant 0 : i32
    %c0_i32_1 = arith.constant 0 : i32
    return %c0_i32, %c0_i32_0 : i32, i32
  }
  func.func @transform_8(%arg0: i32) -> (i32, i32) {
    %c0_i32 = arith.constant 0 : i32
    %c0_i32_0 = arith.constant 0 : i32
    return %arg0, %c0_i32 : i32, i32
  }
}

module attributes {stable_mosaic.version = 14 : i64} {
  func.func @_pool_body(%arg0: i32, %arg1: memref<1xf32, #tpu.memory_space<smem>>, %arg2: memref<1xf32, #tpu.memory_space<smem>>, %arg3: memref<2000x64xf32, #tpu.memory_space<vmem>>, %arg4: memref<1x2000x64xf32, #tpu.memory_space<vmem>>, %arg5: memref<1x2000x64xf32, #tpu.memory_space<vmem>>, %arg6: memref<64x64xf32, #tpu.memory_space<vmem>>, %arg7: memref<1x64xf32, #tpu.memory_space<vmem>>, %arg8: memref<64x64xf32, #tpu.memory_space<vmem>>, %arg9: memref<1x64xf32, #tpu.memory_space<vmem>>, %arg10: memref<1x1x2000xi32, #tpu.memory_space<vmem>>, %arg11: memref<64x64xf32, #tpu.memory_space<vmem>>, %arg12: memref<1x64xf32, #tpu.memory_space<vmem>>, %arg13: memref<64x1xf32, #tpu.memory_space<vmem>>, %arg14: memref<256x64xf32, #tpu.memory_space<vmem>>, %arg15: memref<256x64xf32, #tpu.memory_space<vmem>>, %arg16: memref<256x1xf32, #tpu.memory_space<vmem>>) attributes {dimension_semantics = [#tpu.dimension_semantics<arbitrary>], iteration_bounds = array<i64: 5>, scalar_prefetch = 0 : i64, scratch_operands = 0 : i64, tpu.core_type = #tpu.core_type<tc>, window_params = [{transform_indices = @transform_0, window_bounds = array<i64: 1>}, {transform_indices = @transform_1, window_bounds = array<i64: 1>}, {transform_indices = @transform_2, window_bounds = array<i64: 2000, 64>}, {transform_indices = @transform_3, window_bounds = array<i64: 1, 2000, 64>}, {transform_indices = @transform_4, window_bounds = array<i64: 1, 2000, 64>}, {pipeline_mode = #tpu.pipeline_mode<synchronous>, transform_indices = @transform_5, window_bounds = array<i64: 64, 64>}, {pipeline_mode = #tpu.pipeline_mode<synchronous>, transform_indices = @transform_6, window_bounds = array<i64: 1, 64>}, {pipeline_mode = #tpu.pipeline_mode<synchronous>, transform_indices = @transform_7, window_bounds = array<i64: 64, 64>}, {pipeline_mode = #tpu.pipeline_mode<synchronous>, transform_indices = @transform_8, window_bounds = array<i64: 1, 64>}, {transform_indices = @transform_9, window_bounds = array<i64: 1, 1, 2000>}, {pipeline_mode = #tpu.pipeline_mode<synchronous>, transform_indices = @transform_10, window_bounds = array<i64: 64, 64>}, {pipeline_mode = #tpu.pipeline_mode<synchronous>, transform_indices = @transform_11, window_bounds = array<i64: 1, 64>}, {pipeline_mode = #tpu.pipeline_mode<synchronous>, transform_indices = @transform_12, window_bounds = array<i64: 64, 1>}, {pipeline_mode = #tpu.pipeline_mode<synchronous>, transform_indices = @transform_13, window_bounds = array<i64: 256, 64>}, {pipeline_mode = #tpu.pipeline_mode<synchronous>, transform_indices = @transform_14, window_bounds = array<i64: 256, 64>}, {pipeline_mode = #tpu.pipeline_mode<synchronous>, transform_indices = @transform_15, window_bounds = array<i64: 256, 1>}]} {
    %get3A = arith.constant 0 : index
    %get3A_0 = memref.load %arg1[%get3A] : memref<1xf32, #tpu.memory_space<smem>>
    %add3A = arith.constant 1.000000e+00 : f32
    %add3A_1 = arith.addf %add3A, %get3A_0 : f32
    %get3A_2 = arith.constant 0 : index
    %get3A_3 = arith.constant 0 : index
    %get3A_4 = vector.load %arg3[%get3A_2, %get3A_3] : memref<2000x64xf32, #tpu.memory_space<vmem>>, vector<2000x64xf32>
    %mul3A = vector.broadcast %add3A_1 : f32 to vector<2000x64xf32>
    %mul3A_5 = arith.mulf %mul3A, %get3A_4 : vector<2000x64xf32>
    %get3A_6 = arith.constant 0 : index
    %get3A_7 = arith.constant 0 : index
    %get3A_8 = arith.constant 0 : index
    %get3A_9 = vector.load %arg4[%get3A_6, %get3A_7, %get3A_8] : memref<1x2000x64xf32, #tpu.memory_space<vmem>>, vector<1x2000x64xf32>
    %get3A_10 = vector.shape_cast %get3A_9 : vector<1x2000x64xf32> to vector<2000x64xf32>
    %add3A_11 = arith.addf %mul3A_5, %get3A_10 : vector<2000x64xf32>
    %get3A_12 = arith.constant 0 : index
    %get3A_13 = arith.constant 0 : index
    %get3A_14 = arith.constant 0 : index
    %get3A_15 = vector.load %arg5[%get3A_12, %get3A_13, %get3A_14] : memref<1x2000x64xf32, #tpu.memory_space<vmem>>, vector<1x2000x64xf32>
    %get3A_16 = vector.shape_cast %get3A_15 : vector<1x2000x64xf32> to vector<2000x64xf32>
    %add3A_17 = arith.addf %add3A_11, %get3A_16 : vector<2000x64xf32>
    %get3A_18 = arith.constant 0 : index
    %get3A_19 = arith.constant 0 : index
    %get3A_20 = vector.load %arg6[%get3A_18, %get3A_19] : memref<64x64xf32, #tpu.memory_space<vmem>>, vector<64x64xf32>
    %get3A_21 = arith.constant 0 : index
    %get3A_22 = arith.constant 0 : index
    %get3A_23 = vector.load %arg7[%get3A_21, %get3A_22] : memref<1x64xf32, #tpu.memory_space<vmem>>, vector<1x64xf32>
    %get3A_24 = arith.constant 0 : index
    %get3A_25 = arith.constant 0 : index
    %get3A_26 = vector.load %arg8[%get3A_24, %get3A_25] : memref<64x64xf32, #tpu.memory_space<vmem>>, vector<64x64xf32>
    %get3A_27 = arith.constant 0 : index
    %get3A_28 = arith.constant 0 : index
    %get3A_29 = vector.load %arg9[%get3A_27, %get3A_28] : memref<1x64xf32, #tpu.memory_space<vmem>>, vector<1x64xf32>
    %dot_general3A = arith.constant dense<0.000000e+00> : vector<2000x64xf32>
    %dot_general3A_30 = tpu.matmul %add3A_17, %get3A_20, %dot_general3A {dimension_numbers = #tpu.dot_dimension_numbers<[1], [0], [0], [1], [0, 0, 1, 1], [], []>, transpose_lhs_hint = false} : vector<2000x64xf32>, vector<64x64xf32>, vector<2000x64xf32> -> vector<2000x64xf32>
    %add3A_31 = vector.broadcast %get3A_23 : vector<1x64xf32> to vector<2000x64xf32>
    %add3A_32 = arith.addf %dot_general3A_30, %add3A_31 : vector<2000x64xf32>
    %max3A = arith.constant 0.000000e+00 : f32
    %max3A_33 = vector.broadcast %max3A : f32 to vector<2000x64xf32>
    %max3A_34 = arith.maximumf %add3A_32, %max3A_33 : vector<2000x64xf32>
    %dot_general3A_35 = arith.constant dense<0.000000e+00> : vector<2000x64xf32>
    %dot_general3A_36 = tpu.matmul %max3A_34, %get3A_26, %dot_general3A_35 {dimension_numbers = #tpu.dot_dimension_numbers<[1], [0], [0], [1], [0, 0, 1, 1], [], []>, transpose_lhs_hint = false} : vector<2000x64xf32>, vector<64x64xf32>, vector<2000x64xf32> -> vector<2000x64xf32>
    %add3A_37 = vector.broadcast %get3A_29 : vector<1x64xf32> to vector<2000x64xf32>
    %add3A_38 = arith.addf %dot_general3A_36, %add3A_37 : vector<2000x64xf32>
    %max3A_39 = arith.constant 0.000000e+00 : f32
    %max3A_40 = vector.broadcast %max3A_39 : f32 to vector<2000x64xf32>
    %max3A_41 = arith.maximumf %add3A_38, %max3A_40 : vector<2000x64xf32>
    %get3A_42 = arith.constant 0 : index
    %get3A_43 = arith.constant 0 : index
    %get3A_44 = arith.constant 0 : index
    %get3A_45 = vector.load %arg10[%get3A_42, %get3A_43, %get3A_44] : memref<1x1x2000xi32, #tpu.memory_space<vmem>>, vector<1x1x2000xi32>
    %get3A_46 = vector.shape_cast %get3A_45 : vector<1x1x2000xi32> to vector<2000xi32>
    %iota3A = tpu.iota {dimensions = array<i32: 0>} : vector<256x2000xi32>
    %broadcast_in_dim3A = vector.shape_cast %get3A_46 : vector<2000xi32> to vector<1x2000xi32>
    %eq3A = vector.broadcast %broadcast_in_dim3A : vector<1x2000xi32> to vector<256x2000xi32>
    %eq3A_47 = arith.cmpi eq, %iota3A, %eq3A : vector<256x2000xi32>
    %convert_element_type3A = arith.extui %eq3A_47 : vector<256x2000xi1> to vector<256x2000xi32>
    %convert_element_type3A_48 = arith.sitofp %convert_element_type3A : vector<256x2000xi32> to vector<256x2000xf32>
    %dot_general3A_49 = arith.constant dense<0.000000e+00> : vector<256x64xf32>
    %dot_general3A_50 = tpu.matmul %convert_element_type3A_48, %max3A_41, %dot_general3A_49 {dimension_numbers = #tpu.dot_dimension_numbers<[1], [0], [0], [1], [0, 0, 1, 1], [], []>, transpose_lhs_hint = false} : vector<256x2000xf32>, vector<2000x64xf32>, vector<256x64xf32> -> vector<256x64xf32>
    %broadcast_in_dim3A_51 = arith.constant 1.000000e+00 : f32
    %broadcast_in_dim3A_52 = vector.broadcast %broadcast_in_dim3A_51 : f32 to vector<2000x64xf32>
    %dot_general3A_53 = arith.constant dense<0.000000e+00> : vector<256x64xf32>
    %dot_general3A_54 = tpu.matmul %convert_element_type3A_48, %broadcast_in_dim3A_52, %dot_general3A_53 {dimension_numbers = #tpu.dot_dimension_numbers<[1], [0], [0], [1], [0, 0, 1, 1], [], []>, transpose_lhs_hint = false} : vector<256x2000xf32>, vector<2000x64xf32>, vector<256x64xf32> -> vector<256x64xf32>
    %eq3A_55 = arith.constant 0 : i32
    %eq3A_56 = arith.cmpi eq, %arg0, %eq3A_55 : i32
    %convert_element_type3A_57 = arith.extui %eq3A_56 : i1 to i32
    %cond3A = arith.constant 0 : i32
    %cond3A_58 = arith.cmpi ne, %convert_element_type3A_57, %cond3A : i32
    scf.if %cond3A_58 {
      %broadcast_in_dim3A_77 = arith.constant 0.000000e+00 : f32
      %broadcast_in_dim3A_78 = vector.broadcast %broadcast_in_dim3A_77 : f32 to vector<256x64xf32>
      %swap3A_79 = arith.constant 0 : index
      %swap3A_80 = arith.constant 0 : index
      %swap3A_81 = vector.load %arg14[%swap3A_79, %swap3A_80] : memref<256x64xf32, #tpu.memory_space<vmem>>, vector<256x64xf32>
      tpu.vector_store %arg14[%swap3A_79, %swap3A_80], %broadcast_in_dim3A_78 {strides = array<i32>} : memref<256x64xf32, #tpu.memory_space<vmem>>, vector<256x64xf32>,
      %broadcast_in_dim3A_82 = arith.constant 0.000000e+00 : f32
      %broadcast_in_dim3A_83 = vector.broadcast %broadcast_in_dim3A_82 : f32 to vector<256x64xf32>
      %swap3A_84 = arith.constant 0 : index
      %swap3A_85 = arith.constant 0 : index
      %swap3A_86 = vector.load %arg15[%swap3A_84, %swap3A_85] : memref<256x64xf32, #tpu.memory_space<vmem>>, vector<256x64xf32>
      tpu.vector_store %arg15[%swap3A_84, %swap3A_85], %broadcast_in_dim3A_83 {strides = array<i32>} : memref<256x64xf32, #tpu.memory_space<vmem>>, vector<256x64xf32>,
    } else {
    }
    %get3A_59 = arith.constant 0 : index
    %get3A_60 = arith.constant 0 : index
    %get3A_61 = vector.load %arg14[%get3A_59, %get3A_60] : memref<256x64xf32, #tpu.memory_space<vmem>>, vector<256x64xf32>
    %add3A_62 = arith.addf %get3A_61, %dot_general3A_50 : vector<256x64xf32>
    %swap3A = arith.constant 0 : index
    %swap3A_63 = arith.constant 0 : index
    %swap3A_64 = vector.load %arg14[%swap3A, %swap3A_63] : memref<256x64xf32, #tpu.memory_space<vmem>>, vector<256x64xf32>
    tpu.vector_store %arg14[%swap3A, %swap3A_63], %add3A_62 {strides = array<i32>} : memref<256x64xf32, #tpu.memory_space<vmem>>, vector<256x64xf32>,
    %get3A_65 = arith.constant 0 : index
    %get3A_66 = arith.constant 0 : index
    %get3A_67 = vector.load %arg15[%get3A_65, %get3A_66] : memref<256x64xf32, #tpu.memory_space<vmem>>, vector<256x64xf32>
    %add3A_68 = arith.addf %get3A_67, %dot_general3A_54 : vector<256x64xf32>
    %swap3A_69 = arith.constant 0 : index
    %swap3A_70 = arith.constant 0 : index
    %swap3A_71 = vector.load %arg15[%swap3A_69, %swap3A_70] : memref<256x64xf32, #tpu.memory_space<vmem>>, vector<256x64xf32>
    tpu.vector_store %arg15[%swap3A_69, %swap3A_70], %add3A_68 {strides = array<i32>} : memref<256x64xf32, #tpu.memory_space<vmem>>, vector<256x64xf32>,
    %eq3A_72 = arith.constant 4 : i32
    %eq3A_73 = arith.cmpi eq, %arg0, %eq3A_72 : i32
    %convert_element_type3A_74 = arith.extui %eq3A_73 : i1 to i32
    %cond3A_75 = arith.constant 0 : i32
    %cond3A_76 = arith.cmpi ne, %convert_element_type3A_74, %cond3A_75 : i32
    scf.if %cond3A_76 {
      %get3A_77 = arith.constant 0 : index
      %get3A_78 = arith.constant 0 : index
      %get3A_79 = vector.load %arg14[%get3A_77, %get3A_78] : memref<256x64xf32, #tpu.memory_space<vmem>>, vector<256x64xf32>
      %get3A_80 = arith.constant 0 : index
      %get3A_81 = arith.constant 0 : index
      %get3A_82 = vector.load %arg15[%get3A_80, %get3A_81] : memref<256x64xf32, #tpu.memory_space<vmem>>, vector<256x64xf32>
      %max3A_83 = arith.constant 1.000000e+00 : f32
      %max3A_84 = vector.broadcast %max3A_83 : f32 to vector<256x64xf32>
      %max3A_85 = arith.maximumf %get3A_82, %max3A_84 : vector<256x64xf32>
      %div3A = arith.divf %get3A_79, %max3A_85 : vector<256x64xf32>
      %get3A_86 = arith.constant 0 : index
      %get3A_87 = arith.constant 0 : index
      %get3A_88 = vector.load %arg11[%get3A_86, %get3A_87] : memref<64x64xf32, #tpu.memory_space<vmem>>, vector<64x64xf32>
      %dot_general3A_89 = arith.constant dense<0.000000e+00> : vector<256x64xf32>
      %dot_general3A_90 = tpu.matmul %div3A, %get3A_88, %dot_general3A_89 {dimension_numbers = #tpu.dot_dimension_numbers<[1], [0], [0], [1], [0, 0, 1, 1], [], []>, transpose_lhs_hint = false} : vector<256x64xf32>, vector<64x64xf32>, vector<256x64xf32> -> vector<256x64xf32>
      %get3A_91 = arith.constant 0 : index
      %get3A_92 = arith.constant 0 : index
      %get3A_93 = vector.load %arg12[%get3A_91, %get3A_92] : memref<1x64xf32, #tpu.memory_space<vmem>>, vector<1x64xf32>
      %add3A_94 = vector.broadcast %get3A_93 : vector<1x64xf32> to vector<256x64xf32>
      %add3A_95 = arith.addf %dot_general3A_90, %add3A_94 : vector<256x64xf32>
      %max3A_96 = arith.constant 0.000000e+00 : f32
      %max3A_97 = vector.broadcast %max3A_96 : f32 to vector<256x64xf32>
      %max3A_98 = arith.maximumf %add3A_95, %max3A_97 : vector<256x64xf32>
      %get3A_99 = arith.constant 0 : index
      %get3A_100 = arith.constant 0 : index
      %get3A_101 = vector.load %arg13[%get3A_99, %get3A_100] : memref<64x1xf32, #tpu.memory_space<vmem>>, vector<64x1xf32>
      %dot_general3A_102 = arith.constant dense<0.000000e+00> : vector<256x1xf32>
      %dot_general3A_103 = tpu.matmul %max3A_98, %get3A_101, %dot_general3A_102 {dimension_numbers = #tpu.dot_dimension_numbers<[1], [0], [0], [1], [0, 0, 1, 1], [], []>, transpose_lhs_hint = false} : vector<256x64xf32>, vector<64x1xf32>, vector<256x1xf32> -> vector<256x1xf32>
      %get3A_104 = arith.constant 0 : index
      %get3A_105 = memref.load %arg2[%get3A_104] : memref<1xf32, #tpu.memory_space<smem>>
      %add3A_106 = vector.broadcast %get3A_105 : f32 to vector<256x1xf32>
      %add3A_107 = arith.addf %dot_general3A_103, %add3A_106 : vector<256x1xf32>
      %swap3A_108 = arith.constant 0 : index
      %swap3A_109 = arith.constant 0 : index
      %swap3A_110 = vector.load %arg16[%swap3A_108, %swap3A_109] : memref<256x1xf32, #tpu.memory_space<vmem>>, vector<256x1xf32>
      tpu.vector_store %arg16[%swap3A_108, %swap3A_109], %add3A_107 {strides = array<i32>} : memref<256x1xf32, #tpu.memory_space<vmem>>, vector<256x1xf32>,
    } else {
    }
    return
  }
  func.func @transform_0(%arg0: i32) -> i32 {
    %c0_i32 = arith.constant 0 : i32
    %c0_i32_0 = arith.constant 0 : i32
    return %c0_i32 : i32
  }
  func.func @transform_1(%arg0: i32) -> i32 {
    %c0_i32 = arith.constant 0 : i32
    %c0_i32_0 = arith.constant 0 : i32
    return %c0_i32 : i32
  }
  func.func @transform_2(%arg0: i32) -> (i32, i32) {
    %c0_i32 = arith.constant 0 : i32
    %c0_i32_0 = arith.constant 0 : i32
    return %arg0, %c0_i32 : i32, i32
  }
  func.func @transform_3(%arg0: i32) -> (i32, i32, i32) {
    %c0_i32 = arith.constant 0 : i32
    %c0_i32_0 = arith.constant 0 : i32
    %c0_i32_1 = arith.constant 0 : i32
    return %c0_i32, %arg0, %c0_i32_0 : i32, i32, i32
  }
  func.func @transform_4(%arg0: i32) -> (i32, i32, i32) {
    %c1_i32 = arith.constant 1 : i32
    %c0_i32 = arith.constant 0 : i32
    %c0_i32_0 = arith.constant 0 : i32
    return %c1_i32, %arg0, %c0_i32 : i32, i32, i32
  }
  func.func @transform_5(%arg0: i32) -> (i32, i32) {
    %c0_i32 = arith.constant 0 : i32
    %c0_i32_0 = arith.constant 0 : i32
    %c0_i32_1 = arith.constant 0 : i32
    return %c0_i32, %c0_i32_0 : i32, i32
  }
  func.func @transform_6(%arg0: i32) -> (i32, i32) {
    %c0_i32 = arith.constant 0 : i32
    %c0_i32_0 = arith.constant 0 : i32
    %c0_i32_1 = arith.constant 0 : i32
    return %c0_i32, %c0_i32_0 : i32, i32
  }
  func.func @transform_7(%arg0: i32) -> (i32, i32) {
    %c0_i32 = arith.constant 0 : i32
    %c0_i32_0 = arith.constant 0 : i32
    %c0_i32_1 = arith.constant 0 : i32
    return %c0_i32, %c0_i32_0 : i32, i32
  }
  func.func @transform_8(%arg0: i32) -> (i32, i32) {
    %c0_i32 = arith.constant 0 : i32
    %c0_i32_0 = arith.constant 0 : i32
    %c0_i32_1 = arith.constant 0 : i32
    return %c0_i32, %c0_i32_0 : i32, i32
  }
  func.func @transform_9(%arg0: i32) -> (i32, i32, i32) {
    %c0_i32 = arith.constant 0 : i32
    %c0_i32_0 = arith.constant 0 : i32
    %c0_i32_1 = arith.constant 0 : i32
    return %arg0, %c0_i32, %c0_i32_0 : i32, i32, i32
  }
  func.func @transform_10(%arg0: i32) -> (i32, i32) {
    %c0_i32 = arith.constant 0 : i32
    %c0_i32_0 = arith.constant 0 : i32
    %c0_i32_1 = arith.constant 0 : i32
    return %c0_i32, %c0_i32_0 : i32, i32
  }
  func.func @transform_11(%arg0: i32) -> (i32, i32) {
    %c0_i32 = arith.constant 0 : i32
    %c0_i32_0 = arith.constant 0 : i32
    %c0_i32_1 = arith.constant 0 : i32
    return %c0_i32, %c0_i32_0 : i32, i32
  }
  func.func @transform_12(%arg0: i32) -> (i32, i32) {
    %c0_i32 = arith.constant 0 : i32
    %c0_i32_0 = arith.constant 0 : i32
    %c0_i32_1 = arith.constant 0 : i32
    return %c0_i32, %c0_i32_0 : i32, i32
  }
  func.func @transform_13(%arg0: i32) -> (i32, i32) {
    %c0_i32 = arith.constant 0 : i32
    %c0_i32_0 = arith.constant 0 : i32
    %c0_i32_1 = arith.constant 0 : i32
    return %c0_i32, %c0_i32_0 : i32, i32
  }
  func.func @transform_14(%arg0: i32) -> (i32, i32) {
    %c0_i32 = arith.constant 0 : i32
    %c0_i32_0 = arith.constant 0 : i32
    %c0_i32_1 = arith.constant 0 : i32
    return %c0_i32, %c0_i32_0 : i32, i32
  }
  func.func @transform_15(%arg0: i32) -> (i32, i32) {
    %c0_i32 = arith.constant 0 : i32
    %c0_i32_0 = arith.constant 0 : i32
    %c0_i32_1 = arith.constant 0 : i32
    return %c0_i32, %c0_i32_0 : i32, i32
  }
}

</mosaic_0001>

<sc_bundles>
// kernel: kernel.11.cloned.1.call-start
scs
__scs_entry_jumppad:
0x0: {  	(pc) =	sbr.rel $0x88, $3  }
0x1: {  	(tag) =	ssettag $0x0;
	lr =	simm.s32 $0x1  }
0x2: {  	[smem:$0x3F8B] =	sst lr;
	_ =	strace $0xD0000000  }
0x3: {  	_ = 	snop  }
0x4: {  	_ = 	snop  }
0x5: {  	_ = 	snop  }
0x6: {  	_ = 	snop  }
0x7: {  	_ = 	snop  }
__scs_overlays_trampoline_lowered:
0x8: {  	[smem:$0x3F9A] =	sst s0  }
0x9: {  	[smem:$0x3F9B] =	sst s1  }
0xa: {  	[smem:$0x3F9C] =	sst s2  }
0xb: {  	[smem:$0x3F9D] =	sst s3  }
0xc: {  	[smem:$0x3F9E] =	sst s4  }
0xd: {  	[smem:$0x3F9F] =	sst s5  }
0xe: {  	[smem:$0x3FA0] =	sst s6  }
0xf: {  	[smem:$0x3FA1] =	sst s7  }
0x10: {  	[smem:$0x3FA2] =	sst s8  }
0x11: {  	[smem:$0x3FA3] =	sst s9;
	s0 =	simm.s32 @!p0 $0x0  }
0x12: {  	s1 =	sld [smem:$0x3F89];
	s0 =	simm.s32 @p0 $0x1  }
0x13: {  	[smem:$0x3FA4] =	sst s0;
	s0 =	simm.s32 @!p1 $0x0  }
0x14: {  	s2 =	sld [smem:$0x3F88];
	s0 =	simm.s32 @p1 $0x1  }
0x15: {  	[smem:$0x3FA5] =	sst s0;
	s0 =	simm.s32 @!p2 $0x0  }
0x16: {  	s3 =	sld [smem:$0x3FDB];
	s0 =	simm.s32 @p2 $0x1  }
0x17: {  	s4 =	simm.s32 $0x1BF5;
	[smem:$0x3FA7] =	sst s0  }
0x18: {  	s0 =	sld [smem:$0x3F8A];
	_ =	swait.ge [sflag:s4], $0x0  }
0x19: {  	s7 =	sld [smem:$0x3F8B]  }
0x1a: {  	s8 =	sadd.s32 $0xFFFFE003, lr  }
0x1b: {  	s9 =	sadd.s32 $0xFFFFFEF7, lr;
	s5 =	simm.s32 $0xFFFFFFFF;
	p2 =	slt.u32 s8, $0xFFFFF086  }
0x1c: {  	p1 =	slt.u32 s9, $0xF7A;
	s5 =	simm.s32 @!p2 $0x0  }
0x1d: {  	s5 =	simm.s32 @p1 $0x1;
	p0 =	seq.s32 s7, s2  }
0x1e: {  	s7 =	smul.u32 @!p0 $0xF7A, s2;
	p2 =	seq.s32 @!p0 s5, $0x0  }
0x1f: {  	s9 =	smul.u32 $0xF7A, s1;
	s8 =	simm.s32 @!p0 $0x1BF5;
	p2 =	por !p2, p0  }
0x20: {  	[sflag:s8] =	ssyncset.s32 @!p0 $0xFFFFF086;
	s6 =	sadd.s32 @!p0 s3, s7;
	s7 =	simm.s32 @!p0 $0x108  }
0x21: {  	s3 =	sadd.s32 s3, s9;
	s6 =	sadd.s32 @!p0 $0x88, s6;
	s7 =	simm.s32 @p2 $0x1082  }
0x22: {  	[simem:s7], [sflag:s8] =	dma.local @!p0 [hbm:s6], $0xF7A  }
0x23: {  	s9 =	sor.u32 $0xD0000000, s2;
	s6 =	simm.s32 $0x108;
	_ =	swait.ge @!p0 [sflag:s8], $0x0  }
0x24: {  	s3 =	sadd.s32 $0x88, s3;
	s6 =	simm.s32 @!p1 $0x1082;
	[sflag:s4] =	ssyncset.s32 $0xFFFFF086  }
0x25: {  	[simem:s6], [sflag:s4] =	dma.local [hbm:s3], $0xF7A  }
0x26: {  	[smem:$0x3F8B] =	sst s1;
	(tag) =	ssettag s2;
	_ =	strace s9  }
0x27: {  	s1 =	sld [smem:$0x3F9B]  }
0x28: {  	s2 =	sld [smem:$0x3F9C]  }
0x29: {  	s4 =	sld [smem:$0x3F9E]  }
0x2a: {  	p0 =	seq.s32 s5, $0x0;
	s5 =	sld [smem:$0x3F9F]  }
0x2b: {  	s6 =	sld [smem:$0x3FA0]  }
0x2c: {  	s7 =	sld [smem:$0x3FA1]  }
0x2d: {  	s3 =	simm.s32 $0x108;
	s8 =	sld [smem:$0x3FA2]  }
0x2e: {  	s3 =	simm.s32 @!p0 $0x1082;
	s9 =	sld [smem:$0x3FA3]  }
0x2f: {  	lr =	sadd.s32 s0, s3;
	s0 =	sld [smem:$0x3F9A]  }
0x30: {  	s3 =	sld [smem:$0x3F9D]  }
0x31: {  	[smem:$0x3FA6] =	sst s10  }
0x32: {  	s10 =	sld [smem:$0x3FA4];
	_ =	sdelay $0x3  }
0x33: {  	p0 =	seq.s32 s10, $0x1;
	s10 =	sld [smem:$0x3FA6];
	_ =	sdelay $0x3  }
0x34: {  	[smem:$0x3FA6] =	sst s10  }
0x35: {  	s10 =	sld [smem:$0x3FA5];
	_ =	sdelay $0x3  }
0x36: {  	p1 =	seq.s32 s10, $0x1;
	s10 =	sld [smem:$0x3FA6];
	_ =	sdelay $0x3  }
0x37: {  	[smem:$0x3FA6] =	sst s10  }
0x38: {  	s10 =	sld [smem:$0x3FA7]  }
0x39: {  	_ = 	snop;
	(pc) =	sbr.ind lr, $3  }
0x3a: {  	_ = 	snop  }
0x3b: {  	_ = 	snop  }
0x3c: {  	p2 =	seq.s32 s10, $0x1;
	s10 =	sld [smem:$0x3FA6]  }
0x3d: {  	_ =	shalt  }
0x3e: {  	_ =	shalt  }
0x3f: {  	_ =	shalt  }
0x40: {  	_ =	shalt  }
0x41: {  	_ =	shalt  }
0x42: {  	_ =	shalt  }
0x43: {  	_ =	shalt  }
0x44: {  	_ =	shalt  }
0x45: {  	_ =	shalt  }
0x46: {  	_ =	shalt  }
0x47: {  	_ =	shalt  }
0x48: {  	_ =	shalt  }
0x49: {  	_ =	shalt  }
0x4a: {  	_ =	shalt  }
0x4b: {  	_ =	shalt  }
0x4c: {  	_ =	shalt  }
0x4d: {  	_ =	shalt  }
0x4e: {  	_ =	shalt  }
0x4f: {  	_ =	shalt  }
0x50: {  	_ =	shalt  }
0x51: {  	_ =	shalt  }
0x52: {  	_ =	shalt  }
0x53: {  	_ =	shalt  }
0x54: {  	_ =	shalt  }
0x55: {  	_ =	shalt  }
0x56: {  	_ =	shalt  }
0x57: {  	_ =	shalt  }
0x58: {  	_ =	shalt  }
0x59: {  	_ =	shalt  }
0x5a: {  	_ =	shalt  }
0x5b: {  	_ =	shalt  }
0x5c: {  	_ =	shalt  }
0x5d: {  	_ =	shalt  }
0x5e: {  	_ =	shalt  }
0x5f: {  	_ =	shalt  }
0x60: {  	_ =	shalt  }
0x61: {  	_ =	shalt  }
0x62: {  	_ =	shalt  }
0x63: {  	_ =	shalt  }
0x64: {  	_ =	shalt  }
0x65: {  	_ =	shalt  }
0x66: {  	_ =	shalt  }
0x67: {  	_ =	shalt  }
0x68: {  	_ =	shalt  }
0x69: {  	_ =	shalt  }
0x6a: {  	_ =	shalt  }
0x6b: {  	_ =	shalt  }
0x6c: {  	_ =	shalt  }
0x6d: {  	_ =	shalt  }
0x6e: {  	_ =	shalt  }
0x6f: {  	_ =	shalt  }
0x70: {  	_ =	shalt  }
0x71: {  	_ =	shalt  }
0x72: {  	_ =	shalt  }
0x73: {  	_ =	shalt  }
0x74: {  	_ =	shalt  }
0x75: {  	_ =	shalt  }
0x76: {  	_ =	shalt  }
0x77: {  	_ =	shalt  }
0x78: {  	_ =	shalt  }
0x79: {  	_ =	shalt  }
0x7a: {  	_ =	shalt  }
0x7b: {  	_ =	shalt  }
0x7c: {  	_ =	shalt  }
0x7d: {  	_ =	shalt  }
0x7e: {  	_ =	shalt  }
0x7f: {  	_ =	shalt  }
0x80: {  	_ =	shalt  }
0x81: {  	_ =	shalt  }
0x82: {  	_ =	shalt  }
0x83: {  	_ =	shalt  }
0x84: {  	_ =	shalt  }
0x85: {  	_ =	shalt  }
0x86: {  	_ =	shalt  }
0x87: {  	_ =	shalt  }
.Lfunc_end0:
.L_simem_size_0:
called_computation.1_lowered:
.L_overlay_start_0:
0x88: {  	s2 =	sld [smem:$0x3FD9]  }
0x89: {  	s3 =	sld [smem:$0x3FFE];
	_ =	sdelay $0x1  }
0x8a: {  	s1 =	srdreg.scid  }
0x8b: {  	s0 =	sand.u32 $0x1, s1  }
0x8c: {  	s16 =	sshll.u32 s0, $0xA;
	s2 =	sadd.s32 s3, s2  }
0x8d: {  	s2 =	sadd.s32 s2, s16  }
0x8e: {  	[smem:$0x3FB2] =	sst s2  }
0x8f: {  	_ = 	snop  }
0x90: {  	(tm) =	ssettm $0x1  }
0x91: {  	s17 =	sld [smem:$0x3FFB];
	_ =	sdelay $0x3  }
0x92: {  	_ =	strace s17  }
0x93: {  	s2 =	sld [smem:$0x3FFC];
	_ =	sdelay $0x3  }
0x94: {  	_ =	strace s2  }
0x95: {  	s2 =	sld [smem:$0x3FFD];
	_ =	sdelay $0x3  }
0x96: {  	_ =	strace s2  }
0x97: {  	_ =	strace $0x8FFFFFFF  }
0x98: {  	s18 =	sld [smem:$0x3FDB];
	_ =	sdelay $0x1  }
0x99: {  	s19 =	simm.s32 $_scs_section_size  }
0x9a: {  	s4 =	simm.s32 $_size__tile_overlayer_lowered;
	s5 =	simm.s32 $_tile_overlayer_lowered  }
0x9b: {  	s22 =	simm.s32 $0x1BFF;
	s21 =	sshll.u32 s5, $0x1;
	s2 =	sadd.s32 s19, s18  }
0x9c: {  	s6 =	simm.s32 $0x0;
	s20 =	sshll.u32 s4, $0x1;
	s4 =	sadd.s32 s21, s2  }
0x9d: {  	[timem:s6], [sflag:s22] =	dma.local [hbm:s4], s20  }
0x9e: {  	_ =	swait.ge [sflag:s22], s20  }
0x9f: {  	s3 =	ssub.s32 $0x0, s20;
	[sflag:s22] =	ssyncset.done $0x0  }
0xa0: {  	[sflag:s22] =	ssyncadd.s32 s3;
	_ =	sdelay $0x1  }
0xa1: {  	s23 =	simm.s32 $0x1B8B  }
0xa2: {  	_ =	swait.ge [sflag:s23], $0x1  }
0xa3: {  	[sflag:s23] =	ssyncset.done $0x0  }
0xa4: {  	s25 =	simm.s32 $0x1B8E;
	s24 =	sld [smem:$0x3FFE];
	[sflag:s23] =	ssyncadd.s32 $0xFFFFFFFF  }
0xa5: {  	s26 =	simm.s32 $execute0_lowered;
	[smem:$0x3FD2] =	sst s25  }
0xa6: {  	s4 =	sshll.u32 s26, $0x1;
	_ =	strace $0x80000049;
	[dreg:$0x1] =	wrdreg $0xFFFFFFFF  }
0xa7: {  	s28 =	simm.s32 $_size_execute0_lowered;
	s2 =	sadd.s32 s2, s4;
	[dreg:$0x0] =	wrdreg $0x0  }
0xa8: {  	s4 =	sshll.u32 s28, $0x1;
	[dreg:$0x2] =	wrdreg s2  }
0xa9: {  	[dreg:$0x3] =	wrdreg s4  }
0xaa: {  	[dreg:$0x4] =	wrdreg $0xC0  }
0xab: {  	_ =	task [dreg:s6], $0x5FFFF  }
0xac: {  	[dreg:$0x1] =	wrdreg $0xFFFFFFFF  }
0xad: {  	[dreg:$0x0] =	wrdreg $0x60  }
0xae: {  	[dreg:$0x2] =	wrdreg s24  }
0xaf: {  	[dreg:$0x3] =	wrdreg $0x4EC00  }
0xb0: {  	[dreg:$0x4] =	wrdreg $0x9  }
0xb1: {  	_ =	task.clear_ibuf [dreg:s6], $0x5FFFF;
	_ =	strace $0x90000049  }
0xb2: {  	s29 =	simm.s32 $0x9;
	_ =	strace $0x8000004B  }
0xb3: {  	_ =	swait.ge [sflag:s29], $0x1  }
0xb4: {  	[sflag:s29] =	ssyncadd.s32 $0xFFFFFFFF  }
0xb5: {  	_ =	strace $0x9000004B  }
0xb6: {  	_ =	sfence  }
0xb7: {  	s30 =	sld [smem:$0x0];
	_ =	sdelay $0x2  }
0xb8: {  	s31 =	sshll.u32 s1, $0xD;
	s1 =	sshrl.u32 s1, $0x2  }
0xb9: {  	s3 =	sand.u32 $0x4000, s31;
	s1 =	sadd.s32 s1, s30  }
0xba: {  	s0 =	sor.u32 s3, s0;
	s1 =	sshll.u32 s1, $0x11  }
0xbb: {  	s0 =	sor.u32 s1, s0  }
0xbc: {  	s0 =	sadd.s32 $0x8F2B, s0  }
0xbd: {  	[sflag:s0] =	ssyncadd.remote.s32 $0x1  }
0xbe: {  	_ =	sfence.sel $0xFFFF  }
0xbf: {  	[dreg:$0x0] =	wrdreg $0xFFFFFFFF;
	(pc) =	sbr.abs _section_cstart, $3  }
0xc0: {  	[dreg:$0x1] =	wrdreg $0xFFFFFFFF  }
0xc1: {  	_ =	task.clear_ibuf [dreg:s6], $0x2FFFF;
	_ =	strace $0x9FFFFFFF  }
0xc2: {  	(tm) =	ssettm $0x7FFFFFFF  }
0xc3: {  	_ =	shalt  }
tec
execute0_lowered:
.L_overlay_start_1:
0x0: {  	(tag) =	ssettag $0x1  }
0x1: {  	s0 =	srdreg.scid;
	s3 =	rddreg [dreg:$0x0]  }
0x2: {  	s7 =	stileid.u32;
	s2 =	rddreg [dreg:$0x1]  }
0x3: {  	s4 =	simm.s32 $0x0;
	s15 =	simm.s32 $0x13;
	s21 =	simm.s32 $0x12340  }
0x4: {  	s28 =	simm.s32 $0x2;
	s29 =	simm.s32 $0x17740;
	s30 =	simm.s32 $0x3  }
0x5: {  	s31 =	simm.s32 $0x19340;
	s9 =	simm.s32 $0xD;
	s0 =	sand.u32 $0x1, s0  }
0x6: {  	s1 =	sshll.u32 s7, $0x1;
	[smem:$0x7FF] =	sst s4;
	s6 =	smul.u32 $0x9C80, s7  }
0x7: {  	s4 =	sadd.s32 $0x16800, s3;
	s7 =	smul.u32 $0x27200, s7;
	s1 =	sor.u32 s0, s1  }
0x8: {  	s5 =	smul.u32 $0x9C800, s0;
	_ =	strace $0x8000004A;
	s0 =	ssub.s32 $0x2, s0  }
0x9: {  	s1 =	smul.u32 $0x4EC, s1;
	s8 =	sshrl.u32 s0, $0x1;
	s7 =	sshrl.u32 s7, $0x2  }
0xa: {  	s20 =	sadd.s32 s6, s2;
	s5 =	sadd.s32 s6, s5;
	s0 =	ssub.s32 s0, s8  }
0xb: {  	s16 =	sadd.s32 s7, s2;
	s26 =	sshrl.u32 s20, $0x3;
	s20 =	simm.s32 $0x1CB40  }
0xc: {  	s6 =	simm.s32 $0x8;
	s7 =	simm.s32 $0xC;
	[dreg:$0x3] =	wrdreg s16  }
0xd: {  	s8 =	simm.s32 $0x9;
	s18 =	sadd.s32 $0x8C00, s16;
	[dreg:$0xd] =	wrdreg s26  }
0xe: {  	s1 =	sadd.s32 s1, s3;
	s0 =	smax.u32 s0, $0x1;
	[dreg:$0x6] =	wrdreg s18  }
0xf: {  	s5 =	sshrl.u32 s5, $0x3;
	s22 =	sadd.s32 $0x1C00, s16;
	[dreg:$0x8] =	wrdreg s0  }
0x10: {  	s23 =	sadd.s32 $0x3800, s16;
	s24 =	sadd.s32 $0x5400, s16;
	[dreg:$0x9] =	wrdreg s22  }
0x11: {  	s25 =	sadd.s32 $0x7000, s16;
	s26 =	simm.s32 $0x15B40;
	[dreg:$0xa] =	wrdreg s23  }
0x12: {  	s16 =	simm.s32 $0x5;
	s3 =	sadd.s32 s5, s3;
	[dreg:$0xb] =	wrdreg s24  }
0x13: {  	s17 =	sadd.s32 $0x2C00, s1;
	s1 =	sadd.s32 $0xCA00, s1;
	[dreg:$0xc] =	wrdreg s25  }
.Ltmp0:
0x14: {  	s18 =	simm.s32 $0x70;
	s23 =	simm.s32 $0x13F40;
	(pc) =	sbr.rel .LBB2_1-.Ltmp0, $4  }
0x15: {  	s24 =	simm.s32 $0x1;
	s0 =	simm.s32 $0x1AF40;
	[dreg:$0x4] =	wrdreg s17  }
0x16: {  	s22 =	simm.s32 $0x6;
	s25 =	simm.s32 $0x0;
	[dreg:$0x5] =	wrdreg s1  }
0x17: {  	s19 =	sadd.s32 $0x2A200, s3;
	s17 =	simm.s32 $0xEB40;
	s1 =	simm.s32 $0x4  }
0x18: {  	v0 =	vimm.f32 $0.0e+00;
	s3 =	simm.s32 $0xA;
	[dreg:$0x7] =	wrdreg s19;
	s19 =	simm.s32 $0x10740  }
.LBB2_6:
0x19: {  	_ =	swait.ge [sflag:s8], $0x1C00  }
0x1a: {  	[sflag:s8] =	ssyncset.done $0x0  }
0x1b: {  	[sflag:s8] =	ssyncadd.s32 $0xFFFFE400  }
0x1c: {  	[spmem:s2] =	stream.indirect.scatter.add.f32 [tilespmem:s20], [sflag:$0x12], $0x40, s11, s18, $0xb8;
	[tilespmem:$0x1E740] =	vst v63  }
0x1d: {  	_ =	swait.ge [sflag:s9], $0x1C00  }
0x1e: {  	[sflag:s9] =	ssyncset.done $0x0  }
0x1f: {  	s5 =	simm.s32 $0xE;
	[sflag:s9] =	ssyncadd.s32 $0xFFFFE400  }
0x20: {  	_ =	swait.ge [sflag:s5], $0x1C00  }
0x21: {  	[sflag:s5] =	ssyncset.done $0x0  }
0x22: {  	s13 =	simm.s32 $0xF;
	[sflag:s5] =	ssyncadd.s32 $0xFFFFE400  }
0x23: {  	_ =	swait.ge [sflag:s13], $0x1C00  }
0x24: {  	[sflag:s13] =	ssyncset.done $0x0  }
0x25: {  	s14 =	simm.s32 $0x10;
	[sflag:s13] =	ssyncadd.s32 $0xFFFFE400  }
0x26: {  	_ =	swait.ge [sflag:s14], $0x1C00  }
0x27: {  	[sflag:s14] =	ssyncset.done $0x0  }
0x28: {  	s10 =	simm.s32 $0x11;
	[sflag:s14] =	ssyncadd.s32 $0xFFFFE400  }
0x29: {  	_ =	swait.ge [sflag:s10], $0x1C00  }
0x2a: {  	[sflag:s10] =	ssyncset.done $0x0  }
0x2b: {  	s11 =	simm.s32 $0x12;
	[sflag:s10] =	ssyncadd.s32 $0xFFFFE400  }
0x2c: {  	_ =	swait.ge [sflag:s11], $0x1C00  }
0x2d: {  	[sflag:s11] =	ssyncset.done $0x0  }
0x2e: {  	[sflag:s11] =	ssyncadd.s32 $0xFFFFE400  }
0x2f: {  	s12 =	stileid.u32;
	[bflag:$0x0] =	sbarrier.arrive $0xFFFF  }
0x30: {  	s5 =	sshll.u32 s12, $0x6;
	s10 =	rddreg [dreg:$0x7]  }
0x31: {  	s5 =	sor.u32 $0x1C13, s5;
	s13 =	rddreg [dreg:$0xd]  }
0x32: {  	[hbm:s10], [sflag:s5] =	dma.local [spmem:s13], $0x1390  }
0x33: {  	_ =	swait.ge [sflag:s15], $0x1390  }
0x34: {  	s25 =	sadd.s32 $0x1, s25;
	s14 =	rddreg [dreg:$0x8]  }
0x35: {  	p0 =	sne.s32 s25, s14  }
.Ltmp1:
0x36: {  	_ = 	snop;
	(pc) =	sbr.rel @!p0 .LBB2_7-.Ltmp1, $3  }
0x37: {  	_ =	sdelay $0x1  }
0x38: {  	[sflag:s15] =	ssyncset.done $0x0  }
0x39: {  	[sflag:s15] =	ssyncadd.s32 $0xFFFFEC70  }
.LBB2_1:
0x3a: {  	s5 =	simm.s32 $0x0;
	s10 =	rddreg [dreg:$0x4]  }
0x3b: {  	[tilespmem:s5], [sflag:$0x13] =	stream.linear.gather [hbm4b:s10+s5], $0x2760, $0x38;
	[tilespmem:$0x1E740] =	vst v63  }
0x3c: {  	_ =	swait.ge [sflag:s15], $0x2760  }
0x3d: {  	[sflag:s15] =	ssyncset.done $0x0  }
0x3e: {  	s11 =	simm.s32 $0x2760;
	s14 =	rddreg [dreg:$0x5];
	[sflag:s15] =	ssyncadd.s32 $0xFFFFD8A0  }
0x3f: {  	[tilespmem:s11], [sflag:$0x13] =	stream.linear.gather [hbm4b:s14+s5], $0x2760, $0x38;
	[tilespmem:$0x1E740] =	vst v63  }
0x40: {  	_ =	swait.ge [sflag:s15], $0x2760  }
0x41: {  	[sflag:s15] =	ssyncset.done $0x0  }
0x42: {  	s10 =	simm.s32 $0x100;
	s5 =	simm.s32 $0x0;
	[sflag:s15] =	ssyncadd.s32 $0xFFFFD8A0  }
.LBB2_2:
0x43: {  	p0 =	sne.s32 s10, $0x6F00;
	[tilespmem:s5+$0xEB70] =	vst v0;
	s11 =	smov.u32 s10;
	s10 =	sadd.s32 $0x100, s10  }
.Ltmp2:
0x44: {  	[tilespmem:s5+$0xEB60] =	vst v0;
	(pc) =	sbr.rel @p0 .LBB2_2-.Ltmp2, $3  }
0x45: {  	[tilespmem:s5+$0xEB40] =	vst v0  }
0x46: {  	[tilespmem:s5+$0xEB50] =	vst v0;
	_ =	sdelay $0x1  }
0x47: {  	s5 =	sshra.s32 s11, $0x2  }
0x48: {  	[tilespmem:s5+$0xEB70] =	vst v0  }
0x49: {  	[tilespmem:s5+$0xEB60] =	vst v0  }
0x4a: {  	[tilespmem:s5+$0xEB40] =	vst v0  }
0x4b: {  	[tilespmem:s5+$0xEB50] =	vst v0;
	s13 =	rddreg [dreg:$0x3]  }
0x4c: {  	[spmem:s13] =	stream.linear.scatter [tilespmem:s17], [sflag:$0x13], $0x1C00, $0x38;
	[tilespmem:$0x1E740] =	vst v63  }
0x4d: {  	_ =	swait.ge [sflag:s15], $0x1C00  }
0x4e: {  	[sflag:s15] =	ssyncset.done $0x0  }
0x4f: {  	s14 =	rddreg [dreg:$0x9];
	[sflag:s15] =	ssyncadd.s32 $0xFFFFE400  }
0x50: {  	[spmem:s14] =	stream.linear.scatter [tilespmem:s17], [sflag:$0x13], $0x1C00, $0x38;
	[tilespmem:$0x1E740] =	vst v63  }
0x51: {  	_ =	swait.ge [sflag:s15], $0x1C00  }
0x52: {  	[sflag:s15] =	ssyncset.done $0x0  }
0x53: {  	s10 =	rddreg [dreg:$0xa];
	[sflag:s15] =	ssyncadd.s32 $0xFFFFE400  }
0x54: {  	[spmem:s10] =	stream.linear.scatter [tilespmem:s17], [sflag:$0x13], $0x1C00, $0x38;
	[tilespmem:$0x1E740] =	vst v63  }
0x55: {  	_ =	swait.ge [sflag:s15], $0x1C00  }
0x56: {  	[sflag:s15] =	ssyncset.done $0x0  }
0x57: {  	s11 =	rddreg [dreg:$0xb];
	[sflag:s15] =	ssyncadd.s32 $0xFFFFE400  }
0x58: {  	[spmem:s11] =	stream.linear.scatter [tilespmem:s17], [sflag:$0x13], $0x1C00, $0x38;
	[tilespmem:$0x1E740] =	vst v63  }
0x59: {  	_ =	swait.ge [sflag:s15], $0x1C00  }
0x5a: {  	[sflag:s15] =	ssyncset.done $0x0  }
0x5b: {  	s12 =	rddreg [dreg:$0xc];
	[sflag:s15] =	ssyncadd.s32 $0xFFFFE400  }
0x5c: {  	[spmem:s12] =	stream.linear.scatter [tilespmem:s17], [sflag:$0x13], $0x1C00, $0x38;
	[tilespmem:$0x1E740] =	vst v63  }
0x5d: {  	_ =	swait.ge [sflag:s15], $0x1C00  }
0x5e: {  	[sflag:s15] =	ssyncset.done $0x0  }
0x5f: {  	s13 =	rddreg [dreg:$0x6];
	[sflag:s15] =	ssyncadd.s32 $0xFFFFE400  }
0x60: {  	[spmem:s13] =	stream.linear.scatter [tilespmem:s17], [sflag:$0x13], $0x1080, $0x38;
	[tilespmem:$0x1E740] =	vst v63  }
0x61: {  	_ =	swait.ge [sflag:s15], $0x1080  }
0x62: {  	[sflag:s15] =	ssyncset.done $0x0  }
0x63: {  	[sflag:s15] =	ssyncadd.s32 $0xFFFFEF80  }
0x64: {  	s5 =	simm.s32 $0x0;
	[bflag:$0x0] =	sbarrier.arrive $0xFFFF  }
0x65: {  	[tilespmem:s17], [sflag:$0x1] =	stream.indirect.gather [hbm4b:s4+s18], $0x40, s5, s18, $0xb8;
	[tilespmem:$0x1E740] =	vst v63  }
0x66: {  	_ = 	snop  }
0x67: {  	[tilespmem:s19], [sflag:$0x2] =	stream.indirect.gather [hbm4b:s4+s18], $0x40, s18, s18, $0xb8;
	[tilespmem:$0x1E740] =	vst v63  }
0x68: {  	s10 =	simm.s32 $0xE0  }
0x69: {  	[tilespmem:s21], [sflag:$0x3] =	stream.indirect.gather [hbm4b:s4+s18], $0x40, s10, s18, $0xb8;
	[tilespmem:$0x1E740] =	vst v63  }
0x6a: {  	s14 =	simm.s32 $0x150  }
0x6b: {  	[tilespmem:s23], [sflag:$0x4] =	stream.indirect.gather [hbm4b:s4+s18], $0x40, s14, s18, $0xb8;
	[tilespmem:$0x1E740] =	vst v63  }
.LBB2_4:
0x6c: {  	_ =	swait.ge [sflag:s24], $0x1C00  }
0x6d: {  	s10 =	sshra.s32 s5, $0x2;
	[sflag:s24] =	ssyncset.done $0x0  }
0x6e: {  	p0 =	seq.s32 s5, $0x0;
	s11 =	sadd.s32 $0x2760, s10;
	[sflag:s24] =	ssyncadd.s32 $0xFFFFE400  }
0x6f: {  	[spmem:s2] =	stream.indirect.scatter.add.f32 [tilespmem:s17], [sflag:$0xA], $0x40, s11, s18, $0xb8;
	[tilespmem:$0x1E740] =	vst v63  }
0x70: {  	s11 =	simm.s32 @!p0 $0xE  }
0x71: {  	_ =	swait.ge @!p0 [sflag:s11], $0x1C00  }
0x72: {  	[sflag:s11] =	ssyncset.done @!p0 $0x0  }
0x73: {  	s13 =	sadd.s32 $0x1C0, s10;
	[sflag:s11] =	ssyncadd.s32 @!p0 $0xFFFFE400  }
0x74: {  	[tilespmem:s26], [sflag:$0x5] =	stream.indirect.gather [hbm4b:s4+s18], $0x40, s13, s18, $0xb8;
	[tilespmem:$0x1E740] =	vst v63  }
0x75: {  	_ =	swait.ge [sflag:s28], $0x1C00  }
0x76: {  	[sflag:s28] =	ssyncset.done $0x0  }
0x77: {  	s14 =	sadd.s32 $0x27D0, s10;
	s11 =	simm.s32 @!p0 $0xF;
	[sflag:s28] =	ssyncadd.s32 $0xFFFFE400  }
0x78: {  	[spmem:s2] =	stream.indirect.scatter.add.f32 [tilespmem:s19], [sflag:$0xB], $0x40, s14, s18, $0xb8;
	[tilespmem:$0x1E740] =	vst v63  }
0x79: {  	_ =	swait.ge @!p0 [sflag:s11], $0x1C00  }
0x7a: {  	[sflag:s11] =	ssyncset.done @!p0 $0x0  }
0x7b: {  	s12 =	sadd.s32 $0x230, s10;
	[sflag:s11] =	ssyncadd.s32 @!p0 $0xFFFFE400  }
0x7c: {  	[tilespmem:s29], [sflag:$0x6] =	stream.indirect.gather [hbm4b:s4+s18], $0x40, s12, s18, $0xb8;
	[tilespmem:$0x1E740] =	vst v63  }
0x7d: {  	_ =	swait.ge [sflag:s30], $0x1C00  }
0x7e: {  	[sflag:s30] =	ssyncset.done $0x0  }
0x7f: {  	s13 =	sadd.s32 $0x2840, s10;
	s11 =	simm.s32 @!p0 $0x10;
	[sflag:s30] =	ssyncadd.s32 $0xFFFFE400  }
0x80: {  	[spmem:s2] =	stream.indirect.scatter.add.f32 [tilespmem:s21], [sflag:$0xC], $0x40, s13, s18, $0xb8;
	[tilespmem:$0x1E740] =	vst v63  }
0x81: {  	_ =	swait.ge @!p0 [sflag:s11], $0x1C00  }
0x82: {  	[sflag:s11] =	ssyncset.done @!p0 $0x0  }
0x83: {  	s14 =	sadd.s32 $0x2A0, s10;
	[sflag:s11] =	ssyncadd.s32 @!p0 $0xFFFFE400  }
0x84: {  	[tilespmem:s31], [sflag:$0x7] =	stream.indirect.gather [hbm4b:s4+s18], $0x40, s14, s18, $0xb8;
	[tilespmem:$0x1E740] =	vst v63  }
0x85: {  	_ =	swait.ge [sflag:s1], $0x1C00  }
0x86: {  	[sflag:s1] =	ssyncset.done $0x0  }
0x87: {  	s12 =	sadd.s32 $0x28B0, s10;
	s11 =	simm.s32 @!p0 $0x11;
	[sflag:s1] =	ssyncadd.s32 $0xFFFFE400  }
0x88: {  	[spmem:s2] =	stream.indirect.scatter.add.f32 [tilespmem:s23], [sflag:$0xD], $0x40, s12, s18, $0xb8;
	[tilespmem:$0x1E740] =	vst v63  }
0x89: {  	_ =	swait.ge @!p0 [sflag:s11], $0x1C00  }
0x8a: {  	[sflag:s11] =	ssyncset.done @!p0 $0x0  }
0x8b: {  	s13 =	sadd.s32 $0x310, s10;
	[sflag:s11] =	ssyncadd.s32 @!p0 $0xFFFFE400  }
0x8c: {  	[tilespmem:s0], [sflag:$0x8] =	stream.indirect.gather [hbm4b:s4+s18], $0x40, s13, s18, $0xb8;
	[tilespmem:$0x1E740] =	vst v63  }
0x8d: {  	_ =	swait.ge [sflag:s16], $0x1C00  }
0x8e: {  	[sflag:s16] =	ssyncset.done $0x0  }
0x8f: {  	s14 =	sadd.s32 $0x2920, s10;
	s11 =	simm.s32 @!p0 $0x12;
	[sflag:s16] =	ssyncadd.s32 $0xFFFFE400  }
0x90: {  	[spmem:s2] =	stream.indirect.scatter.add.f32 [tilespmem:s26], [sflag:$0xE], $0x40, s14, s18, $0xb8;
	[tilespmem:$0x1E740] =	vst v63  }
0x91: {  	_ =	swait.ge @!p0 [sflag:s11], $0x1C00  }
0x92: {  	[sflag:s11] =	ssyncset.done @!p0 $0x0  }
0x93: {  	s12 =	sadd.s32 $0x380, s10;
	[sflag:s11] =	ssyncadd.s32 @!p0 $0xFFFFE400  }
0x94: {  	[tilespmem:s20], [sflag:$0x9] =	stream.indirect.gather [hbm4b:s4+s18], $0x40, s12, s18, $0xb8;
	[tilespmem:$0x1E740] =	vst v63  }
0x95: {  	_ =	swait.ge [sflag:s22], $0x1C00  }
0x96: {  	[sflag:s22] =	ssyncset.done $0x0  }
0x97: {  	s13 =	sadd.s32 $0x2990, s10;
	[sflag:s22] =	ssyncadd.s32 $0xFFFFE400  }
0x98: {  	[spmem:s2] =	stream.indirect.scatter.add.f32 [tilespmem:s29], [sflag:$0xF], $0x40, s13, s18, $0xb8;
	[tilespmem:$0x1E740] =	vst v63  }
0x99: {  	_ =	swait.ge [sflag:s3], $0x1C00  }
0x9a: {  	p0 =	seq.s32 s5, $0x8DC0;
	[sflag:s3] =	ssyncset.done $0x0  }
0x9b: {  	s11 =	simm.s32 @p0 $0x7;
	[sflag:s3] =	ssyncadd.s32 $0xFFFFE400  }
0x9c: {  	_ =	swait.ge @p0 [sflag:s11], $0x1C00  }
0x9d: {  	[sflag:s11] =	ssyncset.done @p0 $0x0  }
0x9e: {  	[sflag:s11] =	ssyncadd.s32 @p0 $0xFFFFE400;
	s11 =	sshra.s32 @p0 s5, $0x2  }
0x9f: {  	s12 =	simm.s32 @p0 $0x70;
	s13 =	simm.s32 @p0 $0x19340;
	s11 =	sadd.s32 @p0 $0x2A00, s11  }
0xa0: {  	[spmem:s2] =	stream.indirect.scatter.add.f32 @p0 [tilespmem:s13], [sflag:$0x10], $0x40, s11, s12, $0xb8;
	[tilespmem:$0x1E740] =	vst v63  }
0xa1: {  	s11 =	simm.s32 @p0 $0xB  }
0xa2: {  	_ =	swait.ge @p0 [sflag:s11], $0x1C00  }
0xa3: {  	[sflag:s11] =	ssyncset.done @p0 $0x0  }
0xa4: {  	[sflag:s11] =	ssyncadd.s32 @p0 $0xFFFFE400;
	s11 =	sshra.s32 @!p0 s5, $0x2  }
0xa5: {  	s14 =	simm.s32 @!p0 $0xEB40;
	s13 =	simm.s32 @!p0 $0x70;
	s12 =	sadd.s32 @!p0 $0x3F0, s11  }
0xa6: {  	[tilespmem:s14], [sflag:$0x1] =	stream.indirect.gather @!p0 [hbm4b:s4+s13], $0x40, s12, s13, $0xb8;
	[tilespmem:$0x1E740] =	vst v63  }
0xa7: {  	s12 =	simm.s32 @!p0 $0x7  }
0xa8: {  	_ =	swait.ge @!p0 [sflag:s12], $0x1C00  }
0xa9: {  	[sflag:s12] =	ssyncset.done @!p0 $0x0  }
0xaa: {  	s14 =	simm.s32 @!p0 $0x19340;
	[sflag:s12] =	ssyncadd.s32 @!p0 $0xFFFFE400;
	s12 =	sadd.s32 @!p0 $0x2A00, s11  }
0xab: {  	[spmem:s2] =	stream.indirect.scatter.add.f32 @!p0 [tilespmem:s14], [sflag:$0x10], $0x40, s12, s13, $0xb8;
	[tilespmem:$0x1E740] =	vst v63  }
0xac: {  	s12 =	simm.s32 @!p0 $0xB  }
0xad: {  	_ =	swait.ge @!p0 [sflag:s12], $0x1C00  }
0xae: {  	[sflag:s12] =	ssyncset.done @!p0 $0x0  }
0xaf: {  	s11 =	sadd.s32 @!p0 $0x460, s11;
	[sflag:s12] =	ssyncadd.s32 @!p0 $0xFFFFE400;
	s12 =	simm.s32 @!p0 $0x10740  }
0xb0: {  	[tilespmem:s12], [sflag:$0x2] =	stream.indirect.gather @!p0 [hbm4b:s4+s13], $0x40, s11, s13, $0xb8;
	[tilespmem:$0x1E740] =	vst v63  }
0xb1: {  	_ =	swait.ge [sflag:s6], $0x1C00  }
0xb2: {  	[sflag:s6] =	ssyncset.done $0x0  }
.Ltmp3:
0xb3: {  	s14 =	sadd.s32 $0x2A70, s10;
	[sflag:s6] =	ssyncadd.s32 $0xFFFFE400;
	(pc) =	sbr.rel @p0 .LBB2_6-.Ltmp3, $4  }
0xb4: {  	[spmem:s2] =	stream.indirect.scatter.add.f32 [tilespmem:s0], [sflag:$0x11], $0x40, s14, s18, $0xb8;
	[tilespmem:$0x1E740] =	vst v63  }
0xb5: {  	_ =	swait.ge [sflag:s7], $0x1C00  }
0xb6: {  	[sflag:s7] =	ssyncset.done $0x0  }
0xb7: {  	s11 =	sadd.s32 $0x2AE0, s10;
	[sflag:s7] =	ssyncadd.s32 $0xFFFFE400  }
0xb8: {  	s12 =	sadd.s32 $0x4D0, s10  }
0xb9: {  	[tilespmem:s21], [sflag:$0x3] =	stream.indirect.gather [hbm4b:s4+s18], $0x40, s12, s18, $0xb8;
	[tilespmem:$0x1E740] =	vst v63  }
0xba: {  	_ =	swait.ge [sflag:s8], $0x1C00  }
0xbb: {  	[sflag:s8] =	ssyncset.done $0x0  }
0xbc: {  	[sflag:s8] =	ssyncadd.s32 $0xFFFFE400  }
0xbd: {  	[spmem:s2] =	stream.indirect.scatter.add.f32 [tilespmem:s20], [sflag:$0x12], $0x40, s11, s18, $0xb8;
	[tilespmem:$0x1E740] =	vst v63  }
.Ltmp4:
0xbe: {  	_ = 	snop;
	(pc) =	sbr.rel .LBB2_4-.Ltmp4, $4  }
0xbf: {  	_ =	swait.ge [sflag:s9], $0x1C00  }
0xc0: {  	[sflag:s9] =	ssyncset.done $0x0  }
0xc1: {  	s14 =	sadd.s32 $0x540, s10;
	s5 =	sadd.s32 $0xFC0, s5;
	[sflag:s9] =	ssyncadd.s32 $0xFFFFE400  }
0xc2: {  	[tilespmem:s23], [sflag:$0x4] =	stream.indirect.gather [hbm4b:s4+s18], $0x40, s14, s18, $0xb8;
	[tilespmem:$0x1E740] =	vst v63  }
.LBB2_7:
0xc3: {  	_ =	sfence.sel $0x180000  }
0xc4: {  	[bflag:$0x0] =	sbarrier.arrive $0xFFFF  }
0xc5: {  	_ =	strace $0x9000004A  }
0xc6: {  	s0 =	stileid.u32;
	[bflag:$0x2] =	sbarrier.arrive $0xFFFF  }
0xc7: {  	p0 =	sne.s32 s0, $0x0;
	s0 =	rddreg [dreg:$0x2]  }
0xc8: {  	s0 =	sadd.s32 @!p0 $0x100000, s0  }
0xc9: {  	[sflag:s0] =	ssyncadd.tile.s32 @!p0 $0x1;
	_ =	shalt  }
.Lfunc_end2:
_tile_overlayer_lowered:
.L_overlay_start_2:
0xca: {  	(tag) =	ssettag $0x2  }
0xcb: {  	s0 =	rddreg [dreg:$0x0];
	s2 =	stileid.u32  }
0xcc: {  	s1 =	rddreg [dreg:$0x1];
	p0 =	sne.s32 s2, $0x0  }
0xcd: {  	s3 =	rddreg [dreg:$0x2];
	[bflag:$0x3] =	sbarrier.arrive $0xFFFF;
	s2 =	simm.s32 @!p0 $0x1C13  }
0xce: {  	[timem:s3], [sflag:s2] =	dma.local @!p0 [hbm:s0], s1  }
0xcf: {  	s0 =	simm.s32 @!p0 $0x13  }
0xd0: {  	_ =	swait.ge @!p0 [sflag:s0], s1  }
0xd1: {  	s1 =	ssub.s32 @!p0 $0x0, s1;
	[sflag:s0] =	ssyncset.done @!p0 $0x0  }
0xd2: {  	[sflag:s0] =	ssyncadd.s32 @!p0 s1  }
0xd3: {  	[bflag:$0x3] =	sbarrier.arrive $0xFFFF  }
0xd4: {  	_ =	shalt  }

// kernel: kernel.14.cloned.1.call-start
scs
__scs_entry_jumppad:
0x0: {  	(pc) =	sbr.rel $0x88, $3  }
0x1: {  	(tag) =	ssettag $0x0;
	lr =	simm.s32 $0x1  }
0x2: {  	[smem:$0x3F8B] =	sst lr;
	_ =	strace $0xD0000000  }
0x3: {  	_ = 	snop  }
0x4: {  	_ = 	snop  }
0x5: {  	_ = 	snop  }
0x6: {  	_ = 	snop  }
0x7: {  	_ = 	snop  }
__scs_overlays_trampoline_lowered:
0x8: {  	[smem:$0x3F9A] =	sst s0  }
0x9: {  	[smem:$0x3F9B] =	sst s1  }
0xa: {  	[smem:$0x3F9C] =	sst s2  }
0xb: {  	[smem:$0x3F9D] =	sst s3  }
0xc: {  	[smem:$0x3F9E] =	sst s4  }
0xd: {  	[smem:$0x3F9F] =	sst s5  }
0xe: {  	[smem:$0x3FA0] =	sst s6  }
0xf: {  	[smem:$0x3FA1] =	sst s7  }
0x10: {  	[smem:$0x3FA2] =	sst s8  }
0x11: {  	[smem:$0x3FA3] =	sst s9;
	s0 =	simm.s32 @!p0 $0x0  }
0x12: {  	s1 =	sld [smem:$0x3F89];
	s0 =	simm.s32 @p0 $0x1  }
0x13: {  	[smem:$0x3FA4] =	sst s0;
	s0 =	simm.s32 @!p1 $0x0  }
0x14: {  	s2 =	sld [smem:$0x3F88];
	s0 =	simm.s32 @p1 $0x1  }
0x15: {  	[smem:$0x3FA5] =	sst s0;
	s0 =	simm.s32 @!p2 $0x0  }
0x16: {  	s3 =	sld [smem:$0x3FDB];
	s0 =	simm.s32 @p2 $0x1  }
0x17: {  	s4 =	simm.s32 $0x1BF5;
	[smem:$0x3FA7] =	sst s0  }
0x18: {  	s0 =	sld [smem:$0x3F8A];
	_ =	swait.ge [sflag:s4], $0x0  }
0x19: {  	s7 =	sld [smem:$0x3F8B]  }
0x1a: {  	s8 =	sadd.s32 $0xFFFFE003, lr  }
0x1b: {  	s9 =	sadd.s32 $0xFFFFFEF7, lr;
	s5 =	simm.s32 $0xFFFFFFFF;
	p2 =	slt.u32 s8, $0xFFFFF086  }
0x1c: {  	p1 =	slt.u32 s9, $0xF7A;
	s5 =	simm.s32 @!p2 $0x0  }
0x1d: {  	s5 =	simm.s32 @p1 $0x1;
	p0 =	seq.s32 s7, s2  }
0x1e: {  	s7 =	smul.u32 @!p0 $0xF7A, s2;
	p2 =	seq.s32 @!p0 s5, $0x0  }
0x1f: {  	s9 =	smul.u32 $0xF7A, s1;
	s8 =	simm.s32 @!p0 $0x1BF5;
	p2 =	por !p2, p0  }
0x20: {  	[sflag:s8] =	ssyncset.s32 @!p0 $0xFFFFF086;
	s6 =	sadd.s32 @!p0 s3, s7;
	s7 =	simm.s32 @!p0 $0x108  }
0x21: {  	s3 =	sadd.s32 s3, s9;
	s6 =	sadd.s32 @!p0 $0x88, s6;
	s7 =	simm.s32 @p2 $0x1082  }
0x22: {  	[simem:s7], [sflag:s8] =	dma.local @!p0 [hbm:s6], $0xF7A  }
0x23: {  	s9 =	sor.u32 $0xD0000000, s2;
	s6 =	simm.s32 $0x108;
	_ =	swait.ge @!p0 [sflag:s8], $0x0  }
0x24: {  	s3 =	sadd.s32 $0x88, s3;
	s6 =	simm.s32 @!p1 $0x1082;
	[sflag:s4] =	ssyncset.s32 $0xFFFFF086  }
0x25: {  	[simem:s6], [sflag:s4] =	dma.local [hbm:s3], $0xF7A  }
0x26: {  	[smem:$0x3F8B] =	sst s1;
	(tag) =	ssettag s2;
	_ =	strace s9  }
0x27: {  	s1 =	sld [smem:$0x3F9B]  }
0x28: {  	s2 =	sld [smem:$0x3F9C]  }
0x29: {  	s4 =	sld [smem:$0x3F9E]  }
0x2a: {  	p0 =	seq.s32 s5, $0x0;
	s5 =	sld [smem:$0x3F9F]  }
0x2b: {  	s6 =	sld [smem:$0x3FA0]  }
0x2c: {  	s7 =	sld [smem:$0x3FA1]  }
0x2d: {  	s3 =	simm.s32 $0x108;
	s8 =	sld [smem:$0x3FA2]  }
0x2e: {  	s3 =	simm.s32 @!p0 $0x1082;
	s9 =	sld [smem:$0x3FA3]  }
0x2f: {  	lr =	sadd.s32 s0, s3;
	s0 =	sld [smem:$0x3F9A]  }
0x30: {  	s3 =	sld [smem:$0x3F9D]  }
0x31: {  	[smem:$0x3FA6] =	sst s10  }
0x32: {  	s10 =	sld [smem:$0x3FA4];
	_ =	sdelay $0x3  }
0x33: {  	p0 =	seq.s32 s10, $0x1;
	s10 =	sld [smem:$0x3FA6];
	_ =	sdelay $0x3  }
0x34: {  	[smem:$0x3FA6] =	sst s10  }
0x35: {  	s10 =	sld [smem:$0x3FA5];
	_ =	sdelay $0x3  }
0x36: {  	p1 =	seq.s32 s10, $0x1;
	s10 =	sld [smem:$0x3FA6];
	_ =	sdelay $0x3  }
0x37: {  	[smem:$0x3FA6] =	sst s10  }
0x38: {  	s10 =	sld [smem:$0x3FA7]  }
0x39: {  	_ = 	snop;
	(pc) =	sbr.ind lr, $3  }
0x3a: {  	_ = 	snop  }
0x3b: {  	_ = 	snop  }
0x3c: {  	p2 =	seq.s32 s10, $0x1;
	s10 =	sld [smem:$0x3FA6]  }
0x3d: {  	_ =	shalt  }
0x3e: {  	_ =	shalt  }
0x3f: {  	_ =	shalt  }
0x40: {  	_ =	shalt  }
0x41: {  	_ =	shalt  }
0x42: {  	_ =	shalt  }
0x43: {  	_ =	shalt  }
0x44: {  	_ =	shalt  }
0x45: {  	_ =	shalt  }
0x46: {  	_ =	shalt  }
0x47: {  	_ =	shalt  }
0x48: {  	_ =	shalt  }
0x49: {  	_ =	shalt  }
0x4a: {  	_ =	shalt  }
0x4b: {  	_ =	shalt  }
0x4c: {  	_ =	shalt  }
0x4d: {  	_ =	shalt  }
0x4e: {  	_ =	shalt  }
0x4f: {  	_ =	shalt  }
0x50: {  	_ =	shalt  }
0x51: {  	_ =	shalt  }
0x52: {  	_ =	shalt  }
0x53: {  	_ =	shalt  }
0x54: {  	_ =	shalt  }
0x55: {  	_ =	shalt  }
0x56: {  	_ =	shalt  }
0x57: {  	_ =	shalt  }
0x58: {  	_ =	shalt  }
0x59: {  	_ =	shalt  }
0x5a: {  	_ =	shalt  }
0x5b: {  	_ =	shalt  }
0x5c: {  	_ =	shalt  }
0x5d: {  	_ =	shalt  }
0x5e: {  	_ =	shalt  }
0x5f: {  	_ =	shalt  }
0x60: {  	_ =	shalt  }
0x61: {  	_ =	shalt  }
0x62: {  	_ =	shalt  }
0x63: {  	_ =	shalt  }
0x64: {  	_ =	shalt  }
0x65: {  	_ =	shalt  }
0x66: {  	_ =	shalt  }
0x67: {  	_ =	shalt  }
0x68: {  	_ =	shalt  }
0x69: {  	_ =	shalt  }
0x6a: {  	_ =	shalt  }
0x6b: {  	_ =	shalt  }
0x6c: {  	_ =	shalt  }
0x6d: {  	_ =	shalt  }
0x6e: {  	_ =	shalt  }
0x6f: {  	_ =	shalt  }
0x70: {  	_ =	shalt  }
0x71: {  	_ =	shalt  }
0x72: {  	_ =	shalt  }
0x73: {  	_ =	shalt  }
0x74: {  	_ =	shalt  }
0x75: {  	_ =	shalt  }
0x76: {  	_ =	shalt  }
0x77: {  	_ =	shalt  }
0x78: {  	_ =	shalt  }
0x79: {  	_ =	shalt  }
0x7a: {  	_ =	shalt  }
0x7b: {  	_ =	shalt  }
0x7c: {  	_ =	shalt  }
0x7d: {  	_ =	shalt  }
0x7e: {  	_ =	shalt  }
0x7f: {  	_ =	shalt  }
0x80: {  	_ =	shalt  }
0x81: {  	_ =	shalt  }
0x82: {  	_ =	shalt  }
0x83: {  	_ =	shalt  }
0x84: {  	_ =	shalt  }
0x85: {  	_ =	shalt  }
0x86: {  	_ =	shalt  }
0x87: {  	_ =	shalt  }
.Lfunc_end0:
.L_simem_size_0:
called_computation.2_lowered:
.L_overlay_start_0:
0x88: {  	s2 =	sld [smem:$0x3FD9]  }
0x89: {  	s3 =	sld [smem:$0x3FFE];
	_ =	sdelay $0x1  }
0x8a: {  	s1 =	srdreg.scid  }
0x8b: {  	s0 =	sand.u32 $0x1, s1  }
0x8c: {  	s16 =	sshll.u32 s0, $0xA;
	s2 =	sadd.s32 s3, s2  }
0x8d: {  	s2 =	sadd.s32 s2, s16  }
0x8e: {  	[smem:$0x3FB2] =	sst s2  }
0x8f: {  	_ = 	snop  }
0x90: {  	(tm) =	ssettm $0x1  }
0x91: {  	s17 =	sld [smem:$0x3FFB];
	_ =	sdelay $0x3  }
0x92: {  	_ =	strace s17  }
0x93: {  	s2 =	sld [smem:$0x3FFC];
	_ =	sdelay $0x3  }
0x94: {  	_ =	strace s2  }
0x95: {  	s2 =	sld [smem:$0x3FFD];
	_ =	sdelay $0x3  }
0x96: {  	_ =	strace s2  }
0x97: {  	_ =	strace $0x8FFFFFFF  }
0x98: {  	s18 =	sld [smem:$0x3FDB];
	_ =	sdelay $0x1  }
0x99: {  	s19 =	simm.s32 $_scs_section_size  }
0x9a: {  	s4 =	simm.s32 $_size__tile_overlayer_lowered;
	s5 =	simm.s32 $_tile_overlayer_lowered  }
0x9b: {  	s22 =	simm.s32 $0x1BFF;
	s21 =	sshll.u32 s5, $0x1;
	s2 =	sadd.s32 s19, s18  }
0x9c: {  	s6 =	simm.s32 $0x0;
	s20 =	sshll.u32 s4, $0x1;
	s4 =	sadd.s32 s21, s2  }
0x9d: {  	[timem:s6], [sflag:s22] =	dma.local [hbm:s4], s20  }
0x9e: {  	_ =	swait.ge [sflag:s22], s20  }
0x9f: {  	s3 =	ssub.s32 $0x0, s20;
	[sflag:s22] =	ssyncset.done $0x0  }
0xa0: {  	[sflag:s22] =	ssyncadd.s32 s3;
	_ =	sdelay $0x1  }
0xa1: {  	s23 =	simm.s32 $0x1B8B  }
0xa2: {  	_ =	swait.ge [sflag:s23], $0x1  }
0xa3: {  	[sflag:s23] =	ssyncset.done $0x0  }
0xa4: {  	s25 =	simm.s32 $0x1B8E;
	s24 =	sld [smem:$0x3FFE];
	[sflag:s23] =	ssyncadd.s32 $0xFFFFFFFF  }
0xa5: {  	s26 =	simm.s32 $execute0_lowered;
	[smem:$0x3FD2] =	sst s25  }
0xa6: {  	s4 =	sshll.u32 s26, $0x1;
	_ =	strace $0x8000004C;
	[dreg:$0x1] =	wrdreg $0xFFFFFFFF  }
0xa7: {  	s28 =	simm.s32 $_size_execute0_lowered;
	s2 =	sadd.s32 s2, s4;
	[dreg:$0x0] =	wrdreg $0x0  }
0xa8: {  	s4 =	sshll.u32 s28, $0x1;
	[dreg:$0x2] =	wrdreg s2  }
0xa9: {  	[dreg:$0x3] =	wrdreg s4  }
0xaa: {  	[dreg:$0x4] =	wrdreg $0xC0  }
0xab: {  	_ =	task [dreg:s6], $0x5FFFF  }
0xac: {  	[dreg:$0x1] =	wrdreg $0xFFFFFFFF  }
0xad: {  	[dreg:$0x0] =	wrdreg $0x60  }
0xae: {  	[dreg:$0x2] =	wrdreg s24  }
0xaf: {  	[dreg:$0x3] =	wrdreg $0x4EC00  }
0xb0: {  	[dreg:$0x4] =	wrdreg $0x9  }
0xb1: {  	_ =	task.clear_ibuf [dreg:s6], $0x5FFFF;
	_ =	strace $0x9000004C  }
0xb2: {  	s29 =	simm.s32 $0x9;
	_ =	strace $0x8000004E  }
0xb3: {  	_ =	swait.ge [sflag:s29], $0x1  }
0xb4: {  	[sflag:s29] =	ssyncadd.s32 $0xFFFFFFFF  }
0xb5: {  	_ =	strace $0x9000004E  }
0xb6: {  	_ =	sfence  }
0xb7: {  	s30 =	sld [smem:$0x0];
	_ =	sdelay $0x2  }
0xb8: {  	s31 =	sshll.u32 s1, $0xD;
	s1 =	sshrl.u32 s1, $0x2  }
0xb9: {  	s3 =	sand.u32 $0x4000, s31;
	s1 =	sadd.s32 s1, s30  }
0xba: {  	s0 =	sor.u32 s3, s0;
	s1 =	sshll.u32 s1, $0x11  }
0xbb: {  	s0 =	sor.u32 s1, s0  }
0xbc: {  	s0 =	sadd.s32 $0x8F2B, s0  }
0xbd: {  	[sflag:s0] =	ssyncadd.remote.s32 $0x1  }
0xbe: {  	_ =	sfence.sel $0xFFFF  }
0xbf: {  	[dreg:$0x0] =	wrdreg $0xFFFFFFFF;
	(pc) =	sbr.abs _section_cstart, $3  }
0xc0: {  	[dreg:$0x1] =	wrdreg $0xFFFFFFFF  }
0xc1: {  	_ =	task.clear_ibuf [dreg:s6], $0x2FFFF;
	_ =	strace $0x9FFFFFFF  }
0xc2: {  	(tm) =	ssettm $0x7FFFFFFF  }
0xc3: {  	_ =	shalt  }
tec
execute0_lowered:
.L_overlay_start_1:
0x0: {  	(tag) =	ssettag $0x1  }
0x1: {  	s0 =	srdreg.scid;
	s3 =	rddreg [dreg:$0x0]  }
0x2: {  	s7 =	stileid.u32;
	s2 =	rddreg [dreg:$0x1]  }
0x3: {  	s4 =	simm.s32 $0x0;
	s15 =	simm.s32 $0x13;
	s21 =	simm.s32 $0x12340  }
0x4: {  	s28 =	simm.s32 $0x2;
	s29 =	simm.s32 $0x17740;
	s30 =	simm.s32 $0x3  }
0x5: {  	s31 =	simm.s32 $0x19340;
	s9 =	simm.s32 $0xD;
	s0 =	sand.u32 $0x1, s0  }
0x6: {  	s1 =	sshll.u32 s7, $0x1;
	[smem:$0x7FF] =	sst s4;
	s6 =	smul.u32 $0x9C80, s7  }
0x7: {  	s4 =	sadd.s32 $0x16800, s3;
	s7 =	smul.u32 $0x27200, s7;
	s1 =	sor.u32 s0, s1  }
0x8: {  	s5 =	smul.u32 $0x9C800, s0;
	_ =	strace $0x8000004D;
	s0 =	ssub.s32 $0x2, s0  }
0x9: {  	s1 =	smul.u32 $0x4EC, s1;
	s8 =	sshrl.u32 s0, $0x1;
	s7 =	sshrl.u32 s7, $0x2  }
0xa: {  	s20 =	sadd.s32 s6, s2;
	s5 =	sadd.s32 s6, s5;
	s0 =	ssub.s32 s0, s8  }
0xb: {  	s16 =	sadd.s32 s7, s2;
	s26 =	sshrl.u32 s20, $0x3;
	s20 =	simm.s32 $0x1CB40  }
0xc: {  	s6 =	simm.s32 $0x8;
	s7 =	simm.s32 $0xC;
	[dreg:$0x3] =	wrdreg s16  }
0xd: {  	s8 =	simm.s32 $0x9;
	s18 =	sadd.s32 $0x8C00, s16;
	[dreg:$0xd] =	wrdreg s26  }
0xe: {  	s1 =	sadd.s32 s1, s3;
	s0 =	smax.u32 s0, $0x1;
	[dreg:$0x6] =	wrdreg s18  }
0xf: {  	s5 =	sshrl.u32 s5, $0x3;
	s22 =	sadd.s32 $0x1C00, s16;
	[dreg:$0x8] =	wrdreg s0  }
0x10: {  	s23 =	sadd.s32 $0x3800, s16;
	s24 =	sadd.s32 $0x5400, s16;
	[dreg:$0x9] =	wrdreg s22  }
0x11: {  	s25 =	sadd.s32 $0x7000, s16;
	s26 =	simm.s32 $0x15B40;
	[dreg:$0xa] =	wrdreg s23  }
0x12: {  	s16 =	simm.s32 $0x5;
	s3 =	sadd.s32 s5, s3;
	[dreg:$0xb] =	wrdreg s24  }
0x13: {  	s17 =	sadd.s32 $0x2C00, s1;
	s1 =	sadd.s32 $0xCA00, s1;
	[dreg:$0xc] =	wrdreg s25  }
.Ltmp0:
0x14: {  	s18 =	simm.s32 $0x70;
	s23 =	simm.s32 $0x13F40;
	(pc) =	sbr.rel .LBB2_1-.Ltmp0, $4  }
0x15: {  	s24 =	simm.s32 $0x1;
	s0 =	simm.s32 $0x1AF40;
	[dreg:$0x4] =	wrdreg s17  }
0x16: {  	s22 =	simm.s32 $0x6;
	s25 =	simm.s32 $0x0;
	[dreg:$0x5] =	wrdreg s1  }
0x17: {  	s19 =	sadd.s32 $0x2A200, s3;
	s17 =	simm.s32 $0xEB40;
	s1 =	simm.s32 $0x4  }
0x18: {  	v0 =	vimm.f32 $0.0e+00;
	s3 =	simm.s32 $0xA;
	[dreg:$0x7] =	wrdreg s19;
	s19 =	simm.s32 $0x10740  }
.LBB2_6:
0x19: {  	_ =	swait.ge [sflag:s8], $0x1C00  }
0x1a: {  	[sflag:s8] =	ssyncset.done $0x0  }
0x1b: {  	[sflag:s8] =	ssyncadd.s32 $0xFFFFE400  }
0x1c: {  	[spmem:s2] =	stream.indirect.scatter.add.f32 [tilespmem:s20], [sflag:$0x12], $0x40, s11, s18, $0xb8;
	[tilespmem:$0x1E740] =	vst v63  }
0x1d: {  	_ =	swait.ge [sflag:s9], $0x1C00  }
0x1e: {  	[sflag:s9] =	ssyncset.done $0x0  }
0x1f: {  	s5 =	simm.s32 $0xE;
	[sflag:s9] =	ssyncadd.s32 $0xFFFFE400  }
0x20: {  	_ =	swait.ge [sflag:s5], $0x1C00  }
0x21: {  	[sflag:s5] =	ssyncset.done $0x0  }
0x22: {  	s13 =	simm.s32 $0xF;
	[sflag:s5] =	ssyncadd.s32 $0xFFFFE400  }
0x23: {  	_ =	swait.ge [sflag:s13], $0x1C00  }
0x24: {  	[sflag:s13] =	ssyncset.done $0x0  }
0x25: {  	s14 =	simm.s32 $0x10;
	[sflag:s13] =	ssyncadd.s32 $0xFFFFE400  }
0x26: {  	_ =	swait.ge [sflag:s14], $0x1C00  }
0x27: {  	[sflag:s14] =	ssyncset.done $0x0  }
0x28: {  	s10 =	simm.s32 $0x11;
	[sflag:s14] =	ssyncadd.s32 $0xFFFFE400  }
0x29: {  	_ =	swait.ge [sflag:s10], $0x1C00  }
0x2a: {  	[sflag:s10] =	ssyncset.done $0x0  }
0x2b: {  	s11 =	simm.s32 $0x12;
	[sflag:s10] =	ssyncadd.s32 $0xFFFFE400  }
0x2c: {  	_ =	swait.ge [sflag:s11], $0x1C00  }
0x2d: {  	[sflag:s11] =	ssyncset.done $0x0  }
0x2e: {  	[sflag:s11] =	ssyncadd.s32 $0xFFFFE400  }
0x2f: {  	s12 =	stileid.u32;
	[bflag:$0x0] =	sbarrier.arrive $0xFFFF  }
0x30: {  	s5 =	sshll.u32 s12, $0x6;
	s10 =	rddreg [dreg:$0x7]  }
0x31: {  	s5 =	sor.u32 $0x1C13, s5;
	s13 =	rddreg [dreg:$0xd]  }
0x32: {  	[hbm:s10], [sflag:s5] =	dma.local [spmem:s13], $0x1390  }
0x33: {  	_ =	swait.ge [sflag:s15], $0x1390  }
0x34: {  	s25 =	sadd.s32 $0x1, s25;
	s14 =	rddreg [dreg:$0x8]  }
0x35: {  	p0 =	sne.s32 s25, s14  }
.Ltmp1:
0x36: {  	_ = 	snop;
	(pc) =	sbr.rel @!p0 .LBB2_7-.Ltmp1, $3  }
0x37: {  	_ =	sdelay $0x1  }
0x38: {  	[sflag:s15] =	ssyncset.done $0x0  }
0x39: {  	[sflag:s15] =	ssyncadd.s32 $0xFFFFEC70  }
.LBB2_1:
0x3a: {  	s5 =	simm.s32 $0x0;
	s10 =	rddreg [dreg:$0x4]  }
0x3b: {  	[tilespmem:s5], [sflag:$0x13] =	stream.linear.gather [hbm4b:s10+s5], $0x2760, $0x38;
	[tilespmem:$0x1E740] =	vst v63  }
0x3c: {  	_ =	swait.ge [sflag:s15], $0x2760  }
0x3d: {  	[sflag:s15] =	ssyncset.done $0x0  }
0x3e: {  	s11 =	simm.s32 $0x2760;
	s14 =	rddreg [dreg:$0x5];
	[sflag:s15] =	ssyncadd.s32 $0xFFFFD8A0  }
0x3f: {  	[tilespmem:s11], [sflag:$0x13] =	stream.linear.gather [hbm4b:s14+s5], $0x2760, $0x38;
	[tilespmem:$0x1E740] =	vst v63  }
0x40: {  	_ =	swait.ge [sflag:s15], $0x2760  }
0x41: {  	[sflag:s15] =	ssyncset.done $0x0  }
0x42: {  	s10 =	simm.s32 $0x100;
	s5 =	simm.s32 $0x0;
	[sflag:s15] =	ssyncadd.s32 $0xFFFFD8A0  }
.LBB2_2:
0x43: {  	p0 =	sne.s32 s10, $0x6F00;
	[tilespmem:s5+$0xEB70] =	vst v0;
	s11 =	smov.u32 s10;
	s10 =	sadd.s32 $0x100, s10  }
.Ltmp2:
0x44: {  	[tilespmem:s5+$0xEB60] =	vst v0;
	(pc) =	sbr.rel @p0 .LBB2_2-.Ltmp2, $3  }
0x45: {  	[tilespmem:s5+$0xEB40] =	vst v0  }
0x46: {  	[tilespmem:s5+$0xEB50] =	vst v0;
	_ =	sdelay $0x1  }
0x47: {  	s5 =	sshra.s32 s11, $0x2  }
0x48: {  	[tilespmem:s5+$0xEB70] =	vst v0  }
0x49: {  	[tilespmem:s5+$0xEB60] =	vst v0  }
0x4a: {  	[tilespmem:s5+$0xEB40] =	vst v0  }
0x4b: {  	[tilespmem:s5+$0xEB50] =	vst v0;
	s13 =	rddreg [dreg:$0x3]  }
0x4c: {  	[spmem:s13] =	stream.linear.scatter [tilespmem:s17], [sflag:$0x13], $0x1C00, $0x38;
	[tilespmem:$0x1E740] =	vst v63  }
0x4d: {  	_ =	swait.ge [sflag:s15], $0x1C00  }
0x4e: {  	[sflag:s15] =	ssyncset.done $0x0  }
0x4f: {  	s14 =	rddreg [dreg:$0x9];
	[sflag:s15] =	ssyncadd.s32 $0xFFFFE400  }
0x50: {  	[spmem:s14] =	stream.linear.scatter [tilespmem:s17], [sflag:$0x13], $0x1C00, $0x38;
	[tilespmem:$0x1E740] =	vst v63  }
0x51: {  	_ =	swait.ge [sflag:s15], $0x1C00  }
0x52: {  	[sflag:s15] =	ssyncset.done $0x0  }
0x53: {  	s10 =	rddreg [dreg:$0xa];
	[sflag:s15] =	ssyncadd.s32 $0xFFFFE400  }
0x54: {  	[spmem:s10] =	stream.linear.scatter [tilespmem:s17], [sflag:$0x13], $0x1C00, $0x38;
	[tilespmem:$0x1E740] =	vst v63  }
0x55: {  	_ =	swait.ge [sflag:s15], $0x1C00  }
0x56: {  	[sflag:s15] =	ssyncset.done $0x0  }
0x57: {  	s11 =	rddreg [dreg:$0xb];
	[sflag:s15] =	ssyncadd.s32 $0xFFFFE400  }
0x58: {  	[spmem:s11] =	stream.linear.scatter [tilespmem:s17], [sflag:$0x13], $0x1C00, $0x38;
	[tilespmem:$0x1E740] =	vst v63  }
0x59: {  	_ =	swait.ge [sflag:s15], $0x1C00  }
0x5a: {  	[sflag:s15] =	ssyncset.done $0x0  }
0x5b: {  	s12 =	rddreg [dreg:$0xc];
	[sflag:s15] =	ssyncadd.s32 $0xFFFFE400  }
0x5c: {  	[spmem:s12] =	stream.linear.scatter [tilespmem:s17], [sflag:$0x13], $0x1C00, $0x38;
	[tilespmem:$0x1E740] =	vst v63  }
0x5d: {  	_ =	swait.ge [sflag:s15], $0x1C00  }
0x5e: {  	[sflag:s15] =	ssyncset.done $0x0  }
0x5f: {  	s13 =	rddreg [dreg:$0x6];
	[sflag:s15] =	ssyncadd.s32 $0xFFFFE400  }
0x60: {  	[spmem:s13] =	stream.linear.scatter [tilespmem:s17], [sflag:$0x13], $0x1080, $0x38;
	[tilespmem:$0x1E740] =	vst v63  }
0x61: {  	_ =	swait.ge [sflag:s15], $0x1080  }
0x62: {  	[sflag:s15] =	ssyncset.done $0x0  }
0x63: {  	[sflag:s15] =	ssyncadd.s32 $0xFFFFEF80  }
0x64: {  	s5 =	simm.s32 $0x0;
	[bflag:$0x0] =	sbarrier.arrive $0xFFFF  }
0x65: {  	[tilespmem:s17], [sflag:$0x1] =	stream.indirect.gather [hbm4b:s4+s18], $0x40, s5, s18, $0xb8;
	[tilespmem:$0x1E740] =	vst v63  }
0x66: {  	_ = 	snop  }
0x67: {  	[tilespmem:s19], [sflag:$0x2] =	stream.indirect.gather [hbm4b:s4+s18], $0x40, s18, s18, $0xb8;
	[tilespmem:$0x1E740] =	vst v63  }
0x68: {  	s10 =	simm.s32 $0xE0  }
0x69: {  	[tilespmem:s21], [sflag:$0x3] =	stream.indirect.gather [hbm4b:s4+s18], $0x40, s10, s18, $0xb8;
	[tilespmem:$0x1E740] =	vst v63  }
0x6a: {  	s14 =	simm.s32 $0x150  }
0x6b: {  	[tilespmem:s23], [sflag:$0x4] =	stream.indirect.gather [hbm4b:s4+s18], $0x40, s14, s18, $0xb8;
	[tilespmem:$0x1E740] =	vst v63  }
.LBB2_4:
0x6c: {  	_ =	swait.ge [sflag:s24], $0x1C00  }
0x6d: {  	s10 =	sshra.s32 s5, $0x2;
	[sflag:s24] =	ssyncset.done $0x0  }
0x6e: {  	p0 =	seq.s32 s5, $0x0;
	s11 =	sadd.s32 $0x2760, s10;
	[sflag:s24] =	ssyncadd.s32 $0xFFFFE400  }
0x6f: {  	[spmem:s2] =	stream.indirect.scatter.add.f32 [tilespmem:s17], [sflag:$0xA], $0x40, s11, s18, $0xb8;
	[tilespmem:$0x1E740] =	vst v63  }
0x70: {  	s11 =	simm.s32 @!p0 $0xE  }
0x71: {  	_ =	swait.ge @!p0 [sflag:s11], $0x1C00  }
0x72: {  	[sflag:s11] =	ssyncset.done @!p0 $0x0  }
0x73: {  	s13 =	sadd.s32 $0x1C0, s10;
	[sflag:s11] =	ssyncadd.s32 @!p0 $0xFFFFE400  }
0x74: {  	[tilespmem:s26], [sflag:$0x5] =	stream.indirect.gather [hbm4b:s4+s18], $0x40, s13, s18, $0xb8;
	[tilespmem:$0x1E740] =	vst v63  }
0x75: {  	_ =	swait.ge [sflag:s28], $0x1C00  }
0x76: {  	[sflag:s28] =	ssyncset.done $0x0  }
0x77: {  	s14 =	sadd.s32 $0x27D0, s10;
	s11 =	simm.s32 @!p0 $0xF;
	[sflag:s28] =	ssyncadd.s32 $0xFFFFE400  }
0x78: {  	[spmem:s2] =	stream.indirect.scatter.add.f32 [tilespmem:s19], [sflag:$0xB], $0x40, s14, s18, $0xb8;
	[tilespmem:$0x1E740] =	vst v63  }
0x79: {  	_ =	swait.ge @!p0 [sflag:s11], $0x1C00  }
0x7a: {  	[sflag:s11] =	ssyncset.done @!p0 $0x0  }
0x7b: {  	s12 =	sadd.s32 $0x230, s10;
	[sflag:s11] =	ssyncadd.s32 @!p0 $0xFFFFE400  }
0x7c: {  	[tilespmem:s29], [sflag:$0x6] =	stream.indirect.gather [hbm4b:s4+s18], $0x40, s12, s18, $0xb8;
	[tilespmem:$0x1E740] =	vst v63  }
0x7d: {  	_ =	swait.ge [sflag:s30], $0x1C00  }
0x7e: {  	[sflag:s30] =	ssyncset.done $0x0  }
0x7f: {  	s13 =	sadd.s32 $0x2840, s10;
	s11 =	simm.s32 @!p0 $0x10;
	[sflag:s30] =	ssyncadd.s32 $0xFFFFE400  }
0x80: {  	[spmem:s2] =	stream.indirect.scatter.add.f32 [tilespmem:s21], [sflag:$0xC], $0x40, s13, s18, $0xb8;
	[tilespmem:$0x1E740] =	vst v63  }
0x81: {  	_ =	swait.ge @!p0 [sflag:s11], $0x1C00  }
0x82: {  	[sflag:s11] =	ssyncset.done @!p0 $0x0  }
0x83: {  	s14 =	sadd.s32 $0x2A0, s10;
	[sflag:s11] =	ssyncadd.s32 @!p0 $0xFFFFE400  }
0x84: {  	[tilespmem:s31], [sflag:$0x7] =	stream.indirect.gather [hbm4b:s4+s18], $0x40, s14, s18, $0xb8;
	[tilespmem:$0x1E740] =	vst v63  }
0x85: {  	_ =	swait.ge [sflag:s1], $0x1C00  }
0x86: {  	[sflag:s1] =	ssyncset.done $0x0  }
0x87: {  	s12 =	sadd.s32 $0x28B0, s10;
	s11 =	simm.s32 @!p0 $0x11;
	[sflag:s1] =	ssyncadd.s32 $0xFFFFE400  }
0x88: {  	[spmem:s2] =	stream.indirect.scatter.add.f32 [tilespmem:s23], [sflag:$0xD], $0x40, s12, s18, $0xb8;
	[tilespmem:$0x1E740] =	vst v63  }
0x89: {  	_ =	swait.ge @!p0 [sflag:s11], $0x1C00  }
0x8a: {  	[sflag:s11] =	ssyncset.done @!p0 $0x0  }
0x8b: {  	s13 =	sadd.s32 $0x310, s10;
	[sflag:s11] =	ssyncadd.s32 @!p0 $0xFFFFE400  }
0x8c: {  	[tilespmem:s0], [sflag:$0x8] =	stream.indirect.gather [hbm4b:s4+s18], $0x40, s13, s18, $0xb8;
	[tilespmem:$0x1E740] =	vst v63  }
0x8d: {  	_ =	swait.ge [sflag:s16], $0x1C00  }
0x8e: {  	[sflag:s16] =	ssyncset.done $0x0  }
0x8f: {  	s14 =	sadd.s32 $0x2920, s10;
	s11 =	simm.s32 @!p0 $0x12;
	[sflag:s16] =	ssyncadd.s32 $0xFFFFE400  }
0x90: {  	[spmem:s2] =	stream.indirect.scatter.add.f32 [tilespmem:s26], [sflag:$0xE], $0x40, s14, s18, $0xb8;
	[tilespmem:$0x1E740] =	vst v63  }
0x91: {  	_ =	swait.ge @!p0 [sflag:s11], $0x1C00  }
0x92: {  	[sflag:s11] =	ssyncset.done @!p0 $0x0  }
0x93: {  	s12 =	sadd.s32 $0x380, s10;
	[sflag:s11] =	ssyncadd.s32 @!p0 $0xFFFFE400  }
0x94: {  	[tilespmem:s20], [sflag:$0x9] =	stream.indirect.gather [hbm4b:s4+s18], $0x40, s12, s18, $0xb8;
	[tilespmem:$0x1E740] =	vst v63  }
0x95: {  	_ =	swait.ge [sflag:s22], $0x1C00  }
0x96: {  	[sflag:s22] =	ssyncset.done $0x0  }
0x97: {  	s13 =	sadd.s32 $0x2990, s10;
	[sflag:s22] =	ssyncadd.s32 $0xFFFFE400  }
0x98: {  	[spmem:s2] =	stream.indirect.scatter.add.f32 [tilespmem:s29], [sflag:$0xF], $0x40, s13, s18, $0xb8;
	[tilespmem:$0x1E740] =	vst v63  }
0x99: {  	_ =	swait.ge [sflag:s3], $0x1C00  }
0x9a: {  	p0 =	seq.s32 s5, $0x8DC0;
	[sflag:s3] =	ssyncset.done $0x0  }
0x9b: {  	s11 =	simm.s32 @p0 $0x7;
	[sflag:s3] =	ssyncadd.s32 $0xFFFFE400  }
0x9c: {  	_ =	swait.ge @p0 [sflag:s11], $0x1C00  }
0x9d: {  	[sflag:s11] =	ssyncset.done @p0 $0x0  }
0x9e: {  	[sflag:s11] =	ssyncadd.s32 @p0 $0xFFFFE400;
	s11 =	sshra.s32 @p0 s5, $0x2  }
0x9f: {  	s12 =	simm.s32 @p0 $0x70;
	s13 =	simm.s32 @p0 $0x19340;
	s11 =	sadd.s32 @p0 $0x2A00, s11  }
0xa0: {  	[spmem:s2] =	stream.indirect.scatter.add.f32 @p0 [tilespmem:s13], [sflag:$0x10], $0x40, s11, s12, $0xb8;
	[tilespmem:$0x1E740] =	vst v63  }
0xa1: {  	s11 =	simm.s32 @p0 $0xB  }
0xa2: {  	_ =	swait.ge @p0 [sflag:s11], $0x1C00  }
0xa3: {  	[sflag:s11] =	ssyncset.done @p0 $0x0  }
0xa4: {  	[sflag:s11] =	ssyncadd.s32 @p0 $0xFFFFE400;
	s11 =	sshra.s32 @!p0 s5, $0x2  }
0xa5: {  	s14 =	simm.s32 @!p0 $0xEB40;
	s13 =	simm.s32 @!p0 $0x70;
	s12 =	sadd.s32 @!p0 $0x3F0, s11  }
0xa6: {  	[tilespmem:s14], [sflag:$0x1] =	stream.indirect.gather @!p0 [hbm4b:s4+s13], $0x40, s12, s13, $0xb8;
	[tilespmem:$0x1E740] =	vst v63  }
0xa7: {  	s12 =	simm.s32 @!p0 $0x7  }
0xa8: {  	_ =	swait.ge @!p0 [sflag:s12], $0x1C00  }
0xa9: {  	[sflag:s12] =	ssyncset.done @!p0 $0x0  }
0xaa: {  	s14 =	simm.s32 @!p0 $0x19340;
	[sflag:s12] =	ssyncadd.s32 @!p0 $0xFFFFE400;
	s12 =	sadd.s32 @!p0 $0x2A00, s11  }
0xab: {  	[spmem:s2] =	stream.indirect.scatter.add.f32 @!p0 [tilespmem:s14], [sflag:$0x10], $0x40, s12, s13, $0xb8;
	[tilespmem:$0x1E740] =	vst v63  }
0xac: {  	s12 =	simm.s32 @!p0 $0xB  }
0xad: {  	_ =	swait.ge @!p0 [sflag:s12], $0x1C00  }
0xae: {  	[sflag:s12] =	ssyncset.done @!p0 $0x0  }
0xaf: {  	s11 =	sadd.s32 @!p0 $0x460, s11;
	[sflag:s12] =	ssyncadd.s32 @!p0 $0xFFFFE400;
	s12 =	simm.s32 @!p0 $0x10740  }
0xb0: {  	[tilespmem:s12], [sflag:$0x2] =	stream.indirect.gather @!p0 [hbm4b:s4+s13], $0x40, s11, s13, $0xb8;
	[tilespmem:$0x1E740] =	vst v63  }
0xb1: {  	_ =	swait.ge [sflag:s6], $0x1C00  }
0xb2: {  	[sflag:s6] =	ssyncset.done $0x0  }
.Ltmp3:
0xb3: {  	s14 =	sadd.s32 $0x2A70, s10;
	[sflag:s6] =	ssyncadd.s32 $0xFFFFE400;
	(pc) =	sbr.rel @p0 .LBB2_6-.Ltmp3, $4  }
0xb4: {  	[spmem:s2] =	stream.indirect.scatter.add.f32 [tilespmem:s0], [sflag:$0x11], $0x40, s14, s18, $0xb8;
	[tilespmem:$0x1E740] =	vst v63  }
0xb5: {  	_ =	swait.ge [sflag:s7], $0x1C00  }
0xb6: {  	[sflag:s7] =	ssyncset.done $0x0  }
0xb7: {  	s11 =	sadd.s32 $0x2AE0, s10;
	[sflag:s7] =	ssyncadd.s32 $0xFFFFE400  }
0xb8: {  	s12 =	sadd.s32 $0x4D0, s10  }
0xb9: {  	[tilespmem:s21], [sflag:$0x3] =	stream.indirect.gather [hbm4b:s4+s18], $0x40, s12, s18, $0xb8;
	[tilespmem:$0x1E740] =	vst v63  }
0xba: {  	_ =	swait.ge [sflag:s8], $0x1C00  }
0xbb: {  	[sflag:s8] =	ssyncset.done $0x0  }
0xbc: {  	[sflag:s8] =	ssyncadd.s32 $0xFFFFE400  }
0xbd: {  	[spmem:s2] =	stream.indirect.scatter.add.f32 [tilespmem:s20], [sflag:$0x12], $0x40, s11, s18, $0xb8;
	[tilespmem:$0x1E740] =	vst v63  }
.Ltmp4:
0xbe: {  	_ = 	snop;
	(pc) =	sbr.rel .LBB2_4-.Ltmp4, $4  }
0xbf: {  	_ =	swait.ge [sflag:s9], $0x1C00  }
0xc0: {  	[sflag:s9] =	ssyncset.done $0x0  }
0xc1: {  	s14 =	sadd.s32 $0x540, s10;
	s5 =	sadd.s32 $0xFC0, s5;
	[sflag:s9] =	ssyncadd.s32 $0xFFFFE400  }
0xc2: {  	[tilespmem:s23], [sflag:$0x4] =	stream.indirect.gather [hbm4b:s4+s18], $0x40, s14, s18, $0xb8;
	[tilespmem:$0x1E740] =	vst v63  }
.LBB2_7:
0xc3: {  	_ =	sfence.sel $0x180000  }
0xc4: {  	[bflag:$0x0] =	sbarrier.arrive $0xFFFF  }
0xc5: {  	_ =	strace $0x9000004D  }
0xc6: {  	s0 =	stileid.u32;
	[bflag:$0x2] =	sbarrier.arrive $0xFFFF  }
0xc7: {  	p0 =	sne.s32 s0, $0x0;
	s0 =	rddreg [dreg:$0x2]  }
0xc8: {  	s0 =	sadd.s32 @!p0 $0x100000, s0  }
0xc9: {  	[sflag:s0] =	ssyncadd.tile.s32 @!p0 $0x1;
	_ =	shalt  }
.Lfunc_end2:
_tile_overlayer_lowered:
.L_overlay_start_2:
0xca: {  	(tag) =	ssettag $0x2  }
0xcb: {  	s0 =	rddreg [dreg:$0x0];
	s2 =	stileid.u32  }
0xcc: {  	s1 =	rddreg [dreg:$0x1];
	p0 =	sne.s32 s2, $0x0  }
0xcd: {  	s3 =	rddreg [dreg:$0x2];
	[bflag:$0x3] =	sbarrier.arrive $0xFFFF;
	s2 =	simm.s32 @!p0 $0x1C13  }
0xce: {  	[timem:s3], [sflag:s2] =	dma.local @!p0 [hbm:s0], s1  }
0xcf: {  	s0 =	simm.s32 @!p0 $0x13  }
0xd0: {  	_ =	swait.ge @!p0 [sflag:s0], s1  }
0xd1: {  	s1 =	ssub.s32 @!p0 $0x0, s1;
	[sflag:s0] =	ssyncset.done @!p0 $0x0  }
0xd2: {  	[sflag:s0] =	ssyncadd.s32 @!p0 s1  }
0xd3: {  	[bflag:$0x3] =	sbarrier.arrive $0xFFFF  }
0xd4: {  	_ =	shalt  }

// kernel: kernel.8.cloned.1.call-start
scs
__scs_entry_jumppad:
0x0: {  	(pc) =	sbr.rel $0x88, $3  }
0x1: {  	(tag) =	ssettag $0x0;
	lr =	simm.s32 $0x1  }
0x2: {  	[smem:$0x3F8B] =	sst lr;
	_ =	strace $0xD0000000  }
0x3: {  	_ = 	snop  }
0x4: {  	_ = 	snop  }
0x5: {  	_ = 	snop  }
0x6: {  	_ = 	snop  }
0x7: {  	_ = 	snop  }
__scs_overlays_trampoline_lowered:
0x8: {  	[smem:$0x3F9A] =	sst s0  }
0x9: {  	[smem:$0x3F9B] =	sst s1  }
0xa: {  	[smem:$0x3F9C] =	sst s2  }
0xb: {  	[smem:$0x3F9D] =	sst s3  }
0xc: {  	[smem:$0x3F9E] =	sst s4  }
0xd: {  	[smem:$0x3F9F] =	sst s5  }
0xe: {  	[smem:$0x3FA0] =	sst s6  }
0xf: {  	[smem:$0x3FA1] =	sst s7  }
0x10: {  	[smem:$0x3FA2] =	sst s8  }
0x11: {  	[smem:$0x3FA3] =	sst s9;
	s0 =	simm.s32 @!p0 $0x0  }
0x12: {  	s1 =	sld [smem:$0x3F89];
	s0 =	simm.s32 @p0 $0x1  }
0x13: {  	[smem:$0x3FA4] =	sst s0;
	s0 =	simm.s32 @!p1 $0x0  }
0x14: {  	s2 =	sld [smem:$0x3F88];
	s0 =	simm.s32 @p1 $0x1  }
0x15: {  	[smem:$0x3FA5] =	sst s0;
	s0 =	simm.s32 @!p2 $0x0  }
0x16: {  	s3 =	sld [smem:$0x3FDB];
	s0 =	simm.s32 @p2 $0x1  }
0x17: {  	s4 =	simm.s32 $0x1BF5;
	[smem:$0x3FA7] =	sst s0  }
0x18: {  	s0 =	sld [smem:$0x3F8A];
	_ =	swait.ge [sflag:s4], $0x0  }
0x19: {  	s7 =	sld [smem:$0x3F8B]  }
0x1a: {  	s8 =	sadd.s32 $0xFFFFE003, lr  }
0x1b: {  	s9 =	sadd.s32 $0xFFFFFEF7, lr;
	s5 =	simm.s32 $0xFFFFFFFF;
	p2 =	slt.u32 s8, $0xFFFFF086  }
0x1c: {  	p1 =	slt.u32 s9, $0xF7A;
	s5 =	simm.s32 @!p2 $0x0  }
0x1d: {  	s5 =	simm.s32 @p1 $0x1;
	p0 =	seq.s32 s7, s2  }
0x1e: {  	s7 =	smul.u32 @!p0 $0xF7A, s2;
	p2 =	seq.s32 @!p0 s5, $0x0  }
0x1f: {  	s9 =	smul.u32 $0xF7A, s1;
	s8 =	simm.s32 @!p0 $0x1BF5;
	p2 =	por !p2, p0  }
0x20: {  	[sflag:s8] =	ssyncset.s32 @!p0 $0xFFFFF086;
	s6 =	sadd.s32 @!p0 s3, s7;
	s7 =	simm.s32 @!p0 $0x108  }
0x21: {  	s3 =	sadd.s32 s3, s9;
	s6 =	sadd.s32 @!p0 $0x88, s6;
	s7 =	simm.s32 @p2 $0x1082  }
0x22: {  	[simem:s7], [sflag:s8] =	dma.local @!p0 [hbm:s6], $0xF7A  }
0x23: {  	s9 =	sor.u32 $0xD0000000, s2;
	s6 =	simm.s32 $0x108;
	_ =	swait.ge @!p0 [sflag:s8], $0x0  }
0x24: {  	s3 =	sadd.s32 $0x88, s3;
	s6 =	simm.s32 @!p1 $0x1082;
	[sflag:s4] =	ssyncset.s32 $0xFFFFF086  }
0x25: {  	[simem:s6], [sflag:s4] =	dma.local [hbm:s3], $0xF7A  }
0x26: {  	[smem:$0x3F8B] =	sst s1;
	(tag) =	ssettag s2;
	_ =	strace s9  }
0x27: {  	s1 =	sld [smem:$0x3F9B]  }
0x28: {  	s2 =	sld [smem:$0x3F9C]  }
0x29: {  	s4 =	sld [smem:$0x3F9E]  }
0x2a: {  	p0 =	seq.s32 s5, $0x0;
	s5 =	sld [smem:$0x3F9F]  }
0x2b: {  	s6 =	sld [smem:$0x3FA0]  }
0x2c: {  	s7 =	sld [smem:$0x3FA1]  }
0x2d: {  	s3 =	simm.s32 $0x108;
	s8 =	sld [smem:$0x3FA2]  }
0x2e: {  	s3 =	simm.s32 @!p0 $0x1082;
	s9 =	sld [smem:$0x3FA3]  }
0x2f: {  	lr =	sadd.s32 s0, s3;
	s0 =	sld [smem:$0x3F9A]  }
0x30: {  	s3 =	sld [smem:$0x3F9D]  }
0x31: {  	[smem:$0x3FA6] =	sst s10  }
0x32: {  	s10 =	sld [smem:$0x3FA4];
	_ =	sdelay $0x3  }
0x33: {  	p0 =	seq.s32 s10, $0x1;
	s10 =	sld [smem:$0x3FA6];
	_ =	sdelay $0x3  }
0x34: {  	[smem:$0x3FA6] =	sst s10  }
0x35: {  	s10 =	sld [smem:$0x3FA5];
	_ =	sdelay $0x3  }
0x36: {  	p1 =	seq.s32 s10, $0x1;
	s10 =	sld [smem:$0x3FA6];
	_ =	sdelay $0x3  }
0x37: {  	[smem:$0x3FA6] =	sst s10  }
0x38: {  	s10 =	sld [smem:$0x3FA7]  }
0x39: {  	_ = 	snop;
	(pc) =	sbr.ind lr, $3  }
0x3a: {  	_ = 	snop  }
0x3b: {  	_ = 	snop  }
0x3c: {  	p2 =	seq.s32 s10, $0x1;
	s10 =	sld [smem:$0x3FA6]  }
0x3d: {  	_ =	shalt  }
0x3e: {  	_ =	shalt  }
0x3f: {  	_ =	shalt  }
0x40: {  	_ =	shalt  }
0x41: {  	_ =	shalt  }
0x42: {  	_ =	shalt  }
0x43: {  	_ =	shalt  }
0x44: {  	_ =	shalt  }
0x45: {  	_ =	shalt  }
0x46: {  	_ =	shalt  }
0x47: {  	_ =	shalt  }
0x48: {  	_ =	shalt  }
0x49: {  	_ =	shalt  }
0x4a: {  	_ =	shalt  }
0x4b: {  	_ =	shalt  }
0x4c: {  	_ =	shalt  }
0x4d: {  	_ =	shalt  }
0x4e: {  	_ =	shalt  }
0x4f: {  	_ =	shalt  }
0x50: {  	_ =	shalt  }
0x51: {  	_ =	shalt  }
0x52: {  	_ =	shalt  }
0x53: {  	_ =	shalt  }
0x54: {  	_ =	shalt  }
0x55: {  	_ =	shalt  }
0x56: {  	_ =	shalt  }
0x57: {  	_ =	shalt  }
0x58: {  	_ =	shalt  }
0x59: {  	_ =	shalt  }
0x5a: {  	_ =	shalt  }
0x5b: {  	_ =	shalt  }
0x5c: {  	_ =	shalt  }
0x5d: {  	_ =	shalt  }
0x5e: {  	_ =	shalt  }
0x5f: {  	_ =	shalt  }
0x60: {  	_ =	shalt  }
0x61: {  	_ =	shalt  }
0x62: {  	_ =	shalt  }
0x63: {  	_ =	shalt  }
0x64: {  	_ =	shalt  }
0x65: {  	_ =	shalt  }
0x66: {  	_ =	shalt  }
0x67: {  	_ =	shalt  }
0x68: {  	_ =	shalt  }
0x69: {  	_ =	shalt  }
0x6a: {  	_ =	shalt  }
0x6b: {  	_ =	shalt  }
0x6c: {  	_ =	shalt  }
0x6d: {  	_ =	shalt  }
0x6e: {  	_ =	shalt  }
0x6f: {  	_ =	shalt  }
0x70: {  	_ =	shalt  }
0x71: {  	_ =	shalt  }
0x72: {  	_ =	shalt  }
0x73: {  	_ =	shalt  }
0x74: {  	_ =	shalt  }
0x75: {  	_ =	shalt  }
0x76: {  	_ =	shalt  }
0x77: {  	_ =	shalt  }
0x78: {  	_ =	shalt  }
0x79: {  	_ =	shalt  }
0x7a: {  	_ =	shalt  }
0x7b: {  	_ =	shalt  }
0x7c: {  	_ =	shalt  }
0x7d: {  	_ =	shalt  }
0x7e: {  	_ =	shalt  }
0x7f: {  	_ =	shalt  }
0x80: {  	_ =	shalt  }
0x81: {  	_ =	shalt  }
0x82: {  	_ =	shalt  }
0x83: {  	_ =	shalt  }
0x84: {  	_ =	shalt  }
0x85: {  	_ =	shalt  }
0x86: {  	_ =	shalt  }
0x87: {  	_ =	shalt  }
.Lfunc_end0:
.L_simem_size_0:
called_computation_lowered:
.L_overlay_start_0:
0x88: {  	s2 =	sld [smem:$0x3FD9]  }
0x89: {  	s3 =	sld [smem:$0x3FFE];
	_ =	sdelay $0x1  }
0x8a: {  	s1 =	srdreg.scid  }
0x8b: {  	s0 =	sand.u32 $0x1, s1  }
0x8c: {  	s17 =	sshll.u32 s0, $0xA;
	s2 =	sadd.s32 s3, s2  }
0x8d: {  	s2 =	sadd.s32 s2, s17  }
0x8e: {  	[smem:$0x3FB2] =	sst s2  }
0x8f: {  	_ = 	snop  }
0x90: {  	s2 =	sld [smem:$0x3FC9];
	(tm) =	ssettm $0x1  }
0x91: {  	s18 =	sld [smem:$0x3FFB];
	_ =	sdelay $0x3  }
0x92: {  	_ =	strace s18  }
0x93: {  	s3 =	sld [smem:$0x3FFC];
	_ =	sdelay $0x3  }
0x94: {  	_ =	strace s3  }
0x95: {  	s3 =	sld [smem:$0x3FFD];
	_ =	sdelay $0x3  }
0x96: {  	_ =	strace s3  }
0x97: {  	_ =	strace $0x8FFFFFFF  }
0x98: {  	s19 =	sld [smem:$0x3FDB];
	_ =	sdelay $0x1  }
0x99: {  	s4 =	simm.s32 $_scs_section_size  }
0x9a: {  	s5 =	simm.s32 $_size__tile_overlayer_lowered;
	s6 =	simm.s32 $_tile_overlayer_lowered  }
0x9b: {  	s22 =	simm.s32 $0x1BFF;
	s21 =	sshll.u32 s6, $0x1;
	s3 =	sadd.s32 s4, s19  }
0x9c: {  	s7 =	simm.s32 $0x0;
	s20 =	sshll.u32 s5, $0x1;
	s5 =	sadd.s32 s21, s3  }
0x9d: {  	[timem:s7], [sflag:s22] =	dma.local [hbm:s5], s20  }
0x9e: {  	_ =	swait.ge [sflag:s22], s20  }
0x9f: {  	s4 =	ssub.s32 $0x0, s20;
	[sflag:s22] =	ssyncset.done $0x0  }
0xa0: {  	[sflag:s22] =	ssyncadd.s32 s4;
	_ =	sdelay $0x1  }
0xa1: {  	s23 =	simm.s32 $0x1B8B  }
0xa2: {  	_ =	swait.ge [sflag:s23], $0x1  }
0xa3: {  	[sflag:s23] =	ssyncset.done $0x0  }
0xa4: {  	s25 =	simm.s32 $0x1B8E;
	s24 =	sld [smem:$0x3FFE];
	[sflag:s23] =	ssyncadd.s32 $0xFFFFFFFF  }
0xa5: {  	s26 =	simm.s32 $execute0_lowered;
	[smem:$0x3FD2] =	sst s25  }
0xa6: {  	s5 =	sshll.u32 s26, $0x1;
	_ =	strace $0x80000046;
	[dreg:$0x1] =	wrdreg $0xFFFFFFFF  }
0xa7: {  	s28 =	simm.s32 $_size_execute0_lowered;
	s3 =	sadd.s32 s3, s5;
	[dreg:$0x0] =	wrdreg $0x0  }
0xa8: {  	s5 =	sshll.u32 s28, $0x1;
	[dreg:$0x2] =	wrdreg s3  }
0xa9: {  	[dreg:$0x3] =	wrdreg s5  }
0xaa: {  	[dreg:$0x4] =	wrdreg $0xC0  }
0xab: {  	_ =	task [dreg:s7], $0x5FFFF  }
0xac: {  	[dreg:$0x1] =	wrdreg $0xFFFFFFFF  }
0xad: {  	[dreg:$0x0] =	wrdreg $0x60  }
0xae: {  	[dreg:$0x2] =	wrdreg s2  }
0xaf: {  	[dreg:$0x3] =	wrdreg s24  }
0xb0: {  	[dreg:$0x4] =	wrdreg $0x4EC00  }
0xb1: {  	[dreg:$0x5] =	wrdreg $0x9  }
0xb2: {  	_ =	task.clear_ibuf [dreg:s7], $0x6FFFF;
	_ =	strace $0x90000046  }
0xb3: {  	s29 =	simm.s32 $0x9;
	_ =	strace $0x80000048  }
0xb4: {  	_ =	swait.ge [sflag:s29], $0x1  }
0xb5: {  	[sflag:s29] =	ssyncadd.s32 $0xFFFFFFFF  }
0xb6: {  	_ =	strace $0x90000048  }
0xb7: {  	_ =	sfence  }
0xb8: {  	s30 =	sld [smem:$0x0];
	_ =	sdelay $0x2  }
0xb9: {  	s31 =	sshll.u32 s1, $0xD;
	s1 =	sshrl.u32 s1, $0x2  }
0xba: {  	s3 =	sand.u32 $0x4000, s31;
	s1 =	sadd.s32 s1, s30  }
0xbb: {  	s0 =	sor.u32 s3, s0;
	s1 =	sshll.u32 s1, $0x11  }
0xbc: {  	s0 =	sor.u32 s1, s0  }
0xbd: {  	s0 =	sadd.s32 $0x8F2B, s0  }
0xbe: {  	[sflag:s0] =	ssyncadd.remote.s32 $0x1  }
0xbf: {  	_ =	sfence.sel $0xFFFF  }
0xc0: {  	[dreg:$0x0] =	wrdreg $0xFFFFFFFF;
	(pc) =	sbr.abs _section_cstart, $3  }
0xc1: {  	[dreg:$0x1] =	wrdreg $0xFFFFFFFF  }
0xc2: {  	_ =	task.clear_ibuf [dreg:s7], $0x2FFFF;
	_ =	strace $0x9FFFFFFF  }
0xc3: {  	(tm) =	ssettm $0x7FFFFFFF  }
tec
execute0_lowered:
.L_overlay_start_1:
0x0: {  	(tag) =	ssettag $0x1  }
0x1: {  	s1 =	rddreg [dreg:$0x0]  }
0x2: {  	s5 =	rddreg [dreg:$0x1]  }
0x3: {  	s3 =	rddreg [dreg:$0x2];
	s4 =	srdreg.scid  }
0x4: {  	s0 =	rddreg [dreg:$0x3];
	s2 =	stileid.u32;
	s15 =	simm.s32 $0x5  }
0x5: {  	s16 =	simm.s32 $0x2760;
	s17 =	simm.s32 $0x187C0;
	s18 =	simm.s32 $0x70  }
0x6: {  	s19 =	simm.s32 $0x1;
	s20 =	simm.s32 $0x1BFC0;
	s21 =	simm.s32 $0x2  }
0x7: {  	s22 =	simm.s32 $0x27D0;
	s23 =	simm.s32 $0x3;
	s24 =	simm.s32 $0xE0  }
0x8: {  	s26 =	simm.s32 $0x4;
	s28 =	simm.s32 $0x0;
	s10 =	smul.u32 $0x13900, s2  }
0x9: {  	s6 =	sand.u32 $0x1, s4;
	s4 =	simm.s32 $0x0;
	s9 =	smul.u32 $0x4E400, s2  }
0xa: {  	s7 =	sshll.u32 s2, $0x1;
	s8 =	smul.u32 $0x139000, s6;
	[smem:$0x7FF] =	sst s4  }
0xb: {  	s7 =	sor.u32 s6, s7;
	s6 =	ssub.s32 $0x2, s6;
	_ =	strace $0x80000047  }
0xc: {  	s7 =	smul.u32 $0x4EC, s7;
	s11 =	sshrl.u32 s6, $0x1;
	s31 =	sshrl.u32 s9, $0x2  }
0xd: {  	s25 =	sadd.s32 s10, s3;
	s8 =	sadd.s32 s10, s8;
	s11 =	ssub.s32 s6, s11  }
.Ltmp0:
0xe: {  	s25 =	sshrl.u32 s25, $0x3;
	s8 =	sshrl.u32 s8, $0x3;
	(pc) =	sbr.rel .LBB2_1-.Ltmp0, $4  }
0xf: {  	s7 =	sadd.s32 s7, s5;
	s10 =	smax.u32 s11, $0x1;
	s12 =	sadd.s32 s8, s5  }
0x10: {  	s5 =	sadd.s32 $0x2C00, s7;
	s6 =	sadd.s32 $0xCA00, s7;
	s7 =	sadd.s32 s31, s3  }
0x11: {  	s8 =	sadd.s32 $0x11800, s7;
	s9 =	sadd.s32 $0x16800, s12;
	s11 =	sadd.s32 $0x3800, s7  }
0x12: {  	v0 =	vimm.f32 $0.0e+00;
	s12 =	sadd.s32 $0x7000, s7;
	s13 =	sadd.s32 $0xA800, s7;
	s14 =	sadd.s32 $0xE000, s7  }
.LBB2_6:
0x13: {  	_ =	swait.ge [sflag:s26], $0x3800  }
0x14: {  	s28 =	sadd.s32 $0x1, s28;
	[sflag:s26] =	ssyncset.done $0x0  }
0x15: {  	s29 =	sshll.u32 s2, $0x6;
	p0 =	sne.s32 s28, s10;
	[sflag:s26] =	ssyncadd.s32 $0xFFFFC800  }
.Ltmp1:
0x16: {  	s29 =	sor.u32 $0x1C05, s29;
	[bflag:$0x0] =	sbarrier.arrive $0xFFFF;
	(pc) =	sbr.rel @!p0 .LBB2_7-.Ltmp1, $4  }
0x17: {  	[hbm:s9], [sflag:s29] =	dma.local [spmem:s25], $0x2720  }
0x18: {  	_ =	swait.ge [sflag:s15], $0x2720  }
0x19: {  	[sflag:s15] =	ssyncset.done $0x0  }
0x1a: {  	[sflag:s15] =	ssyncadd.s32 $0xFFFFD8E0  }
.LBB2_1:
0x1b: {  	[tilespmem:s4], [sflag:$0x5] =	stream.linear.gather [hbm4b:s5+s4], $0x2760, $0x38;
	[tilespmem:$0x1F7C0] =	vst v63  }
0x1c: {  	_ =	swait.ge [sflag:s15], $0x2760  }
0x1d: {  	[sflag:s15] =	ssyncset.done $0x0  }
0x1e: {  	[sflag:s15] =	ssyncadd.s32 $0xFFFFD8A0  }
0x1f: {  	[tilespmem:s16], [sflag:$0x5] =	stream.linear.gather [hbm4b:s6+s4], $0x2760, $0x38;
	[tilespmem:$0x1F7C0] =	vst v63  }
0x20: {  	_ =	swait.ge [sflag:s15], $0x2760  }
0x21: {  	[sflag:s15] =	ssyncset.done $0x0  }
0x22: {  	s29 =	simm.s32 $0x70;
	s30 =	simm.s32 $0x3C0;
	[sflag:s15] =	ssyncadd.s32 $0xFFFFD8A0  }
.LBB2_2:
0x23: {  	p0 =	sne.s32 s30, $0xDFC0;
	[tilespmem:s29+$0x187C0] =	vst v0  }
0x24: {  	[tilespmem:s29+$0x18750] =	vst v0  }
0x25: {  	[tilespmem:s29+$0x18760] =	vst v0  }
.Ltmp2:
0x26: {  	[tilespmem:s29+$0x18770] =	vst v0;
	(pc) =	sbr.rel @p0 .LBB2_2-.Ltmp2, $4  }
0x27: {  	[tilespmem:s29+$0x18780] =	vst v0  }
0x28: {  	[tilespmem:s29+$0x18790] =	vst v0  }
0x29: {  	[tilespmem:s29+$0x187A0] =	vst v0  }
0x2a: {  	[tilespmem:s29+$0x187B0] =	vst v0;
	s29 =	sshra.s32 s30, $0x2;
	s30 =	sadd.s32 $0x200, s30  }
0x2b: {  	[tilespmem:s29+$0x187C0] =	vst v0  }
0x2c: {  	[tilespmem:s29+$0x18750] =	vst v0  }
0x2d: {  	[tilespmem:s29+$0x18760] =	vst v0  }
0x2e: {  	[tilespmem:s29+$0x18770] =	vst v0  }
0x2f: {  	[tilespmem:s29+$0x18780] =	vst v0  }
0x30: {  	[tilespmem:s29+$0x18790] =	vst v0  }
0x31: {  	[tilespmem:s29+$0x187A0] =	vst v0  }
0x32: {  	[tilespmem:s29+$0x187B0] =	vst v0  }
0x33: {  	[spmem:s7] =	stream.linear.scatter [tilespmem:s17], [sflag:$0x5], $0x3800, $0x38;
	[tilespmem:$0x1F7C0] =	vst v63  }
0x34: {  	_ =	swait.ge [sflag:s15], $0x3800  }
0x35: {  	[sflag:s15] =	ssyncset.done $0x0  }
0x36: {  	[sflag:s15] =	ssyncadd.s32 $0xFFFFC800  }
0x37: {  	[spmem:s11] =	stream.linear.scatter [tilespmem:s17], [sflag:$0x5], $0x3800, $0x38;
	[tilespmem:$0x1F7C0] =	vst v63  }
0x38: {  	_ =	swait.ge [sflag:s15], $0x3800  }
0x39: {  	[sflag:s15] =	ssyncset.done $0x0  }
0x3a: {  	[sflag:s15] =	ssyncadd.s32 $0xFFFFC800  }
0x3b: {  	[spmem:s12] =	stream.linear.scatter [tilespmem:s17], [sflag:$0x5], $0x3800, $0x38;
	[tilespmem:$0x1F7C0] =	vst v63  }
0x3c: {  	_ =	swait.ge [sflag:s15], $0x3800  }
0x3d: {  	[sflag:s15] =	ssyncset.done $0x0  }
0x3e: {  	[sflag:s15] =	ssyncadd.s32 $0xFFFFC800  }
0x3f: {  	[spmem:s13] =	stream.linear.scatter [tilespmem:s17], [sflag:$0x5], $0x3800, $0x38;
	[tilespmem:$0x1F7C0] =	vst v63  }
0x40: {  	_ =	swait.ge [sflag:s15], $0x3800  }
0x41: {  	[sflag:s15] =	ssyncset.done $0x0  }
0x42: {  	[sflag:s15] =	ssyncadd.s32 $0xFFFFC800  }
0x43: {  	[spmem:s14] =	stream.linear.scatter [tilespmem:s17], [sflag:$0x5], $0x3800, $0x38;
	[tilespmem:$0x1F7C0] =	vst v63  }
0x44: {  	_ =	swait.ge [sflag:s15], $0x3800  }
0x45: {  	[sflag:s15] =	ssyncset.done $0x0  }
0x46: {  	[sflag:s15] =	ssyncadd.s32 $0xFFFFC800  }
0x47: {  	[spmem:s8] =	stream.linear.scatter [tilespmem:s17], [sflag:$0x5], $0x2100, $0x38;
	[tilespmem:$0x1F7C0] =	vst v63  }
0x48: {  	_ =	swait.ge [sflag:s15], $0x2100  }
0x49: {  	[sflag:s15] =	ssyncset.done $0x0  }
0x4a: {  	[sflag:s15] =	ssyncadd.s32 $0xFFFFDF00  }
0x4b: {  	[bflag:$0x0] =	sbarrier.arrive $0xFFFF  }
0x4c: {  	[tilespmem:s17], [sflag:$0x1] =	stream.indirect.gather [hbm4b:s1+s18], $0x80, s4, s18, $0xb8;
	[tilespmem:$0x1F7C0] =	vst v63  }
0x4d: {  	_ =	swait.ge [sflag:s19], $0x3800  }
0x4e: {  	[sflag:s19] =	ssyncset.done $0x0  }
0x4f: {  	[sflag:s19] =	ssyncadd.s32 $0xFFFFC800  }
0x50: {  	[spmem:s3] =	stream.indirect.scatter.add.f32 [tilespmem:s17], [sflag:$0x3], $0x80, s16, s18, $0xb8;
	[tilespmem:$0x1F7C0] =	vst v63  }
0x51: {  	_ = 	snop  }
0x52: {  	[tilespmem:s20], [sflag:$0x2] =	stream.indirect.gather [hbm4b:s1+s18], $0x80, s18, s18, $0xb8;
	[tilespmem:$0x1F7C0] =	vst v63  }
0x53: {  	_ =	swait.ge [sflag:s21], $0x3800  }
0x54: {  	[sflag:s21] =	ssyncset.done $0x0  }
0x55: {  	[sflag:s21] =	ssyncadd.s32 $0xFFFFC800  }
0x56: {  	[spmem:s3] =	stream.indirect.scatter.add.f32 [tilespmem:s20], [sflag:$0x4], $0x80, s22, s18, $0xb8;
	[tilespmem:$0x1F7C0] =	vst v63  }
0x57: {  	_ =	swait.ge [sflag:s23], $0x3800  }
0x58: {  	[sflag:s23] =	ssyncset.done $0x0  }
0x59: {  	s29 =	simm.s32 $0xFFFF6980;
	[sflag:s23] =	ssyncadd.s32 $0xFFFFC800  }
0x5a: {  	[tilespmem:s17], [sflag:$0x1] =	stream.indirect.gather [hbm4b:s1+s18], $0x80, s24, s18, $0xb8;
	[tilespmem:$0x1F7C0] =	vst v63  }
.LBB2_4:
0x5b: {  	_ =	swait.ge [sflag:s19], $0x3800  }
0x5c: {  	s30 =	sshra.s32 s29, $0x2;
	[sflag:s19] =	ssyncset.done $0x0  }
0x5d: {  	s31 =	sadd.s32 $0x4DE0, s30;
	[sflag:s19] =	ssyncadd.s32 $0xFFFFC800  }
0x5e: {  	[spmem:s3] =	stream.indirect.scatter.add.f32 [tilespmem:s17], [sflag:$0x3], $0x80, s31, s18, $0xb8;
	[tilespmem:$0x1F7C0] =	vst v63  }
0x5f: {  	_ =	swait.ge [sflag:s26], $0x3800  }
0x60: {  	[sflag:s26] =	ssyncset.done $0x0  }
0x61: {  	s31 =	sadd.s32 $0x26F0, s30;
	[sflag:s26] =	ssyncadd.s32 $0xFFFFC800  }
0x62: {  	[tilespmem:s20], [sflag:$0x2] =	stream.indirect.gather [hbm4b:s1+s18], $0x80, s31, s18, $0xb8;
	[tilespmem:$0x1F7C0] =	vst v63  }
0x63: {  	_ =	swait.ge [sflag:s21], $0x3800  }
0x64: {  	p0 =	seq.s32 s29, $0x0;
	[sflag:s21] =	ssyncset.done $0x0  }
.Ltmp3:
0x65: {  	s31 =	sadd.s32 $0x4E50, s30;
	[sflag:s21] =	ssyncadd.s32 $0xFFFFC800;
	(pc) =	sbr.rel @p0 .LBB2_6-.Ltmp3, $4  }
0x66: {  	[spmem:s3] =	stream.indirect.scatter.add.f32 [tilespmem:s20], [sflag:$0x4], $0x80, s31, s18, $0xb8;
	[tilespmem:$0x1F7C0] =	vst v63  }
0x67: {  	_ =	swait.ge [sflag:s23], $0x3800  }
0x68: {  	[sflag:s23] =	ssyncset.done $0x0  }
0x69: {  	[sflag:s23] =	ssyncadd.s32 $0xFFFFC800  }
.Ltmp4:
0x6a: {  	(pc) =	sbr.rel .LBB2_4-.Ltmp4, $3  }
0x6b: {  	_ =	sdelay $0x1  }
0x6c: {  	s30 =	sadd.s32 $0x2760, s30;
	s29 =	sadd.s32 $0x380, s29  }
0x6d: {  	[tilespmem:s17], [sflag:$0x1] =	stream.indirect.gather [hbm4b:s1+s18], $0x80, s30, s18, $0xb8;
	[tilespmem:$0x1F7C0] =	vst v63  }
.LBB2_7:
0x6e: {  	_ =	sfence.sel $0x180000  }
0x6f: {  	[bflag:$0x0] =	sbarrier.arrive $0xFFFF  }
0x70: {  	p0 =	sne.s32 s2, $0x0;
	_ =	strace $0x90000047  }
0x71: {  	s0 =	sadd.s32 @!p0 $0x100000, s0;
	[bflag:$0x2] =	sbarrier.arrive $0xFFFF  }
0x72: {  	[sflag:s0] =	ssyncadd.tile.s32 @!p0 $0x1;
	_ =	shalt  }
.Lfunc_end2:
_tile_overlayer_lowered:
.L_overlay_start_2:
0x73: {  	(tag) =	ssettag $0x2  }
0x74: {  	s0 =	rddreg [dreg:$0x0];
	s2 =	stileid.u32  }
0x75: {  	s1 =	rddreg [dreg:$0x1];
	p0 =	sne.s32 s2, $0x0  }
0x76: {  	s3 =	rddreg [dreg:$0x2];
	[bflag:$0x3] =	sbarrier.arrive $0xFFFF;
	s2 =	simm.s32 @!p0 $0x1C05  }
0x77: {  	[timem:s3], [sflag:s2] =	dma.local @!p0 [hbm:s0], s1  }
0x78: {  	s0 =	simm.s32 @!p0 $0x5  }
0x79: {  	_ =	swait.ge @!p0 [sflag:s0], s1  }
0x7a: {  	s1 =	ssub.s32 @!p0 $0x0, s1;
	[sflag:s0] =	ssyncset.done @!p0 $0x0  }
0x7b: {  	[sflag:s0] =	ssyncadd.s32 @!p0 s1  }
0x7c: {  	[bflag:$0x3] =	sbarrier.arrive $0xFFFF  }
0x7d: {  	_ =	shalt  }

</sc_bundles>
